<compile_context>
chip_gen: v7x
topology: tpu7x:2x2x1
jax: 0.10.2.dev20260603
libtpu: 0.0.44.dev20260713+nightly
codegen_flags: <defaults>
</compile_context>

<pallas_src>
import dataclasses
import functools

import jax
import jax.numpy as jnp
from jax import lax
from jax.experimental import pallas as pl
from jax.experimental.pallas import tpu as pltpu
from jax.experimental.pallas import tpu_sc as plsc

_SIGMA1 = 0.5
_SIGMA2 = 0.5

_B, _C, _H, _W = 8, 256, 128, 128
_NTILES = 32
_GRP = _NTILES // _B
_CPT = _C // _GRP
_HPT = _H // _GRP


def _compiler_params():
    cp = pltpu.CompilerParams()
    if "needs_layout_passes" in pltpu.CompilerParams.__dataclass_fields__:
        cp = dataclasses.replace(cp, needs_layout_passes=False)
    return cp


@functools.cache
def _presence_kernel():
    mesh = plsc.VectorSubcoreMesh(core_axis_name="c", subcore_axis_name="s")

    @functools.partial(
        pl.kernel,
        mesh=mesh,
        out_type=jax.ShapeDtypeStruct((_NTILES, 256), jnp.int32),
        scratch_types=[
            pltpu.VMEM((_HPT, _W), jnp.int32),
            pltpu.VMEM((256,), jnp.int32),
        ],
        compiler_params=_compiler_params(),
    )
    def k(sa_hbm, out_hbm, sa_v, bins):
        wid = lax.axis_index("s") * 2 + lax.axis_index("c")
        bat = wid // _GRP
        q = wid % _GRP
        pltpu.sync_copy(sa_hbm.at[bat, pl.ds(q * _HPT, _HPT)], sa_v)

        @pl.loop(0, 256, step=16)
        def _zero(i):
            bins[pl.ds(i, 16)] = jnp.zeros((16,), jnp.int32)

        ones = jnp.ones((16,), jnp.int32)

        @pl.loop(0, _HPT)
        def _row(r):
            for c8 in range(_W // 16):
                idx = sa_v[r, pl.ds(c8 * 16, 16)]
                plsc.store_scatter(bins, [idx], ones)

        pltpu.sync_copy(bins, out_hbm.at[wid])

    return k


def _slot_noises(slot_assign):
    key = jax.random.key(42)
    ka, kb, kc = jax.random.split(key, 3)
    tile_bins = _presence_kernel()(slot_assign)
    present = jnp.sum(tile_bins, axis=0) > 0
    n_assigned = jnp.sum(present).astype(jnp.int32)
    pos = jnp.cumsum(present) - 1
    iot = jnp.arange(256, dtype=jnp.int32)
    assigned_pad = (jnp.zeros((256,), jnp.int32)
                    .at[jnp.where(present, pos, 256)]
                    .set(iot, mode="drop"))

    def _make_branch(n):
        def _branch(assigned_full):
            assigned = assigned_full[:n]
            num_aug = int(0.75 * n)
            perm = jax.random.permutation(ka, assigned)
            augment = perm[:num_aug]
            return jnp.zeros((256,), dtype=bool).at[augment].set(True)
        return _branch

    branches = [_make_branch(n) for n in range(1, 257)]
    mask = jax.lax.switch(n_assigned - 1, branches, assigned_pad)
    alpha_rand = 1.0 + _SIGMA1 * jax.random.normal(kb, (256, 256), dtype=jnp.float32)
    beta_rand = _SIGMA2 * jax.random.normal(kc, (256, 256), dtype=jnp.float32)
    alpha = jnp.where(mask[:, None], alpha_rand, jnp.float32(1.0))
    beta = jnp.where(mask[:, None], beta_rand, jnp.float32(0.0))
    return alpha, beta


@functools.cache
def _sc_affine_kernel():
    mesh = plsc.VectorSubcoreMesh(core_axis_name="c", subcore_axis_name="s")

    @functools.partial(
        pl.kernel,
        mesh=mesh,
        out_type=jax.ShapeDtypeStruct((_B, _C, _H, _W), jnp.float32),
        scratch_types=[
            pltpu.VMEM((_H, _W), jnp.int32),
            pltpu.VMEM((_CPT * 256,), jnp.int32),
            pltpu.VMEM((_H, _W), jnp.float32),
            pltpu.VMEM((_H, _W), jnp.float32),
            pltpu.VMEM((_H, _W), jnp.float32),
            pltpu.VMEM((_H, _W), jnp.float32),
            pltpu.SemaphoreType.DMA,
            pltpu.SemaphoreType.DMA,
            pltpu.SemaphoreType.DMA,
            pltpu.SemaphoreType.DMA,
        ],
        compiler_params=_compiler_params(),
    )
    def k(x_hbm, sa_hbm, ab_hbm, out_hbm,
          sa_v, ab_v, in0, in1, out0, out1, is0, is1, os0, os1):
        wid = lax.axis_index("s") * 2 + lax.axis_index("c")
        bat = wid // _GRP
        q = wid % _GRP
        c0 = q * _CPT
        pltpu.sync_copy(sa_hbm.at[bat], sa_v)
        pltpu.sync_copy(ab_hbm.at[pl.ds(q * _CPT * 256, _CPT * 256)], ab_v)

        ins = (in0, in1)
        outs = (out0, out1)
        isems = (is0, is1)
        osems = (os0, os1)

        pltpu.async_copy(x_hbm.at[bat, c0 + 0], in0, is0)
        pltpu.async_copy(x_hbm.at[bat, c0 + 1], in1, is1)

        @pl.loop(0, _CPT, step=2)
        def _chan(g):
            for j in range(2):
                cl = g + j
                ch = c0 + cl
                pltpu.make_async_copy(x_hbm.at[bat, ch], ins[j], isems[j]).wait()

                @pl.when(g > 0)
                def _():
                    pltpu.make_async_copy(
                        outs[j], out_hbm.at[bat, ch - 2], osems[j]).wait()

                coff = cl * 256
                xin, xout = ins[j], outs[j]

                @plsc.parallel_loop(0, _H, 1, unroll=2)
                def _row(r):
                    for c8 in range(_W // 16):
                        sl = pl.ds(c8 * 16, 16)
                        idx = sa_v[r, sl] + coff
                        g = plsc.load_gather(ab_v, [idx])
                        av = plsc.bitcast(g & jnp.int32(-65536), jnp.float32)
                        bv = plsc.bitcast(g << 16, jnp.float32)
                        xout[r, sl] = av * xin[r, sl] + bv

                pltpu.async_copy(xout, out_hbm.at[bat, ch], osems[j])

                @pl.when(g + 2 < _CPT)
                def _():
                    pltpu.async_copy(x_hbm.at[bat, ch + 2], ins[j], isems[j])

        pltpu.make_async_copy(out0, out_hbm.at[bat, c0 + _CPT - 2], os0).wait()
        pltpu.make_async_copy(out1, out_hbm.at[bat, c0 + _CPT - 1], os1).wait()

    return k


def kernel(x, slot_assign):
    alpha, beta = _slot_noises(slot_assign)
    a16 = lax.bitcast_convert_type(
        alpha.T.astype(jnp.bfloat16), jnp.uint16).astype(jnp.uint32)
    b16 = lax.bitcast_convert_type(
        beta.T.astype(jnp.bfloat16), jnp.uint16).astype(jnp.uint32)
    ab = lax.bitcast_convert_type((a16 << 16) | b16, jnp.int32).reshape(-1)
    return _sc_affine_kernel()(x, slot_assign, ab)

# --- scband reference (transcript-rebuilt; emitter-appended) ---
"""Pipeline reference for scband-simple-fa-select-aug-82910048682190 (READ-ONLY COPY).

The authoritative reference and input builder live on the scoring server;
editing this copy changes nothing except your own understanding.
"""

import jax, jax.numpy as jnp
import numpy as np

SIGMA1 = 0.5
SIGMA2 = 0.5


def setup_inputs(seed: int = 0) -> dict:
    key = jax.random.key(seed)
    k1, k2 = jax.random.split(key)
    x = jax.random.normal(k1, (8, 256, 128, 128), dtype=jnp.float32)
    slot_assign = jax.random.randint(k2, (8, 128, 128), 0, 256, dtype=jnp.int32)
    return {"x": x, "slot_assign": slot_assign}


def _build_slot_noises(slot_assign):
    # deterministic stand-in for random.sample / torch.normal in the torch module
    key = jax.random.key(42)
    ka, kb, kc = jax.random.split(key, 3)
    sa_flat = slot_assign.reshape(-1)
    present = jnp.zeros((256,), dtype=bool).at[sa_flat].set(True)
    n_assigned = jnp.sum(present).astype(jnp.int32)
    assigned_pad = jnp.unique(sa_flat, size=256, fill_value=0)  # get_assigned_slots

    def _make_branch(n):
        def _branch(assigned_full):
            assigned = assigned_full[:n]
            num_aug = int(0.75 * n)                     # select_slots_to_augment
            perm = jax.random.permutation(ka, assigned)
            augment = perm[:num_aug]
            return jnp.zeros((256,), dtype=bool).at[augment].set(True)
        return _branch

    branches = [_make_branch(n) for n in range(1, 257)]
    mask = jax.lax.switch(n_assigned - 1, branches, assigned_pad)
    alpha_rand = 1.0 + SIGMA1 * jax.random.normal(kb, (256, 256), dtype=jnp.float32)
    beta_rand = SIGMA2 * jax.random.normal(kc, (256, 256), dtype=jnp.float32)
    alpha = jnp.where(mask[:, None], alpha_rand, jnp.float32(1.0))
    beta = jnp.where(mask[:, None], beta_rand, jnp.float32(0.0))
    return alpha, beta


def reference(x, slot_assign):
    alpha, beta = _build_slot_noises(slot_assign)
    b, c, h, w = x.shape
    sa_flat = slot_assign.reshape(-1)
    x_flat = jnp.transpose(x, (0, 2, 3, 1)).reshape(-1, c)
    alpha_assigned = jnp.take(alpha, sa_flat, axis=0)   # per-pixel gather from slot table
    beta_assigned = jnp.take(beta, sa_flat, axis=0)
    x_aug_flat = alpha_assigned * x_flat + beta_assigned
    x_aug = jnp.transpose(x_aug_flat.reshape(b, h, w, c), (0, 3, 1, 2))
    return x_aug

if __name__ == "__main__":
    import jax
    _d = setup_inputs()
    print(jax.jit(kernel)(*tuple(_d.values())))

</pallas_src>

<mosaic_0001>
#map = affine_map<(d0, d1) -> (0, 0, 0)>
#map1 = affine_map<(d0, d1) -> (0, 0)>
module attributes {stable_mosaic.version = 14 : i64} {
  func.func @k(%arg0: i32, %arg1: i32, %arg2: memref<8x128x128xi32, #tpu.memory_space<hbm>>, %arg3: memref<32x256xi32, #tpu.memory_space<hbm>>, %arg4: memref<32x128xi32, #tpu.memory_space<vmem>>, %arg5: memref<256xi32, #tpu.memory_space<vmem>>) attributes {dimension_semantics = [#tpu.dimension_semantics<core_parallel>, #tpu.dimension_semantics<subcore_parallel>], iteration_bounds = array<i64: 2, 16>, scalar_prefetch = 0 : i64, scratch_operands = 2 : i64, tpu.core_type = #tpu.core_type<sc_vector_subcore>, window_params = [{transform_indices = #map}, {transform_indices = #map1}]} {
    %mul3A = arith.constant 2 : i32
    %mul3A_0 = arith.muli %arg1, %mul3A : i32
    %add3A = arith.addi %mul3A_0, %arg0 : i32
    %jit3A = arith.constant 4 : i32
    %div3A = arith.divsi %add3A, %jit3A : i32
    %sign3A = arith.constant 0 : i32
    %sign3A_1 = arith.cmpi sgt, %add3A, %sign3A : i32
    %sign3A_2 = arith.extui %sign3A_1 : i1 to i32
    %sign3A_3 = arith.constant 0 : i32
    %sign3A_4 = arith.cmpi slt, %add3A, %sign3A_3 : i32
    %sign3A_5 = arith.extui %sign3A_4 : i1 to i32
    %sign3A_6 = arith.subi %sign3A_2, %sign3A_5 : i32
    %sign3A_7 = arith.constant 0 : i32
    %sign3A_8 = arith.cmpi sgt, %jit3A, %sign3A_7 : i32
    %sign3A_9 = arith.extui %sign3A_8 : i1 to i32
    %sign3A_10 = arith.constant 0 : i32
    %sign3A_11 = arith.cmpi slt, %jit3A, %sign3A_10 : i32
    %sign3A_12 = arith.extui %sign3A_11 : i1 to i32
    %sign3A_13 = arith.subi %sign3A_9, %sign3A_12 : i32
    %ne3A = arith.cmpi ne, %sign3A_6, %sign3A_13 : i32
    %rem3A = arith.remsi %add3A, %jit3A : i32
    %ne3A_14 = arith.constant 0 : i32
    %ne3A_15 = arith.cmpi ne, %rem3A, %ne3A_14 : i32
    %and3A = arith.andi %ne3A, %ne3A_15 : i1
    %sub3A = arith.constant 1 : i32
    %sub3A_16 = arith.subi %div3A, %sub3A : i32
    %select_n3A = arith.select %and3A, %sub3A_16, %div3A : i32
    %jit3A_17 = arith.constant 4 : i32
    %eq3A = arith.constant 0 : i32
    %eq3A_18 = arith.cmpi eq, %jit3A_17, %eq3A : i32
    %jit3A_19 = arith.constant 1 : i32
    %select_n3A_20 = arith.select %eq3A_18, %jit3A_19, %jit3A_17 : i32
    %rem3A_21 = arith.remsi %add3A, %select_n3A_20 : i32
    %ne3A_22 = arith.constant 0 : i32
    %ne3A_23 = arith.cmpi ne, %rem3A_21, %ne3A_22 : i32
    %lt3A = arith.constant 0 : i32
    %lt3A_24 = arith.cmpi slt, %rem3A_21, %lt3A : i32
    %lt3A_25 = arith.constant 0 : i32
    %lt3A_26 = arith.cmpi slt, %select_n3A_20, %lt3A_25 : i32
    %ne3A_27 = arith.xori %lt3A_24, %lt3A_26 : i1
    %and3A_28 = arith.andi %ne3A_27, %ne3A_23 : i1
    %add3A_29 = arith.addi %rem3A_21, %select_n3A_20 : i32
    %select_n3A_30 = arith.select %and3A_28, %add3A_29, %rem3A_21 : i32
    %mul3A_31 = arith.constant 32 : i32
    %mul3A_32 = arith.muli %select_n3A_30, %mul3A_31 : i32
    "tpu.region"() ({
      %run_scoped3A = tpu.sem_alloc : memref<!tpu.dma_semaphore, #tpu.memory_space<semaphore_mem>>
      %dma_start3A = arith.constant 0 : i32
      %dma_start3A_43 = tpu.memref_slice %arg2[%select_n3A, %mul3A_32, %dma_start3A] : memref<8x128x128xi32, #tpu.memory_space<hbm>> -> memref<1x32x128xi32, #tpu.memory_space<hbm>>
      %dma_start3A_44 = tpu.memref_squeeze %dma_start3A_43 : memref<1x32x128xi32, #tpu.memory_space<hbm>> -> memref<32x128xi32, #tpu.memory_space<hbm>>
      %dma_start3A_45 = arith.constant 0 : i32
      %dma_start3A_46 = tpu.memref_slice %arg2[%select_n3A, %mul3A_32, %dma_start3A_45] : memref<8x128x128xi32, #tpu.memory_space<hbm>> -> memref<1x32x128xi32, #tpu.memory_space<hbm>>
      %dma_start3A_47 = tpu.memref_squeeze %dma_start3A_46 : memref<1x32x128xi32, #tpu.memory_space<hbm>> -> memref<32x128xi32, #tpu.memory_space<hbm>>
      tpu.enqueue_dma source(%dma_start3A_47 : memref<32x128xi32, #tpu.memory_space<hbm>>) target(%arg4 : memref<32x128xi32, #tpu.memory_space<vmem>>) target_semaphore(%run_scoped3A : memref<!tpu.dma_semaphore, #tpu.memory_space<semaphore_mem>>)
      %dma_wait3A = arith.constant 0 : i32
      %dma_wait3A_48 = tpu.memref_slice %arg2[%select_n3A, %mul3A_32, %dma_wait3A] : memref<8x128x128xi32, #tpu.memory_space<hbm>> -> memref<1x32x128xi32, #tpu.memory_space<hbm>>
      %dma_wait3A_49 = tpu.memref_squeeze %dma_wait3A_48 : memref<1x32x128xi32, #tpu.memory_space<hbm>> -> memref<32x128xi32, #tpu.memory_space<hbm>>
      %dma_wait3A_50 = arith.constant 0 : i32
      %dma_wait3A_51 = tpu.memref_slice %arg2[%select_n3A, %mul3A_32, %dma_wait3A_50] : memref<8x128x128xi32, #tpu.memory_space<hbm>> -> memref<1x32x128xi32, #tpu.memory_space<hbm>>
      %dma_wait3A_52 = tpu.memref_squeeze %dma_wait3A_51 : memref<1x32x128xi32, #tpu.memory_space<hbm>> -> memref<32x128xi32, #tpu.memory_space<hbm>>
      tpu.wait_dma2 semaphore(%run_scoped3A : memref<!tpu.dma_semaphore, #tpu.memory_space<semaphore_mem>>) src(%dma_wait3A_52 : memref<32x128xi32, #tpu.memory_space<hbm>>) dst(%arg4 : memref<32x128xi32, #tpu.memory_space<vmem>>)
      tpu.yield
    }) : () -> ()
    %scan3A = arith.constant 0 : i32
    %scan3A_33 = arith.constant 16 : i32
    %scan3A_34 = arith.addi %scan3A, %scan3A_33 : i32
    %scan3A_35 = arith.constant 1 : i32
    scf.for %scan3A_43 = %scan3A to %scan3A_34 step %scan3A_35  : i32 {
      %mul3A_44 = arith.constant 16 : i32
      %mul3A_45 = arith.muli %scan3A_43, %mul3A_44 : i32
      %add3A_46 = arith.constant 0 : i32
      %add3A_47 = arith.addi %add3A_46, %mul3A_45 : i32
      %broadcast_in_dim3A_48 = arith.constant 0 : i32
      %broadcast_in_dim3A_49 = vector.broadcast %broadcast_in_dim3A_48 : i32 to vector<16xi32>
      %swap3A = arith.index_cast %add3A_47 : i32 to index
      %swap3A_50 = tpu.vector_load %arg5[%swap3A] {strides = array<i32>} : memref<256xi32, #tpu.memory_space<vmem>>, vector<16xi32>,
      tpu.vector_store %arg5[%swap3A], %broadcast_in_dim3A_49 {strides = array<i32>} : memref<256xi32, #tpu.memory_space<vmem>>, vector<16xi32>,
    }
    %scan3A_36 = arith.constant 16 : i32
    %broadcast_in_dim3A = arith.constant 1 : i32
    %broadcast_in_dim3A_37 = vector.broadcast %broadcast_in_dim3A : i32 to vector<16xi32>
    %scan3A_38 = arith.constant 0 : i32
    %scan3A_39 = arith.constant 32 : i32
    %scan3A_40 = arith.addi %scan3A_38, %scan3A_39 : i32
    %scan3A_41 = arith.constant 1 : i32
    scf.for %scan3A_43 = %scan3A_38 to %scan3A_40 step %scan3A_41  : i32 {
      %mul3A_44 = arith.constant 1 : i32
      %mul3A_45 = arith.muli %scan3A_43, %mul3A_44 : i32
      %add3A_46 = arith.constant 0 : i32
      %add3A_47 = arith.addi %add3A_46, %mul3A_45 : i32
      %get3A = arith.index_cast %add3A_47 : i32 to index
      %get3A_48 = arith.constant 0 : index
      %get3A_49 = tpu.vector_load %arg4[%get3A, %get3A_48] {strides = array<i32>} : memref<32x128xi32, #tpu.memory_space<vmem>>, vector<16xi32>,
      tpu.vector_store_idx %arg5[%get3A_49], %broadcast_in_dim3A_37 : memref<256xi32, #tpu.memory_space<vmem>>[vector<16xi32>], vector<16xi32>,
      %get3A_50 = arith.index_cast %add3A_47 : i32 to index
      %get3A_51 = arith.constant 16 : index
      %get3A_52 = tpu.vector_load %arg4[%get3A_50, %get3A_51] {strides = array<i32>} : memref<32x128xi32, #tpu.memory_space<vmem>>, vector<16xi32>,
      tpu.vector_store_idx %arg5[%get3A_52], %broadcast_in_dim3A_37 : memref<256xi32, #tpu.memory_space<vmem>>[vector<16xi32>], vector<16xi32>,
      %get3A_53 = arith.index_cast %add3A_47 : i32 to index
      %get3A_54 = arith.constant 32 : index
      %get3A_55 = tpu.vector_load %arg4[%get3A_53, %get3A_54] {strides = array<i32>} : memref<32x128xi32, #tpu.memory_space<vmem>>, vector<16xi32>,
      tpu.vector_store_idx %arg5[%get3A_55], %broadcast_in_dim3A_37 : memref<256xi32, #tpu.memory_space<vmem>>[vector<16xi32>], vector<16xi32>,
      %get3A_56 = arith.index_cast %add3A_47 : i32 to index
      %get3A_57 = arith.constant 48 : index
      %get3A_58 = tpu.vector_load %arg4[%get3A_56, %get3A_57] {strides = array<i32>} : memref<32x128xi32, #tpu.memory_space<vmem>>, vector<16xi32>,
      tpu.vector_store_idx %arg5[%get3A_58], %broadcast_in_dim3A_37 : memref<256xi32, #tpu.memory_space<vmem>>[vector<16xi32>], vector<16xi32>,
      %get3A_59 = arith.index_cast %add3A_47 : i32 to index
      %get3A_60 = arith.constant 64 : index
      %get3A_61 = tpu.vector_load %arg4[%get3A_59, %get3A_60] {strides = array<i32>} : memref<32x128xi32, #tpu.memory_space<vmem>>, vector<16xi32>,
      tpu.vector_store_idx %arg5[%get3A_61], %broadcast_in_dim3A_37 : memref<256xi32, #tpu.memory_space<vmem>>[vector<16xi32>], vector<16xi32>,
      %get3A_62 = arith.index_cast %add3A_47 : i32 to index
      %get3A_63 = arith.constant 80 : index
      %get3A_64 = tpu.vector_load %arg4[%get3A_62, %get3A_63] {strides = array<i32>} : memref<32x128xi32, #tpu.memory_space<vmem>>, vector<16xi32>,
      tpu.vector_store_idx %arg5[%get3A_64], %broadcast_in_dim3A_37 : memref<256xi32, #tpu.memory_space<vmem>>[vector<16xi32>], vector<16xi32>,
      %get3A_65 = arith.index_cast %add3A_47 : i32 to index
      %get3A_66 = arith.constant 96 : index
      %get3A_67 = tpu.vector_load %arg4[%get3A_65, %get3A_66] {strides = array<i32>} : memref<32x128xi32, #tpu.memory_space<vmem>>, vector<16xi32>,
      tpu.vector_store_idx %arg5[%get3A_67], %broadcast_in_dim3A_37 : memref<256xi32, #tpu.memory_space<vmem>>[vector<16xi32>], vector<16xi32>,
      %get3A_68 = arith.index_cast %add3A_47 : i32 to index
      %get3A_69 = arith.constant 112 : index
      %get3A_70 = tpu.vector_load %arg4[%get3A_68, %get3A_69] {strides = array<i32>} : memref<32x128xi32, #tpu.memory_space<vmem>>, vector<16xi32>,
      tpu.vector_store_idx %arg5[%get3A_70], %broadcast_in_dim3A_37 : memref<256xi32, #tpu.memory_space<vmem>>[vector<16xi32>], vector<16xi32>,
    }
    %scan3A_42 = arith.constant 32 : i32
    "tpu.region"() ({
      %run_scoped3A = tpu.sem_alloc : memref<!tpu.dma_semaphore, #tpu.memory_space<semaphore_mem>>
      %dma_start3A = arith.constant 0 : i32
      %dma_start3A_43 = tpu.memref_slice %arg3[%add3A, %dma_start3A] : memref<32x256xi32, #tpu.memory_space<hbm>> -> memref<1x256xi32, #tpu.memory_space<hbm>>
      %dma_start3A_44 = tpu.memref_squeeze %dma_start3A_43 : memref<1x256xi32, #tpu.memory_space<hbm>> -> memref<256xi32, #tpu.memory_space<hbm>>
      %dma_start3A_45 = arith.constant 0 : i32
      %dma_start3A_46 = tpu.memref_slice %arg3[%add3A, %dma_start3A_45] : memref<32x256xi32, #tpu.memory_space<hbm>> -> memref<1x256xi32, #tpu.memory_space<hbm>>
      %dma_start3A_47 = tpu.memref_squeeze %dma_start3A_46 : memref<1x256xi32, #tpu.memory_space<hbm>> -> memref<256xi32, #tpu.memory_space<hbm>>
      tpu.enqueue_dma source(%arg5 : memref<256xi32, #tpu.memory_space<vmem>>) target(%dma_start3A_47 : memref<256xi32, #tpu.memory_space<hbm>>) target_semaphore(%run_scoped3A : memref<!tpu.dma_semaphore, #tpu.memory_space<semaphore_mem>>)
      %dma_wait3A = arith.constant 0 : i32
      %dma_wait3A_48 = tpu.memref_slice %arg3[%add3A, %dma_wait3A] : memref<32x256xi32, #tpu.memory_space<hbm>> -> memref<1x256xi32, #tpu.memory_space<hbm>>
      %dma_wait3A_49 = tpu.memref_squeeze %dma_wait3A_48 : memref<1x256xi32, #tpu.memory_space<hbm>> -> memref<256xi32, #tpu.memory_space<hbm>>
      %dma_wait3A_50 = arith.constant 0 : i32
      %dma_wait3A_51 = tpu.memref_slice %arg3[%add3A, %dma_wait3A_50] : memref<32x256xi32, #tpu.memory_space<hbm>> -> memref<1x256xi32, #tpu.memory_space<hbm>>
      %dma_wait3A_52 = tpu.memref_squeeze %dma_wait3A_51 : memref<1x256xi32, #tpu.memory_space<hbm>> -> memref<256xi32, #tpu.memory_space<hbm>>
      tpu.wait_dma2 semaphore(%run_scoped3A : memref<!tpu.dma_semaphore, #tpu.memory_space<semaphore_mem>>) src(%arg5 : memref<256xi32, #tpu.memory_space<vmem>>) dst(%dma_wait3A_52 : memref<256xi32, #tpu.memory_space<hbm>>)
      tpu.yield
    }) : () -> ()
    return
  }
}

#map = affine_map<(d0, d1) -> (0, 0, 0, 0)>
#map1 = affine_map<(d0, d1) -> (0, 0, 0)>
#map2 = affine_map<(d0, d1) -> (0)>
module attributes {stable_mosaic.version = 14 : i64} {
  func.func @k(%arg0: i32, %arg1: i32, %arg2: memref<8x256x128x128xf32, #tpu.memory_space<hbm>>, %arg3: memref<8x128x128xi32, #tpu.memory_space<hbm>>, %arg4: memref<65536xi32, #tpu.memory_space<hbm>>, %arg5: memref<8x256x128x128xf32, #tpu.memory_space<hbm>>, %arg6: memref<128x128xi32, #tpu.memory_space<vmem>>, %arg7: memref<16384xi32, #tpu.memory_space<vmem>>, %arg8: memref<128x128xf32, #tpu.memory_space<vmem>>, %arg9: memref<128x128xf32, #tpu.memory_space<vmem>>, %arg10: memref<128x128xf32, #tpu.memory_space<vmem>>, %arg11: memref<128x128xf32, #tpu.memory_space<vmem>>, %arg12: memref<!tpu.dma_semaphore, #tpu.memory_space<semaphore_mem>>, %arg13: memref<!tpu.dma_semaphore, #tpu.memory_space<semaphore_mem>>, %arg14: memref<!tpu.dma_semaphore, #tpu.memory_space<semaphore_mem>>, %arg15: memref<!tpu.dma_semaphore, #tpu.memory_space<semaphore_mem>>) attributes {dimension_semantics = [#tpu.dimension_semantics<core_parallel>, #tpu.dimension_semantics<subcore_parallel>], iteration_bounds = array<i64: 2, 16>, scalar_prefetch = 0 : i64, scratch_operands = 10 : i64, tpu.core_type = #tpu.core_type<sc_vector_subcore>, window_params = [{transform_indices = #map}, {transform_indices = #map1}, {transform_indices = #map2}, {transform_indices = #map}]} {
    %mul3A = arith.constant 2 : i32
    %mul3A_0 = arith.muli %arg1, %mul3A : i32
    %add3A = arith.addi %mul3A_0, %arg0 : i32
    %jit3A = arith.constant 4 : i32
    %div3A = arith.divsi %add3A, %jit3A : i32
    %sign3A = arith.constant 0 : i32
    %sign3A_1 = arith.cmpi sgt, %add3A, %sign3A : i32
    %sign3A_2 = arith.extui %sign3A_1 : i1 to i32
    %sign3A_3 = arith.constant 0 : i32
    %sign3A_4 = arith.cmpi slt, %add3A, %sign3A_3 : i32
    %sign3A_5 = arith.extui %sign3A_4 : i1 to i32
    %sign3A_6 = arith.subi %sign3A_2, %sign3A_5 : i32
    %sign3A_7 = arith.constant 0 : i32
    %sign3A_8 = arith.cmpi sgt, %jit3A, %sign3A_7 : i32
    %sign3A_9 = arith.extui %sign3A_8 : i1 to i32
    %sign3A_10 = arith.constant 0 : i32
    %sign3A_11 = arith.cmpi slt, %jit3A, %sign3A_10 : i32
    %sign3A_12 = arith.extui %sign3A_11 : i1 to i32
    %sign3A_13 = arith.subi %sign3A_9, %sign3A_12 : i32
    %ne3A = arith.cmpi ne, %sign3A_6, %sign3A_13 : i32
    %rem3A = arith.remsi %add3A, %jit3A : i32
    %ne3A_14 = arith.constant 0 : i32
    %ne3A_15 = arith.cmpi ne, %rem3A, %ne3A_14 : i32
    %and3A = arith.andi %ne3A, %ne3A_15 : i1
    %sub3A = arith.constant 1 : i32
    %sub3A_16 = arith.subi %div3A, %sub3A : i32
    %select_n3A = arith.select %and3A, %sub3A_16, %div3A : i32
    %jit3A_17 = arith.constant 4 : i32
    %eq3A = arith.constant 0 : i32
    %eq3A_18 = arith.cmpi eq, %jit3A_17, %eq3A : i32
    %jit3A_19 = arith.constant 1 : i32
    %select_n3A_20 = arith.select %eq3A_18, %jit3A_19, %jit3A_17 : i32
    %rem3A_21 = arith.remsi %add3A, %select_n3A_20 : i32
    %ne3A_22 = arith.constant 0 : i32
    %ne3A_23 = arith.cmpi ne, %rem3A_21, %ne3A_22 : i32
    %lt3A = arith.constant 0 : i32
    %lt3A_24 = arith.cmpi slt, %rem3A_21, %lt3A : i32
    %lt3A_25 = arith.constant 0 : i32
    %lt3A_26 = arith.cmpi slt, %select_n3A_20, %lt3A_25 : i32
    %ne3A_27 = arith.xori %lt3A_24, %lt3A_26 : i1
    %and3A_28 = arith.andi %ne3A_27, %ne3A_23 : i1
    %add3A_29 = arith.addi %rem3A_21, %select_n3A_20 : i32
    %select_n3A_30 = arith.select %and3A_28, %add3A_29, %rem3A_21 : i32
    %mul3A_31 = arith.constant 64 : i32
    %mul3A_32 = arith.muli %select_n3A_30, %mul3A_31 : i32
    "tpu.region"() ({
      %run_scoped3A = tpu.sem_alloc : memref<!tpu.dma_semaphore, #tpu.memory_space<semaphore_mem>>
      %dma_start3A_83 = arith.constant 0 : i32
      %dma_start3A_84 = arith.constant 0 : i32
      %dma_start3A_85 = tpu.memref_slice %arg3[%select_n3A, %dma_start3A_83, %dma_start3A_84] : memref<8x128x128xi32, #tpu.memory_space<hbm>> -> memref<1x128x128xi32, #tpu.memory_space<hbm>>
      %dma_start3A_86 = tpu.memref_squeeze %dma_start3A_85 : memref<1x128x128xi32, #tpu.memory_space<hbm>> -> memref<128x128xi32, #tpu.memory_space<hbm>>
      %dma_start3A_87 = arith.constant 0 : i32
      %dma_start3A_88 = arith.constant 0 : i32
      %dma_start3A_89 = tpu.memref_slice %arg3[%select_n3A, %dma_start3A_87, %dma_start3A_88] : memref<8x128x128xi32, #tpu.memory_space<hbm>> -> memref<1x128x128xi32, #tpu.memory_space<hbm>>
      %dma_start3A_90 = tpu.memref_squeeze %dma_start3A_89 : memref<1x128x128xi32, #tpu.memory_space<hbm>> -> memref<128x128xi32, #tpu.memory_space<hbm>>
      tpu.enqueue_dma source(%dma_start3A_90 : memref<128x128xi32, #tpu.memory_space<hbm>>) target(%arg6 : memref<128x128xi32, #tpu.memory_space<vmem>>) target_semaphore(%run_scoped3A : memref<!tpu.dma_semaphore, #tpu.memory_space<semaphore_mem>>)
      %dma_wait3A_91 = arith.constant 0 : i32
      %dma_wait3A_92 = arith.constant 0 : i32
      %dma_wait3A_93 = tpu.memref_slice %arg3[%select_n3A, %dma_wait3A_91, %dma_wait3A_92] : memref<8x128x128xi32, #tpu.memory_space<hbm>> -> memref<1x128x128xi32, #tpu.memory_space<hbm>>
      %dma_wait3A_94 = tpu.memref_squeeze %dma_wait3A_93 : memref<1x128x128xi32, #tpu.memory_space<hbm>> -> memref<128x128xi32, #tpu.memory_space<hbm>>
      %dma_wait3A_95 = arith.constant 0 : i32
      %dma_wait3A_96 = arith.constant 0 : i32
      %dma_wait3A_97 = tpu.memref_slice %arg3[%select_n3A, %dma_wait3A_95, %dma_wait3A_96] : memref<8x128x128xi32, #tpu.memory_space<hbm>> -> memref<1x128x128xi32, #tpu.memory_space<hbm>>
      %dma_wait3A_98 = tpu.memref_squeeze %dma_wait3A_97 : memref<1x128x128xi32, #tpu.memory_space<hbm>> -> memref<128x128xi32, #tpu.memory_space<hbm>>
      tpu.wait_dma2 semaphore(%run_scoped3A : memref<!tpu.dma_semaphore, #tpu.memory_space<semaphore_mem>>) src(%dma_wait3A_98 : memref<128x128xi32, #tpu.memory_space<hbm>>) dst(%arg6 : memref<128x128xi32, #tpu.memory_space<vmem>>)
      tpu.yield
    }) : () -> ()
    %mul3A_33 = arith.constant 64 : i32
    %mul3A_34 = arith.muli %select_n3A_30, %mul3A_33 : i32
    %mul3A_35 = arith.constant 256 : i32
    %mul3A_36 = arith.muli %mul3A_34, %mul3A_35 : i32
    "tpu.region"() ({
      %run_scoped3A = tpu.sem_alloc : memref<!tpu.dma_semaphore, #tpu.memory_space<semaphore_mem>>
      %dma_start3A_83 = tpu.memref_slice %arg4[%mul3A_36] : memref<65536xi32, #tpu.memory_space<hbm>> -> memref<16384xi32, #tpu.memory_space<hbm>>
      %dma_start3A_84 = tpu.memref_slice %arg4[%mul3A_36] : memref<65536xi32, #tpu.memory_space<hbm>> -> memref<16384xi32, #tpu.memory_space<hbm>>
      tpu.enqueue_dma source(%dma_start3A_84 : memref<16384xi32, #tpu.memory_space<hbm>>) target(%arg7 : memref<16384xi32, #tpu.memory_space<vmem>>) target_semaphore(%run_scoped3A : memref<!tpu.dma_semaphore, #tpu.memory_space<semaphore_mem>>)
      %dma_wait3A_85 = tpu.memref_slice %arg4[%mul3A_36] : memref<65536xi32, #tpu.memory_space<hbm>> -> memref<16384xi32, #tpu.memory_space<hbm>>
      %dma_wait3A_86 = tpu.memref_slice %arg4[%mul3A_36] : memref<65536xi32, #tpu.memory_space<hbm>> -> memref<16384xi32, #tpu.memory_space<hbm>>
      tpu.wait_dma2 semaphore(%run_scoped3A : memref<!tpu.dma_semaphore, #tpu.memory_space<semaphore_mem>>) src(%dma_wait3A_86 : memref<16384xi32, #tpu.memory_space<hbm>>) dst(%arg7 : memref<16384xi32, #tpu.memory_space<vmem>>)
      tpu.yield
    }) : () -> ()
    %add3A_37 = arith.constant 0 : i32
    %add3A_38 = arith.addi %mul3A_32, %add3A_37 : i32
    %dma_start3A = arith.constant 0 : i32
    %dma_start3A_39 = arith.constant 0 : i32
    %dma_start3A_40 = tpu.memref_slice %arg2[%select_n3A, %add3A_38, %dma_start3A, %dma_start3A_39] : memref<8x256x128x128xf32, #tpu.memory_space<hbm>> -> memref<1x1x128x128xf32, #tpu.memory_space<hbm>>
    %dma_start3A_41 = tpu.memref_squeeze %dma_start3A_40 : memref<1x1x128x128xf32, #tpu.memory_space<hbm>> -> memref<128x128xf32, #tpu.memory_space<hbm>>
    %dma_start3A_42 = arith.constant 0 : i32
    %dma_start3A_43 = arith.constant 0 : i32
    %dma_start3A_44 = tpu.memref_slice %arg2[%select_n3A, %add3A_38, %dma_start3A_42, %dma_start3A_43] : memref<8x256x128x128xf32, #tpu.memory_space<hbm>> -> memref<1x1x128x128xf32, #tpu.memory_space<hbm>>
    %dma_start3A_45 = tpu.memref_squeeze %dma_start3A_44 : memref<1x1x128x128xf32, #tpu.memory_space<hbm>> -> memref<128x128xf32, #tpu.memory_space<hbm>>
    tpu.enqueue_dma source(%dma_start3A_45 : memref<128x128xf32, #tpu.memory_space<hbm>>) target(%arg8 : memref<128x128xf32, #tpu.memory_space<vmem>>) target_semaphore(%arg12 : memref<!tpu.dma_semaphore, #tpu.memory_space<semaphore_mem>>)
    %add3A_46 = arith.constant 1 : i32
    %add3A_47 = arith.addi %mul3A_32, %add3A_46 : i32
    %dma_start3A_48 = arith.constant 0 : i32
    %dma_start3A_49 = arith.constant 0 : i32
    %dma_start3A_50 = tpu.memref_slice %arg2[%select_n3A, %add3A_47, %dma_start3A_48, %dma_start3A_49] : memref<8x256x128x128xf32, #tpu.memory_space<hbm>> -> memref<1x1x128x128xf32, #tpu.memory_space<hbm>>
    %dma_start3A_51 = tpu.memref_squeeze %dma_start3A_50 : memref<1x1x128x128xf32, #tpu.memory_space<hbm>> -> memref<128x128xf32, #tpu.memory_space<hbm>>
    %dma_start3A_52 = arith.constant 0 : i32
    %dma_start3A_53 = arith.constant 0 : i32
    %dma_start3A_54 = tpu.memref_slice %arg2[%select_n3A, %add3A_47, %dma_start3A_52, %dma_start3A_53] : memref<8x256x128x128xf32, #tpu.memory_space<hbm>> -> memref<1x1x128x128xf32, #tpu.memory_space<hbm>>
    %dma_start3A_55 = tpu.memref_squeeze %dma_start3A_54 : memref<1x1x128x128xf32, #tpu.memory_space<hbm>> -> memref<128x128xf32, #tpu.memory_space<hbm>>
    tpu.enqueue_dma source(%dma_start3A_55 : memref<128x128xf32, #tpu.memory_space<hbm>>) target(%arg9 : memref<128x128xf32, #tpu.memory_space<vmem>>) target_semaphore(%arg13 : memref<!tpu.dma_semaphore, #tpu.memory_space<semaphore_mem>>)
    %scan3A = arith.constant 0 : i32
    %scan3A_56 = arith.constant 32 : i32
    %scan3A_57 = arith.addi %scan3A, %scan3A_56 : i32
    %scan3A_58 = arith.constant 1 : i32
    scf.for %scan3A_83 = %scan3A to %scan3A_57 step %scan3A_58  : i32 {
      %mul3A_84 = arith.constant 2 : i32
      %mul3A_85 = arith.muli %scan3A_83, %mul3A_84 : i32
      %add3A_86 = arith.constant 0 : i32
      %add3A_87 = arith.addi %add3A_86, %mul3A_85 : i32
      %add3A_88 = arith.constant 0 : i32
      %add3A_89 = arith.addi %add3A_87, %add3A_88 : i32
      %add3A_90 = arith.addi %mul3A_32, %add3A_89 : i32
      %dma_wait3A_91 = arith.constant 0 : i32
      %dma_wait3A_92 = arith.constant 0 : i32
      %dma_wait3A_93 = tpu.memref_slice %arg2[%select_n3A, %add3A_90, %dma_wait3A_91, %dma_wait3A_92] : memref<8x256x128x128xf32, #tpu.memory_space<hbm>> -> memref<1x1x128x128xf32, #tpu.memory_space<hbm>>
      %dma_wait3A_94 = tpu.memref_squeeze %dma_wait3A_93 : memref<1x1x128x128xf32, #tpu.memory_space<hbm>> -> memref<128x128xf32, #tpu.memory_space<hbm>>
      %dma_wait3A_95 = arith.constant 0 : i32
      %dma_wait3A_96 = arith.constant 0 : i32
      %dma_wait3A_97 = tpu.memref_slice %arg2[%select_n3A, %add3A_90, %dma_wait3A_95, %dma_wait3A_96] : memref<8x256x128x128xf32, #tpu.memory_space<hbm>> -> memref<1x1x128x128xf32, #tpu.memory_space<hbm>>
      %dma_wait3A_98 = tpu.memref_squeeze %dma_wait3A_97 : memref<1x1x128x128xf32, #tpu.memory_space<hbm>> -> memref<128x128xf32, #tpu.memory_space<hbm>>
      tpu.wait_dma2 semaphore(%arg12 : memref<!tpu.dma_semaphore, #tpu.memory_space<semaphore_mem>>) src(%dma_wait3A_98 : memref<128x128xf32, #tpu.memory_space<hbm>>) dst(%arg8 : memref<128x128xf32, #tpu.memory_space<vmem>>)
      %gt3A = arith.constant 0 : i32
      %gt3A_99 = arith.cmpi sgt, %add3A_87, %gt3A : i32
      %convert_element_type3A = arith.extui %gt3A_99 : i1 to i32
      %cond3A = arith.constant 0 : i32
      %cond3A_100 = arith.cmpi ne, %convert_element_type3A, %cond3A : i32
      scf.if %cond3A_100 {
        %sub3A_156 = arith.constant 2 : i32
        %sub3A_157 = arith.subi %add3A_90, %sub3A_156 : i32
        %dma_wait3A_158 = arith.constant 0 : i32
        %dma_wait3A_159 = arith.constant 0 : i32
        %dma_wait3A_160 = tpu.memref_slice %arg5[%select_n3A, %sub3A_157, %dma_wait3A_158, %dma_wait3A_159] : memref<8x256x128x128xf32, #tpu.memory_space<hbm>> -> memref<1x1x128x128xf32, #tpu.memory_space<hbm>>
        %dma_wait3A_161 = tpu.memref_squeeze %dma_wait3A_160 : memref<1x1x128x128xf32, #tpu.memory_space<hbm>> -> memref<128x128xf32, #tpu.memory_space<hbm>>
        %dma_wait3A_162 = arith.constant 0 : i32
        %dma_wait3A_163 = arith.constant 0 : i32
        %dma_wait3A_164 = tpu.memref_slice %arg5[%select_n3A, %sub3A_157, %dma_wait3A_162, %dma_wait3A_163] : memref<8x256x128x128xf32, #tpu.memory_space<hbm>> -> memref<1x1x128x128xf32, #tpu.memory_space<hbm>>
        %dma_wait3A_165 = tpu.memref_squeeze %dma_wait3A_164 : memref<1x1x128x128xf32, #tpu.memory_space<hbm>> -> memref<128x128xf32, #tpu.memory_space<hbm>>
        tpu.wait_dma2 semaphore(%arg14 : memref<!tpu.dma_semaphore, #tpu.memory_space<semaphore_mem>>) src(%arg10 : memref<128x128xf32, #tpu.memory_space<vmem>>) dst(%dma_wait3A_165 : memref<128x128xf32, #tpu.memory_space<hbm>>)
      } else {
      }
      %mul3A_101 = arith.constant 256 : i32
      %mul3A_102 = arith.muli %add3A_89, %mul3A_101 : i32
      %parallel_loop3A = arith.constant 0 : i32
      %parallel_loop3A_103 = arith.constant 128 : i32
      %parallel_loop3A_104 = arith.constant 1 : i32
      scf.for %parallel_loop3A_156 = %parallel_loop3A to %parallel_loop3A_103 step %parallel_loop3A_104  : i32 {
        %parallel_loop3A_157 = arith.index_cast %parallel_loop3A_156 : i32 to index
        %parallel_loop3A_158 = arith.constant 0 : index
        %parallel_loop3A_159 = tpu.vector_load %arg6[%parallel_loop3A_157, %parallel_loop3A_158] {strides = array<i32>} : memref<128x128xi32, #tpu.memory_space<vmem>>, vector<16xi32>,
        %parallel_loop3A_160 = vector.broadcast %mul3A_102 : i32 to vector<16xi32>
        %parallel_loop3A_161 = arith.addi %parallel_loop3A_159, %parallel_loop3A_160 : vector<16xi32>
        %parallel_loop3A_162 = tpu.vector_load_idx %arg7[%parallel_loop3A_161] : memref<16384xi32, #tpu.memory_space<vmem>>[vector<16xi32>], vector<16xi32>,
        %parallel_loop3A_163 = arith.constant -65536 : i32
        %parallel_loop3A_164 = vector.broadcast %parallel_loop3A_163 : i32 to vector<16xi32>
        %parallel_loop3A_165 = arith.andi %parallel_loop3A_162, %parallel_loop3A_164 : vector<16xi32>
        %parallel_loop3A_166 = vector.bitcast %parallel_loop3A_165 : vector<16xi32> to vector<16xf32>
        %parallel_loop3A_167 = arith.constant 16 : i32
        %parallel_loop3A_168 = vector.broadcast %parallel_loop3A_167 : i32 to vector<16xi32>
        %parallel_loop3A_169 = arith.shli %parallel_loop3A_162, %parallel_loop3A_168 : vector<16xi32>
        %parallel_loop3A_170 = vector.bitcast %parallel_loop3A_169 : vector<16xi32> to vector<16xf32>
        %parallel_loop3A_171 = arith.index_cast %parallel_loop3A_156 : i32 to index
        %parallel_loop3A_172 = arith.constant 0 : index
        %parallel_loop3A_173 = tpu.vector_load %arg8[%parallel_loop3A_171, %parallel_loop3A_172] {strides = array<i32>} : memref<128x128xf32, #tpu.memory_space<vmem>>, vector<16xf32>,
        %parallel_loop3A_174 = arith.mulf %parallel_loop3A_166, %parallel_loop3A_173 : vector<16xf32>
        %parallel_loop3A_175 = arith.addf %parallel_loop3A_174, %parallel_loop3A_170 : vector<16xf32>
        %parallel_loop3A_176 = arith.index_cast %parallel_loop3A_156 : i32 to index
        %parallel_loop3A_177 = arith.constant 0 : index
        %parallel_loop3A_178 = tpu.vector_load %arg10[%parallel_loop3A_176, %parallel_loop3A_177] {strides = array<i32>} : memref<128x128xf32, #tpu.memory_space<vmem>>, vector<16xf32>,
        tpu.vector_store %arg10[%parallel_loop3A_176, %parallel_loop3A_177], %parallel_loop3A_175 {strides = array<i32>} : memref<128x128xf32, #tpu.memory_space<vmem>>, vector<16xf32>,
        %parallel_loop3A_179 = arith.index_cast %parallel_loop3A_156 : i32 to index
        %parallel_loop3A_180 = arith.constant 16 : index
        %parallel_loop3A_181 = tpu.vector_load %arg6[%parallel_loop3A_179, %parallel_loop3A_180] {strides = array<i32>} : memref<128x128xi32, #tpu.memory_space<vmem>>, vector<16xi32>,
        %parallel_loop3A_182 = vector.broadcast %mul3A_102 : i32 to vector<16xi32>
        %parallel_loop3A_183 = arith.addi %parallel_loop3A_181, %parallel_loop3A_182 : vector<16xi32>
        %parallel_loop3A_184 = tpu.vector_load_idx %arg7[%parallel_loop3A_183] : memref<16384xi32, #tpu.memory_space<vmem>>[vector<16xi32>], vector<16xi32>,
        %parallel_loop3A_185 = arith.constant -65536 : i32
        %parallel_loop3A_186 = vector.broadcast %parallel_loop3A_185 : i32 to vector<16xi32>
        %parallel_loop3A_187 = arith.andi %parallel_loop3A_184, %parallel_loop3A_186 : vector<16xi32>
        %parallel_loop3A_188 = vector.bitcast %parallel_loop3A_187 : vector<16xi32> to vector<16xf32>
        %parallel_loop3A_189 = arith.constant 16 : i32
        %parallel_loop3A_190 = vector.broadcast %parallel_loop3A_189 : i32 to vector<16xi32>
        %parallel_loop3A_191 = arith.shli %parallel_loop3A_184, %parallel_loop3A_190 : vector<16xi32>
        %parallel_loop3A_192 = vector.bitcast %parallel_loop3A_191 : vector<16xi32> to vector<16xf32>
        %parallel_loop3A_193 = arith.index_cast %parallel_loop3A_156 : i32 to index
        %parallel_loop3A_194 = arith.constant 16 : index
        %parallel_loop3A_195 = tpu.vector_load %arg8[%parallel_loop3A_193, %parallel_loop3A_194] {strides = array<i32>} : memref<128x128xf32, #tpu.memory_space<vmem>>, vector<16xf32>,
        %parallel_loop3A_196 = arith.mulf %parallel_loop3A_188, %parallel_loop3A_195 : vector<16xf32>
        %parallel_loop3A_197 = arith.addf %parallel_loop3A_196, %parallel_loop3A_192 : vector<16xf32>
        %parallel_loop3A_198 = arith.index_cast %parallel_loop3A_156 : i32 to index
        %parallel_loop3A_199 = arith.constant 16 : index
        %parallel_loop3A_200 = tpu.vector_load %arg10[%parallel_loop3A_198, %parallel_loop3A_199] {strides = array<i32>} : memref<128x128xf32, #tpu.memory_space<vmem>>, vector<16xf32>,
        tpu.vector_store %arg10[%parallel_loop3A_198, %parallel_loop3A_199], %parallel_loop3A_197 {strides = array<i32>} : memref<128x128xf32, #tpu.memory_space<vmem>>, vector<16xf32>,
        %parallel_loop3A_201 = arith.index_cast %parallel_loop3A_156 : i32 to index
        %parallel_loop3A_202 = arith.constant 32 : index
        %parallel_loop3A_203 = tpu.vector_load %arg6[%parallel_loop3A_201, %parallel_loop3A_202] {strides = array<i32>} : memref<128x128xi32, #tpu.memory_space<vmem>>, vector<16xi32>,
        %parallel_loop3A_204 = vector.broadcast %mul3A_102 : i32 to vector<16xi32>
        %parallel_loop3A_205 = arith.addi %parallel_loop3A_203, %parallel_loop3A_204 : vector<16xi32>
        %parallel_loop3A_206 = tpu.vector_load_idx %arg7[%parallel_loop3A_205] : memref<16384xi32, #tpu.memory_space<vmem>>[vector<16xi32>], vector<16xi32>,
        %parallel_loop3A_207 = arith.constant -65536 : i32
        %parallel_loop3A_208 = vector.broadcast %parallel_loop3A_207 : i32 to vector<16xi32>
        %parallel_loop3A_209 = arith.andi %parallel_loop3A_206, %parallel_loop3A_208 : vector<16xi32>
        %parallel_loop3A_210 = vector.bitcast %parallel_loop3A_209 : vector<16xi32> to vector<16xf32>
        %parallel_loop3A_211 = arith.constant 16 : i32
        %parallel_loop3A_212 = vector.broadcast %parallel_loop3A_211 : i32 to vector<16xi32>
        %parallel_loop3A_213 = arith.shli %parallel_loop3A_206, %parallel_loop3A_212 : vector<16xi32>
        %parallel_loop3A_214 = vector.bitcast %parallel_loop3A_213 : vector<16xi32> to vector<16xf32>
        %parallel_loop3A_215 = arith.index_cast %parallel_loop3A_156 : i32 to index
        %parallel_loop3A_216 = arith.constant 32 : index
        %parallel_loop3A_217 = tpu.vector_load %arg8[%parallel_loop3A_215, %parallel_loop3A_216] {strides = array<i32>} : memref<128x128xf32, #tpu.memory_space<vmem>>, vector<16xf32>,
        %parallel_loop3A_218 = arith.mulf %parallel_loop3A_210, %parallel_loop3A_217 : vector<16xf32>
        %parallel_loop3A_219 = arith.addf %parallel_loop3A_218, %parallel_loop3A_214 : vector<16xf32>
        %parallel_loop3A_220 = arith.index_cast %parallel_loop3A_156 : i32 to index
        %parallel_loop3A_221 = arith.constant 32 : index
        %parallel_loop3A_222 = tpu.vector_load %arg10[%parallel_loop3A_220, %parallel_loop3A_221] {strides = array<i32>} : memref<128x128xf32, #tpu.memory_space<vmem>>, vector<16xf32>,
        tpu.vector_store %arg10[%parallel_loop3A_220, %parallel_loop3A_221], %parallel_loop3A_219 {strides = array<i32>} : memref<128x128xf32, #tpu.memory_space<vmem>>, vector<16xf32>,
        %parallel_loop3A_223 = arith.index_cast %parallel_loop3A_156 : i32 to index
        %parallel_loop3A_224 = arith.constant 48 : index
        %parallel_loop3A_225 = tpu.vector_load %arg6[%parallel_loop3A_223, %parallel_loop3A_224] {strides = array<i32>} : memref<128x128xi32, #tpu.memory_space<vmem>>, vector<16xi32>,
        %parallel_loop3A_226 = vector.broadcast %mul3A_102 : i32 to vector<16xi32>
        %parallel_loop3A_227 = arith.addi %parallel_loop3A_225, %parallel_loop3A_226 : vector<16xi32>
        %parallel_loop3A_228 = tpu.vector_load_idx %arg7[%parallel_loop3A_227] : memref<16384xi32, #tpu.memory_space<vmem>>[vector<16xi32>], vector<16xi32>,
        %parallel_loop3A_229 = arith.constant -65536 : i32
        %parallel_loop3A_230 = vector.broadcast %parallel_loop3A_229 : i32 to vector<16xi32>
        %parallel_loop3A_231 = arith.andi %parallel_loop3A_228, %parallel_loop3A_230 : vector<16xi32>
        %parallel_loop3A_232 = vector.bitcast %parallel_loop3A_231 : vector<16xi32> to vector<16xf32>
        %parallel_loop3A_233 = arith.constant 16 : i32
        %parallel_loop3A_234 = vector.broadcast %parallel_loop3A_233 : i32 to vector<16xi32>
        %parallel_loop3A_235 = arith.shli %parallel_loop3A_228, %parallel_loop3A_234 : vector<16xi32>
        %parallel_loop3A_236 = vector.bitcast %parallel_loop3A_235 : vector<16xi32> to vector<16xf32>
        %parallel_loop3A_237 = arith.index_cast %parallel_loop3A_156 : i32 to index
        %parallel_loop3A_238 = arith.constant 48 : index
        %parallel_loop3A_239 = tpu.vector_load %arg8[%parallel_loop3A_237, %parallel_loop3A_238] {strides = array<i32>} : memref<128x128xf32, #tpu.memory_space<vmem>>, vector<16xf32>,
        %parallel_loop3A_240 = arith.mulf %parallel_loop3A_232, %parallel_loop3A_239 : vector<16xf32>
        %parallel_loop3A_241 = arith.addf %parallel_loop3A_240, %parallel_loop3A_236 : vector<16xf32>
        %parallel_loop3A_242 = arith.index_cast %parallel_loop3A_156 : i32 to index
        %parallel_loop3A_243 = arith.constant 48 : index
        %parallel_loop3A_244 = tpu.vector_load %arg10[%parallel_loop3A_242, %parallel_loop3A_243] {strides = array<i32>} : memref<128x128xf32, #tpu.memory_space<vmem>>, vector<16xf32>,
        tpu.vector_store %arg10[%parallel_loop3A_242, %parallel_loop3A_243], %parallel_loop3A_241 {strides = array<i32>} : memref<128x128xf32, #tpu.memory_space<vmem>>, vector<16xf32>,
        %parallel_loop3A_245 = arith.index_cast %parallel_loop3A_156 : i32 to index
        %parallel_loop3A_246 = arith.constant 64 : index
        %parallel_loop3A_247 = tpu.vector_load %arg6[%parallel_loop3A_245, %parallel_loop3A_246] {strides = array<i32>} : memref<128x128xi32, #tpu.memory_space<vmem>>, vector<16xi32>,
        %parallel_loop3A_248 = vector.broadcast %mul3A_102 : i32 to vector<16xi32>
        %parallel_loop3A_249 = arith.addi %parallel_loop3A_247, %parallel_loop3A_248 : vector<16xi32>
        %parallel_loop3A_250 = tpu.vector_load_idx %arg7[%parallel_loop3A_249] : memref<16384xi32, #tpu.memory_space<vmem>>[vector<16xi32>], vector<16xi32>,
        %parallel_loop3A_251 = arith.constant -65536 : i32
        %parallel_loop3A_252 = vector.broadcast %parallel_loop3A_251 : i32 to vector<16xi32>
        %parallel_loop3A_253 = arith.andi %parallel_loop3A_250, %parallel_loop3A_252 : vector<16xi32>
        %parallel_loop3A_254 = vector.bitcast %parallel_loop3A_253 : vector<16xi32> to vector<16xf32>
        %parallel_loop3A_255 = arith.constant 16 : i32
        %parallel_loop3A_256 = vector.broadcast %parallel_loop3A_255 : i32 to vector<16xi32>
        %parallel_loop3A_257 = arith.shli %parallel_loop3A_250, %parallel_loop3A_256 : vector<16xi32>
        %parallel_loop3A_258 = vector.bitcast %parallel_loop3A_257 : vector<16xi32> to vector<16xf32>
        %parallel_loop3A_259 = arith.index_cast %parallel_loop3A_156 : i32 to index
        %parallel_loop3A_260 = arith.constant 64 : index
        %parallel_loop3A_261 = tpu.vector_load %arg8[%parallel_loop3A_259, %parallel_loop3A_260] {strides = array<i32>} : memref<128x128xf32, #tpu.memory_space<vmem>>, vector<16xf32>,
        %parallel_loop3A_262 = arith.mulf %parallel_loop3A_254, %parallel_loop3A_261 : vector<16xf32>
        %parallel_loop3A_263 = arith.addf %parallel_loop3A_262, %parallel_loop3A_258 : vector<16xf32>
        %parallel_loop3A_264 = arith.index_cast %parallel_loop3A_156 : i32 to index
        %parallel_loop3A_265 = arith.constant 64 : index
        %parallel_loop3A_266 = tpu.vector_load %arg10[%parallel_loop3A_264, %parallel_loop3A_265] {strides = array<i32>} : memref<128x128xf32, #tpu.memory_space<vmem>>, vector<16xf32>,
        tpu.vector_store %arg10[%parallel_loop3A_264, %parallel_loop3A_265], %parallel_loop3A_263 {strides = array<i32>} : memref<128x128xf32, #tpu.memory_space<vmem>>, vector<16xf32>,
        %parallel_loop3A_267 = arith.index_cast %parallel_loop3A_156 : i32 to index
        %parallel_loop3A_268 = arith.constant 80 : index
        %parallel_loop3A_269 = tpu.vector_load %arg6[%parallel_loop3A_267, %parallel_loop3A_268] {strides = array<i32>} : memref<128x128xi32, #tpu.memory_space<vmem>>, vector<16xi32>,
        %parallel_loop3A_270 = vector.broadcast %mul3A_102 : i32 to vector<16xi32>
        %parallel_loop3A_271 = arith.addi %parallel_loop3A_269, %parallel_loop3A_270 : vector<16xi32>
        %parallel_loop3A_272 = tpu.vector_load_idx %arg7[%parallel_loop3A_271] : memref<16384xi32, #tpu.memory_space<vmem>>[vector<16xi32>], vector<16xi32>,
        %parallel_loop3A_273 = arith.constant -65536 : i32
        %parallel_loop3A_274 = vector.broadcast %parallel_loop3A_273 : i32 to vector<16xi32>
        %parallel_loop3A_275 = arith.andi %parallel_loop3A_272, %parallel_loop3A_274 : vector<16xi32>
        %parallel_loop3A_276 = vector.bitcast %parallel_loop3A_275 : vector<16xi32> to vector<16xf32>
        %parallel_loop3A_277 = arith.constant 16 : i32
        %parallel_loop3A_278 = vector.broadcast %parallel_loop3A_277 : i32 to vector<16xi32>
        %parallel_loop3A_279 = arith.shli %parallel_loop3A_272, %parallel_loop3A_278 : vector<16xi32>
        %parallel_loop3A_280 = vector.bitcast %parallel_loop3A_279 : vector<16xi32> to vector<16xf32>
        %parallel_loop3A_281 = arith.index_cast %parallel_loop3A_156 : i32 to index
        %parallel_loop3A_282 = arith.constant 80 : index
        %parallel_loop3A_283 = tpu.vector_load %arg8[%parallel_loop3A_281, %parallel_loop3A_282] {strides = array<i32>} : memref<128x128xf32, #tpu.memory_space<vmem>>, vector<16xf32>,
        %parallel_loop3A_284 = arith.mulf %parallel_loop3A_276, %parallel_loop3A_283 : vector<16xf32>
        %parallel_loop3A_285 = arith.addf %parallel_loop3A_284, %parallel_loop3A_280 : vector<16xf32>
        %parallel_loop3A_286 = arith.index_cast %parallel_loop3A_156 : i32 to index
        %parallel_loop3A_287 = arith.constant 80 : index
        %parallel_loop3A_288 = tpu.vector_load %arg10[%parallel_loop3A_286, %parallel_loop3A_287] {strides = array<i32>} : memref<128x128xf32, #tpu.memory_space<vmem>>, vector<16xf32>,
        tpu.vector_store %arg10[%parallel_loop3A_286, %parallel_loop3A_287], %parallel_loop3A_285 {strides = array<i32>} : memref<128x128xf32, #tpu.memory_space<vmem>>, vector<16xf32>,
        %parallel_loop3A_289 = arith.index_cast %parallel_loop3A_156 : i32 to index
        %parallel_loop3A_290 = arith.constant 96 : index
        %parallel_loop3A_291 = tpu.vector_load %arg6[%parallel_loop3A_289, %parallel_loop3A_290] {strides = array<i32>} : memref<128x128xi32, #tpu.memory_space<vmem>>, vector<16xi32>,
        %parallel_loop3A_292 = vector.broadcast %mul3A_102 : i32 to vector<16xi32>
        %parallel_loop3A_293 = arith.addi %parallel_loop3A_291, %parallel_loop3A_292 : vector<16xi32>
        %parallel_loop3A_294 = tpu.vector_load_idx %arg7[%parallel_loop3A_293] : memref<16384xi32, #tpu.memory_space<vmem>>[vector<16xi32>], vector<16xi32>,
        %parallel_loop3A_295 = arith.constant -65536 : i32
        %parallel_loop3A_296 = vector.broadcast %parallel_loop3A_295 : i32 to vector<16xi32>
        %parallel_loop3A_297 = arith.andi %parallel_loop3A_294, %parallel_loop3A_296 : vector<16xi32>
        %parallel_loop3A_298 = vector.bitcast %parallel_loop3A_297 : vector<16xi32> to vector<16xf32>
        %parallel_loop3A_299 = arith.constant 16 : i32
        %parallel_loop3A_300 = vector.broadcast %parallel_loop3A_299 : i32 to vector<16xi32>
        %parallel_loop3A_301 = arith.shli %parallel_loop3A_294, %parallel_loop3A_300 : vector<16xi32>
        %parallel_loop3A_302 = vector.bitcast %parallel_loop3A_301 : vector<16xi32> to vector<16xf32>
        %parallel_loop3A_303 = arith.index_cast %parallel_loop3A_156 : i32 to index
        %parallel_loop3A_304 = arith.constant 96 : index
        %parallel_loop3A_305 = tpu.vector_load %arg8[%parallel_loop3A_303, %parallel_loop3A_304] {strides = array<i32>} : memref<128x128xf32, #tpu.memory_space<vmem>>, vector<16xf32>,
        %parallel_loop3A_306 = arith.mulf %parallel_loop3A_298, %parallel_loop3A_305 : vector<16xf32>
        %parallel_loop3A_307 = arith.addf %parallel_loop3A_306, %parallel_loop3A_302 : vector<16xf32>
        %parallel_loop3A_308 = arith.index_cast %parallel_loop3A_156 : i32 to index
        %parallel_loop3A_309 = arith.constant 96 : index
        %parallel_loop3A_310 = tpu.vector_load %arg10[%parallel_loop3A_308, %parallel_loop3A_309] {strides = array<i32>} : memref<128x128xf32, #tpu.memory_space<vmem>>, vector<16xf32>,
        tpu.vector_store %arg10[%parallel_loop3A_308, %parallel_loop3A_309], %parallel_loop3A_307 {strides = array<i32>} : memref<128x128xf32, #tpu.memory_space<vmem>>, vector<16xf32>,
        %parallel_loop3A_311 = arith.index_cast %parallel_loop3A_156 : i32 to index
        %parallel_loop3A_312 = arith.constant 112 : index
        %parallel_loop3A_313 = tpu.vector_load %arg6[%parallel_loop3A_311, %parallel_loop3A_312] {strides = array<i32>} : memref<128x128xi32, #tpu.memory_space<vmem>>, vector<16xi32>,
        %parallel_loop3A_314 = vector.broadcast %mul3A_102 : i32 to vector<16xi32>
        %parallel_loop3A_315 = arith.addi %parallel_loop3A_313, %parallel_loop3A_314 : vector<16xi32>
        %parallel_loop3A_316 = tpu.vector_load_idx %arg7[%parallel_loop3A_315] : memref<16384xi32, #tpu.memory_space<vmem>>[vector<16xi32>], vector<16xi32>,
        %parallel_loop3A_317 = arith.constant -65536 : i32
        %parallel_loop3A_318 = vector.broadcast %parallel_loop3A_317 : i32 to vector<16xi32>
        %parallel_loop3A_319 = arith.andi %parallel_loop3A_316, %parallel_loop3A_318 : vector<16xi32>
        %parallel_loop3A_320 = vector.bitcast %parallel_loop3A_319 : vector<16xi32> to vector<16xf32>
        %parallel_loop3A_321 = arith.constant 16 : i32
        %parallel_loop3A_322 = vector.broadcast %parallel_loop3A_321 : i32 to vector<16xi32>
        %parallel_loop3A_323 = arith.shli %parallel_loop3A_316, %parallel_loop3A_322 : vector<16xi32>
        %parallel_loop3A_324 = vector.bitcast %parallel_loop3A_323 : vector<16xi32> to vector<16xf32>
        %parallel_loop3A_325 = arith.index_cast %parallel_loop3A_156 : i32 to index
        %parallel_loop3A_326 = arith.constant 112 : index
        %parallel_loop3A_327 = tpu.vector_load %arg8[%parallel_loop3A_325, %parallel_loop3A_326] {strides = array<i32>} : memref<128x128xf32, #tpu.memory_space<vmem>>, vector<16xf32>,
        %parallel_loop3A_328 = arith.mulf %parallel_loop3A_320, %parallel_loop3A_327 : vector<16xf32>
        %parallel_loop3A_329 = arith.addf %parallel_loop3A_328, %parallel_loop3A_324 : vector<16xf32>
        %parallel_loop3A_330 = arith.index_cast %parallel_loop3A_156 : i32 to index
        %parallel_loop3A_331 = arith.constant 112 : index
        %parallel_loop3A_332 = tpu.vector_load %arg10[%parallel_loop3A_330, %parallel_loop3A_331] {strides = array<i32>} : memref<128x128xf32, #tpu.memory_space<vmem>>, vector<16xf32>,
        tpu.vector_store %arg10[%parallel_loop3A_330, %parallel_loop3A_331], %parallel_loop3A_329 {strides = array<i32>} : memref<128x128xf32, #tpu.memory_space<vmem>>, vector<16xf32>,
      } {sc.loop_unroll_factor = 2 : i64, sc.parallel_access}
      %dma_start3A_105 = arith.constant 0 : i32
      %dma_start3A_106 = arith.constant 0 : i32
      %dma_start3A_107 = tpu.memref_slice %arg5[%select_n3A, %add3A_90, %dma_start3A_105, %dma_start3A_106] : memref<8x256x128x128xf32, #tpu.memory_space<hbm>> -> memref<1x1x128x128xf32, #tpu.memory_space<hbm>>
      %dma_start3A_108 = tpu.memref_squeeze %dma_start3A_107 : memref<1x1x128x128xf32, #tpu.memory_space<hbm>> -> memref<128x128xf32, #tpu.memory_space<hbm>>
      %dma_start3A_109 = arith.constant 0 : i32
      %dma_start3A_110 = arith.constant 0 : i32
      %dma_start3A_111 = tpu.memref_slice %arg5[%select_n3A, %add3A_90, %dma_start3A_109, %dma_start3A_110] : memref<8x256x128x128xf32, #tpu.memory_space<hbm>> -> memref<1x1x128x128xf32, #tpu.memory_space<hbm>>
      %dma_start3A_112 = tpu.memref_squeeze %dma_start3A_111 : memref<1x1x128x128xf32, #tpu.memory_space<hbm>> -> memref<128x128xf32, #tpu.memory_space<hbm>>
      tpu.enqueue_dma source(%arg10 : memref<128x128xf32, #tpu.memory_space<vmem>>) target(%dma_start3A_112 : memref<128x128xf32, #tpu.memory_space<hbm>>) target_semaphore(%arg14 : memref<!tpu.dma_semaphore, #tpu.memory_space<semaphore_mem>>)
      %add3A_113 = arith.constant 2 : i32
      %add3A_114 = arith.addi %add3A_87, %add3A_113 : i32
      %lt3A_115 = arith.constant 64 : i32
      %lt3A_116 = arith.cmpi slt, %add3A_114, %lt3A_115 : i32
      %convert_element_type3A_117 = arith.extui %lt3A_116 : i1 to i32
      %cond3A_118 = arith.constant 0 : i32
      %cond3A_119 = arith.cmpi ne, %convert_element_type3A_117, %cond3A_118 : i32
      scf.if %cond3A_119 {
        %add3A_156 = arith.constant 2 : i32
        %add3A_157 = arith.addi %add3A_90, %add3A_156 : i32
        %dma_start3A_158 = arith.constant 0 : i32
        %dma_start3A_159 = arith.constant 0 : i32
        %dma_start3A_160 = tpu.memref_slice %arg2[%select_n3A, %add3A_157, %dma_start3A_158, %dma_start3A_159] : memref<8x256x128x128xf32, #tpu.memory_space<hbm>> -> memref<1x1x128x128xf32, #tpu.memory_space<hbm>>
        %dma_start3A_161 = tpu.memref_squeeze %dma_start3A_160 : memref<1x1x128x128xf32, #tpu.memory_space<hbm>> -> memref<128x128xf32, #tpu.memory_space<hbm>>
        %dma_start3A_162 = arith.constant 0 : i32
        %dma_start3A_163 = arith.constant 0 : i32
        %dma_start3A_164 = tpu.memref_slice %arg2[%select_n3A, %add3A_157, %dma_start3A_162, %dma_start3A_163] : memref<8x256x128x128xf32, #tpu.memory_space<hbm>> -> memref<1x1x128x128xf32, #tpu.memory_space<hbm>>
        %dma_start3A_165 = tpu.memref_squeeze %dma_start3A_164 : memref<1x1x128x128xf32, #tpu.memory_space<hbm>> -> memref<128x128xf32, #tpu.memory_space<hbm>>
        tpu.enqueue_dma source(%dma_start3A_165 : memref<128x128xf32, #tpu.memory_space<hbm>>) target(%arg8 : memref<128x128xf32, #tpu.memory_space<vmem>>) target_semaphore(%arg12 : memref<!tpu.dma_semaphore, #tpu.memory_space<semaphore_mem>>)
      } else {
      }
      %add3A_120 = arith.constant 1 : i32
      %add3A_121 = arith.addi %add3A_87, %add3A_120 : i32
      %add3A_122 = arith.addi %mul3A_32, %add3A_121 : i32
      %dma_wait3A_123 = arith.constant 0 : i32
      %dma_wait3A_124 = arith.constant 0 : i32
      %dma_wait3A_125 = tpu.memref_slice %arg2[%select_n3A, %add3A_122, %dma_wait3A_123, %dma_wait3A_124] : memref<8x256x128x128xf32, #tpu.memory_space<hbm>> -> memref<1x1x128x128xf32, #tpu.memory_space<hbm>>
      %dma_wait3A_126 = tpu.memref_squeeze %dma_wait3A_125 : memref<1x1x128x128xf32, #tpu.memory_space<hbm>> -> memref<128x128xf32, #tpu.memory_space<hbm>>
      %dma_wait3A_127 = arith.constant 0 : i32
      %dma_wait3A_128 = arith.constant 0 : i32
      %dma_wait3A_129 = tpu.memref_slice %arg2[%select_n3A, %add3A_122, %dma_wait3A_127, %dma_wait3A_128] : memref<8x256x128x128xf32, #tpu.memory_space<hbm>> -> memref<1x1x128x128xf32, #tpu.memory_space<hbm>>
      %dma_wait3A_130 = tpu.memref_squeeze %dma_wait3A_129 : memref<1x1x128x128xf32, #tpu.memory_space<hbm>> -> memref<128x128xf32, #tpu.memory_space<hbm>>
      tpu.wait_dma2 semaphore(%arg13 : memref<!tpu.dma_semaphore, #tpu.memory_space<semaphore_mem>>) src(%dma_wait3A_130 : memref<128x128xf32, #tpu.memory_space<hbm>>) dst(%arg9 : memref<128x128xf32, #tpu.memory_space<vmem>>)
      %gt3A_131 = arith.constant 0 : i32
      %gt3A_132 = arith.cmpi sgt, %add3A_87, %gt3A_131 : i32
      %convert_element_type3A_133 = arith.extui %gt3A_132 : i1 to i32
      %cond3A_134 = arith.constant 0 : i32
      %cond3A_135 = arith.cmpi ne, %convert_element_type3A_133, %cond3A_134 : i32
      scf.if %cond3A_135 {
        %sub3A_156 = arith.constant 2 : i32
        %sub3A_157 = arith.subi %add3A_122, %sub3A_156 : i32
        %dma_wait3A_158 = arith.constant 0 : i32
        %dma_wait3A_159 = arith.constant 0 : i32
        %dma_wait3A_160 = tpu.memref_slice %arg5[%select_n3A, %sub3A_157, %dma_wait3A_158, %dma_wait3A_159] : memref<8x256x128x128xf32, #tpu.memory_space<hbm>> -> memref<1x1x128x128xf32, #tpu.memory_space<hbm>>
        %dma_wait3A_161 = tpu.memref_squeeze %dma_wait3A_160 : memref<1x1x128x128xf32, #tpu.memory_space<hbm>> -> memref<128x128xf32, #tpu.memory_space<hbm>>
        %dma_wait3A_162 = arith.constant 0 : i32
        %dma_wait3A_163 = arith.constant 0 : i32
        %dma_wait3A_164 = tpu.memref_slice %arg5[%select_n3A, %sub3A_157, %dma_wait3A_162, %dma_wait3A_163] : memref<8x256x128x128xf32, #tpu.memory_space<hbm>> -> memref<1x1x128x128xf32, #tpu.memory_space<hbm>>
        %dma_wait3A_165 = tpu.memref_squeeze %dma_wait3A_164 : memref<1x1x128x128xf32, #tpu.memory_space<hbm>> -> memref<128x128xf32, #tpu.memory_space<hbm>>
        tpu.wait_dma2 semaphore(%arg15 : memref<!tpu.dma_semaphore, #tpu.memory_space<semaphore_mem>>) src(%arg11 : memref<128x128xf32, #tpu.memory_space<vmem>>) dst(%dma_wait3A_165 : memref<128x128xf32, #tpu.memory_space<hbm>>)
      } else {
      }
      %mul3A_136 = arith.constant 256 : i32
      %mul3A_137 = arith.muli %add3A_121, %mul3A_136 : i32
      %parallel_loop3A_138 = arith.constant 0 : i32
      %parallel_loop3A_139 = arith.constant 128 : i32
      %parallel_loop3A_140 = arith.constant 1 : i32
      scf.for %parallel_loop3A_156 = %parallel_loop3A_138 to %parallel_loop3A_139 step %parallel_loop3A_140  : i32 {
        %parallel_loop3A_157 = arith.index_cast %parallel_loop3A_156 : i32 to index
        %parallel_loop3A_158 = arith.constant 0 : index
        %parallel_loop3A_159 = tpu.vector_load %arg6[%parallel_loop3A_157, %parallel_loop3A_158] {strides = array<i32>} : memref<128x128xi32, #tpu.memory_space<vmem>>, vector<16xi32>,
        %parallel_loop3A_160 = vector.broadcast %mul3A_137 : i32 to vector<16xi32>
        %parallel_loop3A_161 = arith.addi %parallel_loop3A_159, %parallel_loop3A_160 : vector<16xi32>
        %parallel_loop3A_162 = tpu.vector_load_idx %arg7[%parallel_loop3A_161] : memref<16384xi32, #tpu.memory_space<vmem>>[vector<16xi32>], vector<16xi32>,
        %parallel_loop3A_163 = arith.constant -65536 : i32
        %parallel_loop3A_164 = vector.broadcast %parallel_loop3A_163 : i32 to vector<16xi32>
        %parallel_loop3A_165 = arith.andi %parallel_loop3A_162, %parallel_loop3A_164 : vector<16xi32>
        %parallel_loop3A_166 = vector.bitcast %parallel_loop3A_165 : vector<16xi32> to vector<16xf32>
        %parallel_loop3A_167 = arith.constant 16 : i32
        %parallel_loop3A_168 = vector.broadcast %parallel_loop3A_167 : i32 to vector<16xi32>
        %parallel_loop3A_169 = arith.shli %parallel_loop3A_162, %parallel_loop3A_168 : vector<16xi32>
        %parallel_loop3A_170 = vector.bitcast %parallel_loop3A_169 : vector<16xi32> to vector<16xf32>
        %parallel_loop3A_171 = arith.index_cast %parallel_loop3A_156 : i32 to index
        %parallel_loop3A_172 = arith.constant 0 : index
        %parallel_loop3A_173 = tpu.vector_load %arg9[%parallel_loop3A_171, %parallel_loop3A_172] {strides = array<i32>} : memref<128x128xf32, #tpu.memory_space<vmem>>, vector<16xf32>,
        %parallel_loop3A_174 = arith.mulf %parallel_loop3A_166, %parallel_loop3A_173 : vector<16xf32>
        %parallel_loop3A_175 = arith.addf %parallel_loop3A_174, %parallel_loop3A_170 : vector<16xf32>
        %parallel_loop3A_176 = arith.index_cast %parallel_loop3A_156 : i32 to index
        %parallel_loop3A_177 = arith.constant 0 : index
        %parallel_loop3A_178 = tpu.vector_load %arg11[%parallel_loop3A_176, %parallel_loop3A_177] {strides = array<i32>} : memref<128x128xf32, #tpu.memory_space<vmem>>, vector<16xf32>,
        tpu.vector_store %arg11[%parallel_loop3A_176, %parallel_loop3A_177], %parallel_loop3A_175 {strides = array<i32>} : memref<128x128xf32, #tpu.memory_space<vmem>>, vector<16xf32>,
        %parallel_loop3A_179 = arith.index_cast %parallel_loop3A_156 : i32 to index
        %parallel_loop3A_180 = arith.constant 16 : index
        %parallel_loop3A_181 = tpu.vector_load %arg6[%parallel_loop3A_179, %parallel_loop3A_180] {strides = array<i32>} : memref<128x128xi32, #tpu.memory_space<vmem>>, vector<16xi32>,
        %parallel_loop3A_182 = vector.broadcast %mul3A_137 : i32 to vector<16xi32>
        %parallel_loop3A_183 = arith.addi %parallel_loop3A_181, %parallel_loop3A_182 : vector<16xi32>
        %parallel_loop3A_184 = tpu.vector_load_idx %arg7[%parallel_loop3A_183] : memref<16384xi32, #tpu.memory_space<vmem>>[vector<16xi32>], vector<16xi32>,
        %parallel_loop3A_185 = arith.constant -65536 : i32
        %parallel_loop3A_186 = vector.broadcast %parallel_loop3A_185 : i32 to vector<16xi32>
        %parallel_loop3A_187 = arith.andi %parallel_loop3A_184, %parallel_loop3A_186 : vector<16xi32>
        %parallel_loop3A_188 = vector.bitcast %parallel_loop3A_187 : vector<16xi32> to vector<16xf32>
        %parallel_loop3A_189 = arith.constant 16 : i32
        %parallel_loop3A_190 = vector.broadcast %parallel_loop3A_189 : i32 to vector<16xi32>
        %parallel_loop3A_191 = arith.shli %parallel_loop3A_184, %parallel_loop3A_190 : vector<16xi32>
        %parallel_loop3A_192 = vector.bitcast %parallel_loop3A_191 : vector<16xi32> to vector<16xf32>
        %parallel_loop3A_193 = arith.index_cast %parallel_loop3A_156 : i32 to index
        %parallel_loop3A_194 = arith.constant 16 : index
        %parallel_loop3A_195 = tpu.vector_load %arg9[%parallel_loop3A_193, %parallel_loop3A_194] {strides = array<i32>} : memref<128x128xf32, #tpu.memory_space<vmem>>, vector<16xf32>,
        %parallel_loop3A_196 = arith.mulf %parallel_loop3A_188, %parallel_loop3A_195 : vector<16xf32>
        %parallel_loop3A_197 = arith.addf %parallel_loop3A_196, %parallel_loop3A_192 : vector<16xf32>
        %parallel_loop3A_198 = arith.index_cast %parallel_loop3A_156 : i32 to index
        %parallel_loop3A_199 = arith.constant 16 : index
        %parallel_loop3A_200 = tpu.vector_load %arg11[%parallel_loop3A_198, %parallel_loop3A_199] {strides = array<i32>} : memref<128x128xf32, #tpu.memory_space<vmem>>, vector<16xf32>,
        tpu.vector_store %arg11[%parallel_loop3A_198, %parallel_loop3A_199], %parallel_loop3A_197 {strides = array<i32>} : memref<128x128xf32, #tpu.memory_space<vmem>>, vector<16xf32>,
        %parallel_loop3A_201 = arith.index_cast %parallel_loop3A_156 : i32 to index
        %parallel_loop3A_202 = arith.constant 32 : index
        %parallel_loop3A_203 = tpu.vector_load %arg6[%parallel_loop3A_201, %parallel_loop3A_202] {strides = array<i32>} : memref<128x128xi32, #tpu.memory_space<vmem>>, vector<16xi32>,
        %parallel_loop3A_204 = vector.broadcast %mul3A_137 : i32 to vector<16xi32>
        %parallel_loop3A_205 = arith.addi %parallel_loop3A_203, %parallel_loop3A_204 : vector<16xi32>
        %parallel_loop3A_206 = tpu.vector_load_idx %arg7[%parallel_loop3A_205] : memref<16384xi32, #tpu.memory_space<vmem>>[vector<16xi32>], vector<16xi32>,
        %parallel_loop3A_207 = arith.constant -65536 : i32
        %parallel_loop3A_208 = vector.broadcast %parallel_loop3A_207 : i32 to vector<16xi32>
        %parallel_loop3A_209 = arith.andi %parallel_loop3A_206, %parallel_loop3A_208 : vector<16xi32>
        %parallel_loop3A_210 = vector.bitcast %parallel_loop3A_209 : vector<16xi32> to vector<16xf32>
        %parallel_loop3A_211 = arith.constant 16 : i32
        %parallel_loop3A_212 = vector.broadcast %parallel_loop3A_211 : i32 to vector<16xi32>
        %parallel_loop3A_213 = arith.shli %parallel_loop3A_206, %parallel_loop3A_212 : vector<16xi32>
        %parallel_loop3A_214 = vector.bitcast %parallel_loop3A_213 : vector<16xi32> to vector<16xf32>
        %parallel_loop3A_215 = arith.index_cast %parallel_loop3A_156 : i32 to index
        %parallel_loop3A_216 = arith.constant 32 : index
        %parallel_loop3A_217 = tpu.vector_load %arg9[%parallel_loop3A_215, %parallel_loop3A_216] {strides = array<i32>} : memref<128x128xf32, #tpu.memory_space<vmem>>, vector<16xf32>,
        %parallel_loop3A_218 = arith.mulf %parallel_loop3A_210, %parallel_loop3A_217 : vector<16xf32>
        %parallel_loop3A_219 = arith.addf %parallel_loop3A_218, %parallel_loop3A_214 : vector<16xf32>
        %parallel_loop3A_220 = arith.index_cast %parallel_loop3A_156 : i32 to index
        %parallel_loop3A_221 = arith.constant 32 : index
        %parallel_loop3A_222 = tpu.vector_load %arg11[%parallel_loop3A_220, %parallel_loop3A_221] {strides = array<i32>} : memref<128x128xf32, #tpu.memory_space<vmem>>, vector<16xf32>,
        tpu.vector_store %arg11[%parallel_loop3A_220, %parallel_loop3A_221], %parallel_loop3A_219 {strides = array<i32>} : memref<128x128xf32, #tpu.memory_space<vmem>>, vector<16xf32>,
        %parallel_loop3A_223 = arith.index_cast %parallel_loop3A_156 : i32 to index
        %parallel_loop3A_224 = arith.constant 48 : index
        %parallel_loop3A_225 = tpu.vector_load %arg6[%parallel_loop3A_223, %parallel_loop3A_224] {strides = array<i32>} : memref<128x128xi32, #tpu.memory_space<vmem>>, vector<16xi32>,
        %parallel_loop3A_226 = vector.broadcast %mul3A_137 : i32 to vector<16xi32>
        %parallel_loop3A_227 = arith.addi %parallel_loop3A_225, %parallel_loop3A_226 : vector<16xi32>
        %parallel_loop3A_228 = tpu.vector_load_idx %arg7[%parallel_loop3A_227] : memref<16384xi32, #tpu.memory_space<vmem>>[vector<16xi32>], vector<16xi32>,
        %parallel_loop3A_229 = arith.constant -65536 : i32
        %parallel_loop3A_230 = vector.broadcast %parallel_loop3A_229 : i32 to vector<16xi32>
        %parallel_loop3A_231 = arith.andi %parallel_loop3A_228, %parallel_loop3A_230 : vector<16xi32>
        %parallel_loop3A_232 = vector.bitcast %parallel_loop3A_231 : vector<16xi32> to vector<16xf32>
        %parallel_loop3A_233 = arith.constant 16 : i32
        %parallel_loop3A_234 = vector.broadcast %parallel_loop3A_233 : i32 to vector<16xi32>
        %parallel_loop3A_235 = arith.shli %parallel_loop3A_228, %parallel_loop3A_234 : vector<16xi32>
        %parallel_loop3A_236 = vector.bitcast %parallel_loop3A_235 : vector<16xi32> to vector<16xf32>
        %parallel_loop3A_237 = arith.index_cast %parallel_loop3A_156 : i32 to index
        %parallel_loop3A_238 = arith.constant 48 : index
        %parallel_loop3A_239 = tpu.vector_load %arg9[%parallel_loop3A_237, %parallel_loop3A_238] {strides = array<i32>} : memref<128x128xf32, #tpu.memory_space<vmem>>, vector<16xf32>,
        %parallel_loop3A_240 = arith.mulf %parallel_loop3A_232, %parallel_loop3A_239 : vector<16xf32>
        %parallel_loop3A_241 = arith.addf %parallel_loop3A_240, %parallel_loop3A_236 : vector<16xf32>
        %parallel_loop3A_242 = arith.index_cast %parallel_loop3A_156 : i32 to index
        %parallel_loop3A_243 = arith.constant 48 : index
        %parallel_loop3A_244 = tpu.vector_load %arg11[%parallel_loop3A_242, %parallel_loop3A_243] {strides = array<i32>} : memref<128x128xf32, #tpu.memory_space<vmem>>, vector<16xf32>,
        tpu.vector_store %arg11[%parallel_loop3A_242, %parallel_loop3A_243], %parallel_loop3A_241 {strides = array<i32>} : memref<128x128xf32, #tpu.memory_space<vmem>>, vector<16xf32>,
        %parallel_loop3A_245 = arith.index_cast %parallel_loop3A_156 : i32 to index
        %parallel_loop3A_246 = arith.constant 64 : index
        %parallel_loop3A_247 = tpu.vector_load %arg6[%parallel_loop3A_245, %parallel_loop3A_246] {strides = array<i32>} : memref<128x128xi32, #tpu.memory_space<vmem>>, vector<16xi32>,
        %parallel_loop3A_248 = vector.broadcast %mul3A_137 : i32 to vector<16xi32>
        %parallel_loop3A_249 = arith.addi %parallel_loop3A_247, %parallel_loop3A_248 : vector<16xi32>
        %parallel_loop3A_250 = tpu.vector_load_idx %arg7[%parallel_loop3A_249] : memref<16384xi32, #tpu.memory_space<vmem>>[vector<16xi32>], vector<16xi32>,
        %parallel_loop3A_251 = arith.constant -65536 : i32
        %parallel_loop3A_252 = vector.broadcast %parallel_loop3A_251 : i32 to vector<16xi32>
        %parallel_loop3A_253 = arith.andi %parallel_loop3A_250, %parallel_loop3A_252 : vector<16xi32>
        %parallel_loop3A_254 = vector.bitcast %parallel_loop3A_253 : vector<16xi32> to vector<16xf32>
        %parallel_loop3A_255 = arith.constant 16 : i32
        %parallel_loop3A_256 = vector.broadcast %parallel_loop3A_255 : i32 to vector<16xi32>
        %parallel_loop3A_257 = arith.shli %parallel_loop3A_250, %parallel_loop3A_256 : vector<16xi32>
        %parallel_loop3A_258 = vector.bitcast %parallel_loop3A_257 : vector<16xi32> to vector<16xf32>
        %parallel_loop3A_259 = arith.index_cast %parallel_loop3A_156 : i32 to index
        %parallel_loop3A_260 = arith.constant 64 : index
        %parallel_loop3A_261 = tpu.vector_load %arg9[%parallel_loop3A_259, %parallel_loop3A_260] {strides = array<i32>} : memref<128x128xf32, #tpu.memory_space<vmem>>, vector<16xf32>,
        %parallel_loop3A_262 = arith.mulf %parallel_loop3A_254, %parallel_loop3A_261 : vector<16xf32>
        %parallel_loop3A_263 = arith.addf %parallel_loop3A_262, %parallel_loop3A_258 : vector<16xf32>
        %parallel_loop3A_264 = arith.index_cast %parallel_loop3A_156 : i32 to index
        %parallel_loop3A_265 = arith.constant 64 : index
        %parallel_loop3A_266 = tpu.vector_load %arg11[%parallel_loop3A_264, %parallel_loop3A_265] {strides = array<i32>} : memref<128x128xf32, #tpu.memory_space<vmem>>, vector<16xf32>,
        tpu.vector_store %arg11[%parallel_loop3A_264, %parallel_loop3A_265], %parallel_loop3A_263 {strides = array<i32>} : memref<128x128xf32, #tpu.memory_space<vmem>>, vector<16xf32>,
        %parallel_loop3A_267 = arith.index_cast %parallel_loop3A_156 : i32 to index
        %parallel_loop3A_268 = arith.constant 80 : index
        %parallel_loop3A_269 = tpu.vector_load %arg6[%parallel_loop3A_267, %parallel_loop3A_268] {strides = array<i32>} : memref<128x128xi32, #tpu.memory_space<vmem>>, vector<16xi32>,
        %parallel_loop3A_270 = vector.broadcast %mul3A_137 : i32 to vector<16xi32>
        %parallel_loop3A_271 = arith.addi %parallel_loop3A_269, %parallel_loop3A_270 : vector<16xi32>
        %parallel_loop3A_272 = tpu.vector_load_idx %arg7[%parallel_loop3A_271] : memref<16384xi32, #tpu.memory_space<vmem>>[vector<16xi32>], vector<16xi32>,
        %parallel_loop3A_273 = arith.constant -65536 : i32
        %parallel_loop3A_274 = vector.broadcast %parallel_loop3A_273 : i32 to vector<16xi32>
        %parallel_loop3A_275 = arith.andi %parallel_loop3A_272, %parallel_loop3A_274 : vector<16xi32>
        %parallel_loop3A_276 = vector.bitcast %parallel_loop3A_275 : vector<16xi32> to vector<16xf32>
        %parallel_loop3A_277 = arith.constant 16 : i32
        %parallel_loop3A_278 = vector.broadcast %parallel_loop3A_277 : i32 to vector<16xi32>
        %parallel_loop3A_279 = arith.shli %parallel_loop3A_272, %parallel_loop3A_278 : vector<16xi32>
        %parallel_loop3A_280 = vector.bitcast %parallel_loop3A_279 : vector<16xi32> to vector<16xf32>
        %parallel_loop3A_281 = arith.index_cast %parallel_loop3A_156 : i32 to index
        %parallel_loop3A_282 = arith.constant 80 : index
        %parallel_loop3A_283 = tpu.vector_load %arg9[%parallel_loop3A_281, %parallel_loop3A_282] {strides = array<i32>} : memref<128x128xf32, #tpu.memory_space<vmem>>, vector<16xf32>,
        %parallel_loop3A_284 = arith.mulf %parallel_loop3A_276, %parallel_loop3A_283 : vector<16xf32>
        %parallel_loop3A_285 = arith.addf %parallel_loop3A_284, %parallel_loop3A_280 : vector<16xf32>
        %parallel_loop3A_286 = arith.index_cast %parallel_loop3A_156 : i32 to index
        %parallel_loop3A_287 = arith.constant 80 : index
        %parallel_loop3A_288 = tpu.vector_load %arg11[%parallel_loop3A_286, %parallel_loop3A_287] {strides = array<i32>} : memref<128x128xf32, #tpu.memory_space<vmem>>, vector<16xf32>,
        tpu.vector_store %arg11[%parallel_loop3A_286, %parallel_loop3A_287], %parallel_loop3A_285 {strides = array<i32>} : memref<128x128xf32, #tpu.memory_space<vmem>>, vector<16xf32>,
        %parallel_loop3A_289 = arith.index_cast %parallel_loop3A_156 : i32 to index
        %parallel_loop3A_290 = arith.constant 96 : index
        %parallel_loop3A_291 = tpu.vector_load %arg6[%parallel_loop3A_289, %parallel_loop3A_290] {strides = array<i32>} : memref<128x128xi32, #tpu.memory_space<vmem>>, vector<16xi32>,
        %parallel_loop3A_292 = vector.broadcast %mul3A_137 : i32 to vector<16xi32>
        %parallel_loop3A_293 = arith.addi %parallel_loop3A_291, %parallel_loop3A_292 : vector<16xi32>
        %parallel_loop3A_294 = tpu.vector_load_idx %arg7[%parallel_loop3A_293] : memref<16384xi32, #tpu.memory_space<vmem>>[vector<16xi32>], vector<16xi32>,
        %parallel_loop3A_295 = arith.constant -65536 : i32
        %parallel_loop3A_296 = vector.broadcast %parallel_loop3A_295 : i32 to vector<16xi32>
        %parallel_loop3A_297 = arith.andi %parallel_loop3A_294, %parallel_loop3A_296 : vector<16xi32>
        %parallel_loop3A_298 = vector.bitcast %parallel_loop3A_297 : vector<16xi32> to vector<16xf32>
        %parallel_loop3A_299 = arith.constant 16 : i32
        %parallel_loop3A_300 = vector.broadcast %parallel_loop3A_299 : i32 to vector<16xi32>
        %parallel_loop3A_301 = arith.shli %parallel_loop3A_294, %parallel_loop3A_300 : vector<16xi32>
        %parallel_loop3A_302 = vector.bitcast %parallel_loop3A_301 : vector<16xi32> to vector<16xf32>
        %parallel_loop3A_303 = arith.index_cast %parallel_loop3A_156 : i32 to index
        %parallel_loop3A_304 = arith.constant 96 : index
        %parallel_loop3A_305 = tpu.vector_load %arg9[%parallel_loop3A_303, %parallel_loop3A_304] {strides = array<i32>} : memref<128x128xf32, #tpu.memory_space<vmem>>, vector<16xf32>,
        %parallel_loop3A_306 = arith.mulf %parallel_loop3A_298, %parallel_loop3A_305 : vector<16xf32>
        %parallel_loop3A_307 = arith.addf %parallel_loop3A_306, %parallel_loop3A_302 : vector<16xf32>
        %parallel_loop3A_308 = arith.index_cast %parallel_loop3A_156 : i32 to index
        %parallel_loop3A_309 = arith.constant 96 : index
        %parallel_loop3A_310 = tpu.vector_load %arg11[%parallel_loop3A_308, %parallel_loop3A_309] {strides = array<i32>} : memref<128x128xf32, #tpu.memory_space<vmem>>, vector<16xf32>,
        tpu.vector_store %arg11[%parallel_loop3A_308, %parallel_loop3A_309], %parallel_loop3A_307 {strides = array<i32>} : memref<128x128xf32, #tpu.memory_space<vmem>>, vector<16xf32>,
        %parallel_loop3A_311 = arith.index_cast %parallel_loop3A_156 : i32 to index
        %parallel_loop3A_312 = arith.constant 112 : index
        %parallel_loop3A_313 = tpu.vector_load %arg6[%parallel_loop3A_311, %parallel_loop3A_312] {strides = array<i32>} : memref<128x128xi32, #tpu.memory_space<vmem>>, vector<16xi32>,
        %parallel_loop3A_314 = vector.broadcast %mul3A_137 : i32 to vector<16xi32>
        %parallel_loop3A_315 = arith.addi %parallel_loop3A_313, %parallel_loop3A_314 : vector<16xi32>
        %parallel_loop3A_316 = tpu.vector_load_idx %arg7[%parallel_loop3A_315] : memref<16384xi32, #tpu.memory_space<vmem>>[vector<16xi32>], vector<16xi32>,
        %parallel_loop3A_317 = arith.constant -65536 : i32
        %parallel_loop3A_318 = vector.broadcast %parallel_loop3A_317 : i32 to vector<16xi32>
        %parallel_loop3A_319 = arith.andi %parallel_loop3A_316, %parallel_loop3A_318 : vector<16xi32>
        %parallel_loop3A_320 = vector.bitcast %parallel_loop3A_319 : vector<16xi32> to vector<16xf32>
        %parallel_loop3A_321 = arith.constant 16 : i32
        %parallel_loop3A_322 = vector.broadcast %parallel_loop3A_321 : i32 to vector<16xi32>
        %parallel_loop3A_323 = arith.shli %parallel_loop3A_316, %parallel_loop3A_322 : vector<16xi32>
        %parallel_loop3A_324 = vector.bitcast %parallel_loop3A_323 : vector<16xi32> to vector<16xf32>
        %parallel_loop3A_325 = arith.index_cast %parallel_loop3A_156 : i32 to index
        %parallel_loop3A_326 = arith.constant 112 : index
        %parallel_loop3A_327 = tpu.vector_load %arg9[%parallel_loop3A_325, %parallel_loop3A_326] {strides = array<i32>} : memref<128x128xf32, #tpu.memory_space<vmem>>, vector<16xf32>,
        %parallel_loop3A_328 = arith.mulf %parallel_loop3A_320, %parallel_loop3A_327 : vector<16xf32>
        %parallel_loop3A_329 = arith.addf %parallel_loop3A_328, %parallel_loop3A_324 : vector<16xf32>
        %parallel_loop3A_330 = arith.index_cast %parallel_loop3A_156 : i32 to index
        %parallel_loop3A_331 = arith.constant 112 : index
        %parallel_loop3A_332 = tpu.vector_load %arg11[%parallel_loop3A_330, %parallel_loop3A_331] {strides = array<i32>} : memref<128x128xf32, #tpu.memory_space<vmem>>, vector<16xf32>,
        tpu.vector_store %arg11[%parallel_loop3A_330, %parallel_loop3A_331], %parallel_loop3A_329 {strides = array<i32>} : memref<128x128xf32, #tpu.memory_space<vmem>>, vector<16xf32>,
      } {sc.loop_unroll_factor = 2 : i64, sc.parallel_access}
      %dma_start3A_141 = arith.constant 0 : i32
      %dma_start3A_142 = arith.constant 0 : i32
      %dma_start3A_143 = tpu.memref_slice %arg5[%select_n3A, %add3A_122, %dma_start3A_141, %dma_start3A_142] : memref<8x256x128x128xf32, #tpu.memory_space<hbm>> -> memref<1x1x128x128xf32, #tpu.memory_space<hbm>>
      %dma_start3A_144 = tpu.memref_squeeze %dma_start3A_143 : memref<1x1x128x128xf32, #tpu.memory_space<hbm>> -> memref<128x128xf32, #tpu.memory_space<hbm>>
      %dma_start3A_145 = arith.constant 0 : i32
      %dma_start3A_146 = arith.constant 0 : i32
      %dma_start3A_147 = tpu.memref_slice %arg5[%select_n3A, %add3A_122, %dma_start3A_145, %dma_start3A_146] : memref<8x256x128x128xf32, #tpu.memory_space<hbm>> -> memref<1x1x128x128xf32, #tpu.memory_space<hbm>>
      %dma_start3A_148 = tpu.memref_squeeze %dma_start3A_147 : memref<1x1x128x128xf32, #tpu.memory_space<hbm>> -> memref<128x128xf32, #tpu.memory_space<hbm>>
      tpu.enqueue_dma source(%arg11 : memref<128x128xf32, #tpu.memory_space<vmem>>) target(%dma_start3A_148 : memref<128x128xf32, #tpu.memory_space<hbm>>) target_semaphore(%arg15 : memref<!tpu.dma_semaphore, #tpu.memory_space<semaphore_mem>>)
      %add3A_149 = arith.constant 2 : i32
      %add3A_150 = arith.addi %add3A_87, %add3A_149 : i32
      %lt3A_151 = arith.constant 64 : i32
      %lt3A_152 = arith.cmpi slt, %add3A_150, %lt3A_151 : i32
      %convert_element_type3A_153 = arith.extui %lt3A_152 : i1 to i32
      %cond3A_154 = arith.constant 0 : i32
      %cond3A_155 = arith.cmpi ne, %convert_element_type3A_153, %cond3A_154 : i32
      scf.if %cond3A_155 {
        %add3A_156 = arith.constant 2 : i32
        %add3A_157 = arith.addi %add3A_122, %add3A_156 : i32
        %dma_start3A_158 = arith.constant 0 : i32
        %dma_start3A_159 = arith.constant 0 : i32
        %dma_start3A_160 = tpu.memref_slice %arg2[%select_n3A, %add3A_157, %dma_start3A_158, %dma_start3A_159] : memref<8x256x128x128xf32, #tpu.memory_space<hbm>> -> memref<1x1x128x128xf32, #tpu.memory_space<hbm>>
        %dma_start3A_161 = tpu.memref_squeeze %dma_start3A_160 : memref<1x1x128x128xf32, #tpu.memory_space<hbm>> -> memref<128x128xf32, #tpu.memory_space<hbm>>
        %dma_start3A_162 = arith.constant 0 : i32
        %dma_start3A_163 = arith.constant 0 : i32
        %dma_start3A_164 = tpu.memref_slice %arg2[%select_n3A, %add3A_157, %dma_start3A_162, %dma_start3A_163] : memref<8x256x128x128xf32, #tpu.memory_space<hbm>> -> memref<1x1x128x128xf32, #tpu.memory_space<hbm>>
        %dma_start3A_165 = tpu.memref_squeeze %dma_start3A_164 : memref<1x1x128x128xf32, #tpu.memory_space<hbm>> -> memref<128x128xf32, #tpu.memory_space<hbm>>
        tpu.enqueue_dma source(%dma_start3A_165 : memref<128x128xf32, #tpu.memory_space<hbm>>) target(%arg9 : memref<128x128xf32, #tpu.memory_space<vmem>>) target_semaphore(%arg13 : memref<!tpu.dma_semaphore, #tpu.memory_space<semaphore_mem>>)
      } else {
      }
    }
    %scan3A_59 = arith.constant 32 : i32
    %add3A_60 = arith.constant 64 : i32
    %add3A_61 = arith.addi %mul3A_32, %add3A_60 : i32
    %sub3A_62 = arith.constant 2 : i32
    %sub3A_63 = arith.subi %add3A_61, %sub3A_62 : i32
    %dma_wait3A = arith.constant 0 : i32
    %dma_wait3A_64 = arith.constant 0 : i32
    %dma_wait3A_65 = tpu.memref_slice %arg5[%select_n3A, %sub3A_63, %dma_wait3A, %dma_wait3A_64] : memref<8x256x128x128xf32, #tpu.memory_space<hbm>> -> memref<1x1x128x128xf32, #tpu.memory_space<hbm>>
    %dma_wait3A_66 = tpu.memref_squeeze %dma_wait3A_65 : memref<1x1x128x128xf32, #tpu.memory_space<hbm>> -> memref<128x128xf32, #tpu.memory_space<hbm>>
    %dma_wait3A_67 = arith.constant 0 : i32
    %dma_wait3A_68 = arith.constant 0 : i32
    %dma_wait3A_69 = tpu.memref_slice %arg5[%select_n3A, %sub3A_63, %dma_wait3A_67, %dma_wait3A_68] : memref<8x256x128x128xf32, #tpu.memory_space<hbm>> -> memref<1x1x128x128xf32, #tpu.memory_space<hbm>>
    %dma_wait3A_70 = tpu.memref_squeeze %dma_wait3A_69 : memref<1x1x128x128xf32, #tpu.memory_space<hbm>> -> memref<128x128xf32, #tpu.memory_space<hbm>>
    tpu.wait_dma2 semaphore(%arg14 : memref<!tpu.dma_semaphore, #tpu.memory_space<semaphore_mem>>) src(%arg10 : memref<128x128xf32, #tpu.memory_space<vmem>>) dst(%dma_wait3A_70 : memref<128x128xf32, #tpu.memory_space<hbm>>)
    %add3A_71 = arith.constant 64 : i32
    %add3A_72 = arith.addi %mul3A_32, %add3A_71 : i32
    %sub3A_73 = arith.constant 1 : i32
    %sub3A_74 = arith.subi %add3A_72, %sub3A_73 : i32
    %dma_wait3A_75 = arith.constant 0 : i32
    %dma_wait3A_76 = arith.constant 0 : i32
    %dma_wait3A_77 = tpu.memref_slice %arg5[%select_n3A, %sub3A_74, %dma_wait3A_75, %dma_wait3A_76] : memref<8x256x128x128xf32, #tpu.memory_space<hbm>> -> memref<1x1x128x128xf32, #tpu.memory_space<hbm>>
    %dma_wait3A_78 = tpu.memref_squeeze %dma_wait3A_77 : memref<1x1x128x128xf32, #tpu.memory_space<hbm>> -> memref<128x128xf32, #tpu.memory_space<hbm>>
    %dma_wait3A_79 = arith.constant 0 : i32
    %dma_wait3A_80 = arith.constant 0 : i32
    %dma_wait3A_81 = tpu.memref_slice %arg5[%select_n3A, %sub3A_74, %dma_wait3A_79, %dma_wait3A_80] : memref<8x256x128x128xf32, #tpu.memory_space<hbm>> -> memref<1x1x128x128xf32, #tpu.memory_space<hbm>>
    %dma_wait3A_82 = tpu.memref_squeeze %dma_wait3A_81 : memref<1x1x128x128xf32, #tpu.memory_space<hbm>> -> memref<128x128xf32, #tpu.memory_space<hbm>>
    tpu.wait_dma2 semaphore(%arg15 : memref<!tpu.dma_semaphore, #tpu.memory_space<semaphore_mem>>) src(%arg11 : memref<128x128xf32, #tpu.memory_space<vmem>>) dst(%dma_wait3A_82 : memref<128x128xf32, #tpu.memory_space<hbm>>)
    return
  }
}

</mosaic_0001>

<sc_bundles>
// kernel: kernel.4.cloned.1.call-start
scs
__scs_entry_jumppad:
0x0: {  	(pc) =	sbr.rel $0x88, $3  }
0x1: {  	(tag) =	ssettag $0x0;
	lr =	simm.s32 $0x1  }
0x2: {  	[smem:$0x3F9F] =	sst lr;
	_ =	strace $0xD0000000  }
0x3: {  	_ = 	snop  }
0x4: {  	_ = 	snop  }
0x5: {  	_ = 	snop  }
0x6: {  	_ = 	snop  }
0x7: {  	_ = 	snop  }
__scs_overlays_trampoline_lowered:
0x8: {  	[smem:$0x3FAE] =	sst s0  }
0x9: {  	[smem:$0x3FAF] =	sst s1  }
0xa: {  	[smem:$0x3FB0] =	sst s2  }
0xb: {  	[smem:$0x3FB1] =	sst s3  }
0xc: {  	[smem:$0x3FB2] =	sst s4  }
0xd: {  	[smem:$0x3FB3] =	sst s5  }
0xe: {  	[smem:$0x3FB4] =	sst s6  }
0xf: {  	[smem:$0x3FB5] =	sst s7  }
0x10: {  	[smem:$0x3FB6] =	sst s8  }
0x11: {  	[smem:$0x3FB7] =	sst s9;
	s0 =	simm.s32 @!p0 $0x0  }
0x12: {  	s1 =	sld [smem:$0x3F9D];
	s0 =	simm.s32 @p0 $0x1  }
0x13: {  	[smem:$0x3FB8] =	sst s0;
	s0 =	simm.s32 @!p1 $0x0  }
0x14: {  	s2 =	sld [smem:$0x3F9C];
	s0 =	simm.s32 @p1 $0x1  }
0x15: {  	[smem:$0x3FB9] =	sst s0;
	s0 =	simm.s32 @!p2 $0x0  }
0x16: {  	s3 =	sld [smem:$0x3FDB];
	s0 =	simm.s32 @p2 $0x1  }
0x17: {  	s4 =	simm.s32 $0x1BF5;
	[smem:$0x3FBB] =	sst s0  }
0x18: {  	s0 =	sld [smem:$0x3F9E];
	_ =	swait.ge [sflag:s4], $0x0  }
0x19: {  	s7 =	sld [smem:$0x3F9F]  }
0x1a: {  	s8 =	sadd.s32 $0xFFFFE003, lr  }
0x1b: {  	s9 =	sadd.s32 $0xFFFFFEF7, lr;
	s5 =	simm.s32 $0xFFFFFFFF;
	p2 =	slt.u32 s8, $0xFFFFF086  }
0x1c: {  	p1 =	slt.u32 s9, $0xF7A;
	s5 =	simm.s32 @!p2 $0x0  }
0x1d: {  	s5 =	simm.s32 @p1 $0x1;
	p0 =	seq.s32 s7, s2  }
0x1e: {  	s7 =	smul.u32 @!p0 $0xF7A, s2;
	p2 =	seq.s32 @!p0 s5, $0x0  }
0x1f: {  	s9 =	smul.u32 $0xF7A, s1;
	s8 =	simm.s32 @!p0 $0x1BF5;
	p2 =	por !p2, p0  }
0x20: {  	[sflag:s8] =	ssyncset.s32 @!p0 $0xFFFFF086;
	s6 =	sadd.s32 @!p0 s3, s7;
	s7 =	simm.s32 @!p0 $0x108  }
0x21: {  	s3 =	sadd.s32 s3, s9;
	s6 =	sadd.s32 @!p0 $0x88, s6;
	s7 =	simm.s32 @p2 $0x1082  }
0x22: {  	[simem:s7], [sflag:s8] =	dma.local @!p0 [hbm:s6], $0xF7A  }
0x23: {  	s9 =	sor.u32 $0xD0000000, s2;
	s6 =	simm.s32 $0x108;
	_ =	swait.ge @!p0 [sflag:s8], $0x0  }
0x24: {  	s3 =	sadd.s32 $0x88, s3;
	s6 =	simm.s32 @!p1 $0x1082;
	[sflag:s4] =	ssyncset.s32 $0xFFFFF086  }
0x25: {  	[simem:s6], [sflag:s4] =	dma.local [hbm:s3], $0xF7A  }
0x26: {  	[smem:$0x3F9F] =	sst s1;
	(tag) =	ssettag s2;
	_ =	strace s9  }
0x27: {  	s1 =	sld [smem:$0x3FAF]  }
0x28: {  	s2 =	sld [smem:$0x3FB0]  }
0x29: {  	s4 =	sld [smem:$0x3FB2]  }
0x2a: {  	p0 =	seq.s32 s5, $0x0;
	s5 =	sld [smem:$0x3FB3]  }
0x2b: {  	s6 =	sld [smem:$0x3FB4]  }
0x2c: {  	s7 =	sld [smem:$0x3FB5]  }
0x2d: {  	s3 =	simm.s32 $0x108;
	s8 =	sld [smem:$0x3FB6]  }
0x2e: {  	s3 =	simm.s32 @!p0 $0x1082;
	s9 =	sld [smem:$0x3FB7]  }
0x2f: {  	lr =	sadd.s32 s0, s3;
	s0 =	sld [smem:$0x3FAE]  }
0x30: {  	s3 =	sld [smem:$0x3FB1]  }
0x31: {  	[smem:$0x3FBA] =	sst s10  }
0x32: {  	s10 =	sld [smem:$0x3FB8];
	_ =	sdelay $0x3  }
0x33: {  	p0 =	seq.s32 s10, $0x1;
	s10 =	sld [smem:$0x3FBA];
	_ =	sdelay $0x3  }
0x34: {  	[smem:$0x3FBA] =	sst s10  }
0x35: {  	s10 =	sld [smem:$0x3FB9];
	_ =	sdelay $0x3  }
0x36: {  	p1 =	seq.s32 s10, $0x1;
	s10 =	sld [smem:$0x3FBA];
	_ =	sdelay $0x3  }
0x37: {  	[smem:$0x3FBA] =	sst s10  }
0x38: {  	s10 =	sld [smem:$0x3FBB]  }
0x39: {  	_ = 	snop;
	(pc) =	sbr.ind lr, $3  }
0x3a: {  	_ = 	snop  }
0x3b: {  	_ = 	snop  }
0x3c: {  	p2 =	seq.s32 s10, $0x1;
	s10 =	sld [smem:$0x3FBA]  }
0x3d: {  	_ =	shalt  }
0x3e: {  	_ =	shalt  }
0x3f: {  	_ =	shalt  }
0x40: {  	_ =	shalt  }
0x41: {  	_ =	shalt  }
0x42: {  	_ =	shalt  }
0x43: {  	_ =	shalt  }
0x44: {  	_ =	shalt  }
0x45: {  	_ =	shalt  }
0x46: {  	_ =	shalt  }
0x47: {  	_ =	shalt  }
0x48: {  	_ =	shalt  }
0x49: {  	_ =	shalt  }
0x4a: {  	_ =	shalt  }
0x4b: {  	_ =	shalt  }
0x4c: {  	_ =	shalt  }
0x4d: {  	_ =	shalt  }
0x4e: {  	_ =	shalt  }
0x4f: {  	_ =	shalt  }
0x50: {  	_ =	shalt  }
0x51: {  	_ =	shalt  }
0x52: {  	_ =	shalt  }
0x53: {  	_ =	shalt  }
0x54: {  	_ =	shalt  }
0x55: {  	_ =	shalt  }
0x56: {  	_ =	shalt  }
0x57: {  	_ =	shalt  }
0x58: {  	_ =	shalt  }
0x59: {  	_ =	shalt  }
0x5a: {  	_ =	shalt  }
0x5b: {  	_ =	shalt  }
0x5c: {  	_ =	shalt  }
0x5d: {  	_ =	shalt  }
0x5e: {  	_ =	shalt  }
0x5f: {  	_ =	shalt  }
0x60: {  	_ =	shalt  }
0x61: {  	_ =	shalt  }
0x62: {  	_ =	shalt  }
0x63: {  	_ =	shalt  }
0x64: {  	_ =	shalt  }
0x65: {  	_ =	shalt  }
0x66: {  	_ =	shalt  }
0x67: {  	_ =	shalt  }
0x68: {  	_ =	shalt  }
0x69: {  	_ =	shalt  }
0x6a: {  	_ =	shalt  }
0x6b: {  	_ =	shalt  }
0x6c: {  	_ =	shalt  }
0x6d: {  	_ =	shalt  }
0x6e: {  	_ =	shalt  }
0x6f: {  	_ =	shalt  }
0x70: {  	_ =	shalt  }
0x71: {  	_ =	shalt  }
0x72: {  	_ =	shalt  }
0x73: {  	_ =	shalt  }
0x74: {  	_ =	shalt  }
0x75: {  	_ =	shalt  }
0x76: {  	_ =	shalt  }
0x77: {  	_ =	shalt  }
0x78: {  	_ =	shalt  }
0x79: {  	_ =	shalt  }
0x7a: {  	_ =	shalt  }
0x7b: {  	_ =	shalt  }
0x7c: {  	_ =	shalt  }
0x7d: {  	_ =	shalt  }
0x7e: {  	_ =	shalt  }
0x7f: {  	_ =	shalt  }
0x80: {  	_ =	shalt  }
0x81: {  	_ =	shalt  }
0x82: {  	_ =	shalt  }
0x83: {  	_ =	shalt  }
0x84: {  	_ =	shalt  }
0x85: {  	_ =	shalt  }
0x86: {  	_ =	shalt  }
0x87: {  	_ =	shalt  }
.Lfunc_end0:
.L_simem_size_0:
called_computation_lowered:
.L_overlay_start_0:
0x88: {  	s2 =	sld [smem:$0x3FD9]  }
0x89: {  	s3 =	sld [smem:$0x3FFE];
	_ =	sdelay $0x1  }
0x8a: {  	s1 =	srdreg.scid  }
0x8b: {  	s0 =	sand.u32 $0x1, s1  }
0x8c: {  	s18 =	sshll.u32 s0, $0xA;
	s2 =	sadd.s32 s3, s2  }
0x8d: {  	s2 =	sadd.s32 s2, s18  }
0x8e: {  	[smem:$0x3FC6] =	sst s2  }
0x8f: {  	_ = 	snop  }
0x90: {  	s2 =	sld [smem:$0x3FC8]  }
0x91: {  	s19 =	sld [smem:$0x3FD0];
	(tm) =	ssettm $0x1  }
0x92: {  	s4 =	sld [smem:$0x3FFB];
	_ =	sdelay $0x3  }
0x93: {  	_ =	strace s4  }
0x94: {  	s4 =	sld [smem:$0x3FFC];
	_ =	sdelay $0x3  }
0x95: {  	_ =	strace s4  }
0x96: {  	s4 =	sld [smem:$0x3FFD];
	_ =	sdelay $0x3  }
0x97: {  	_ =	strace s4  }
0x98: {  	_ =	strace $0x8FFFFFFF  }
0x99: {  	s20 =	sld [smem:$0x3FDB];
	_ =	sdelay $0x1  }
0x9a: {  	s5 =	simm.s32 $_scs_section_size  }
0x9b: {  	s6 =	simm.s32 $_size__tile_overlayer_lowered;
	s7 =	simm.s32 $_tile_overlayer_lowered  }
0x9c: {  	s23 =	simm.s32 $0x1BFF;
	s22 =	sshll.u32 s7, $0x1;
	s4 =	sadd.s32 s5, s20  }
0x9d: {  	s8 =	simm.s32 $0x0;
	s21 =	sshll.u32 s6, $0x1;
	s6 =	sadd.s32 s22, s4  }
0x9e: {  	[timem:s8], [sflag:s23] =	dma.local [hbm:s6], s21  }
0x9f: {  	_ =	swait.ge [sflag:s23], s21  }
0xa0: {  	s5 =	ssub.s32 $0x0, s21;
	[sflag:s23] =	ssyncset.done $0x0  }
0xa1: {  	[sflag:s23] =	ssyncadd.s32 s5;
	_ =	sdelay $0x1  }
0xa2: {  	s24 =	simm.s32 $0x1B8B  }
0xa3: {  	_ =	swait.ge [sflag:s24], $0x1  }
0xa4: {  	[sflag:s24] =	ssyncset.done $0x0  }
0xa5: {  	s25 =	simm.s32 $0x1B8E;
	[sflag:s24] =	ssyncadd.s32 $0xFFFFFFFF  }
0xa6: {  	s26 =	simm.s32 $execute0_lowered;
	[smem:$0x3FD2] =	sst s25  }
0xa7: {  	s5 =	sshll.u32 s26, $0x1;
	_ =	strace $0x80000046;
	[dreg:$0x1] =	wrdreg $0xFFFFFFFF  }
0xa8: {  	s28 =	simm.s32 $_size_execute0_lowered;
	s4 =	sadd.s32 s4, s5;
	[dreg:$0x0] =	wrdreg $0x0  }
0xa9: {  	s5 =	sshll.u32 s28, $0x1;
	[dreg:$0x2] =	wrdreg s4  }
0xaa: {  	[dreg:$0x3] =	wrdreg s5  }
0xab: {  	[dreg:$0x4] =	wrdreg $0xC0  }
0xac: {  	_ =	task [dreg:s8], $0x5FFFF  }
0xad: {  	[dreg:$0x1] =	wrdreg $0xFFFFFFFF  }
0xae: {  	[dreg:$0x0] =	wrdreg $0x60  }
0xaf: {  	[dreg:$0x2] =	wrdreg s2  }
0xb0: {  	[dreg:$0x3] =	wrdreg s19  }
0xb1: {  	[dreg:$0x4] =	wrdreg $0x9  }
0xb2: {  	_ =	task.clear_ibuf [dreg:s8], $0x5FFFF;
	_ =	strace $0x90000046  }
0xb3: {  	s29 =	simm.s32 $0x9;
	_ =	strace $0x80000048  }
0xb4: {  	_ =	swait.ge [sflag:s29], $0x1  }
0xb5: {  	[sflag:s29] =	ssyncadd.s32 $0xFFFFFFFF  }
0xb6: {  	_ =	strace $0x90000048  }
0xb7: {  	_ =	sfence  }
0xb8: {  	s30 =	sld [smem:$0x0];
	_ =	sdelay $0x2  }
0xb9: {  	s31 =	sshll.u32 s1, $0xD;
	s1 =	sshrl.u32 s1, $0x2  }
0xba: {  	s3 =	sand.u32 $0x4000, s31;
	s1 =	sadd.s32 s1, s30  }
0xbb: {  	s0 =	sor.u32 s3, s0;
	s1 =	sshll.u32 s1, $0x11  }
0xbc: {  	s0 =	sor.u32 s1, s0  }
0xbd: {  	s0 =	sadd.s32 $0x8F2B, s0  }
0xbe: {  	[sflag:s0] =	ssyncadd.remote.s32 $0x1  }
0xbf: {  	_ =	sfence.sel $0xFFFF  }
0xc0: {  	[dreg:$0x0] =	wrdreg $0xFFFFFFFF;
	(pc) =	sbr.abs _section_cstart, $3  }
0xc1: {  	[dreg:$0x1] =	wrdreg $0xFFFFFFFF  }
0xc2: {  	_ =	task.clear_ibuf [dreg:s8], $0x2FFFF;
	_ =	strace $0x9FFFFFFF  }
0xc3: {  	(tm) =	ssettm $0x7FFFFFFF  }
tec
execute0_lowered:
.L_overlay_start_1:
0x0: {  	(tag) =	ssettag $0x1  }
0x1: {  	s3 =	rddreg [dreg:$0x0]  }
0x2: {  	s4 =	rddreg [dreg:$0x1]  }
0x3: {  	s0 =	rddreg [dreg:$0x2];
	s2 =	simm.s32 $0x0;
	s5 =	srdreg.scid  }
0x4: {  	s1 =	stileid.u32;
	[smem:$0x7FF] =	sst s2;
	s5 =	sand.u32 $0x1, s5  }
0x5: {  	s7 =	sshll.u32 s1, $0x1;
	s31 =	sshll.u32 s1, $0xA;
	s10 =	sshll.u32 s1, $0x6  }
0x6: {  	_ =	strace $0x80000047;
	s6 =	ssub.s32 $0x2, s5;
	s5 =	sor.u32 s5, s7  }
0x7: {  	s7 =	sand.u32 $0x3800, s31;
	s10 =	sand.u32 $0x300, s10;
	s8 =	sshrl.u32 s6, $0x1  }
0x8: {  	s9 =	sshll.u32 s5, $0x9;
	s5 =	sshll.u32 s5, $0x4;
	s3 =	sadd.s32 s3, s7  }
0x9: {  	s4 =	sadd.s32 s4, s10;
	s7 =	simm.s32 $0x1000;
	s10 =	simm.s32 $0x0  }
0xa: {  	s9 =	sand.u32 $0x600, s9;
	s5 =	sand.u32 $0x70, s5;
	s6 =	ssub.s32 s6, s8  }
0xb: {  	s8 =	simm.s32 $0x80;
	s3 =	sadd.s32 s9, s3;
	s4 =	sadd.s32 s5, s4  }
0xc: {  	v0 =	vimm.s32 $0x0;
	v1 =	vimm.s32 $0x1;
	s5 =	smax.u32 s6, $0x1;
	s6 =	simm.s32 $0x1;
	s9 =	simm.s32 $0x400  }
.LBB2_1:
0xd: {  	[tilespmem:s2], [sflag:$0x1] =	stream.linear.gather [hbm4b:s3+s2], $0x1000, $0x38;
	[tilespmem:$0x1100] =	vst v63  }
0xe: {  	_ =	swait.ge [sflag:s6], $0x1000  }
0xf: {  	[sflag:s6] =	ssyncset.done $0x0  }
0x10: {  	[sflag:s6] =	ssyncadd.s32 $0xFFFFF000  }
0x11: {  	[tilespmem:$0x1000] =	vst v0  }
0x12: {  	[tilespmem:$0x1010] =	vst v0  }
0x13: {  	[tilespmem:$0x1020] =	vst v0  }
0x14: {  	[tilespmem:$0x1030] =	vst v0  }
0x15: {  	[tilespmem:$0x1040] =	vst v0  }
0x16: {  	[tilespmem:$0x1050] =	vst v0  }
0x17: {  	[tilespmem:$0x1060] =	vst v0  }
0x18: {  	[tilespmem:$0x1070] =	vst v0  }
0x19: {  	[tilespmem:$0x1080] =	vst v0  }
0x1a: {  	[tilespmem:$0x1090] =	vst v0  }
0x1b: {  	[tilespmem:$0x10A0] =	vst v0  }
0x1c: {  	[tilespmem:$0x10B0] =	vst v0  }
0x1d: {  	[tilespmem:$0x10C0] =	vst v0  }
0x1e: {  	[tilespmem:$0x10D0] =	vst v0  }
0x1f: {  	[tilespmem:$0x10E0] =	vst v0  }
0x20: {  	s11 =	simm.s32 $0x0;
	[tilespmem:$0x10F0] =	vst v0  }
.LBB2_2:
0x21: {  	s12 =	sshra.s32 s11, $0x2  }
0x22: {  	v2 =	vld [tilespmem:s12+$0x0];
	_ =	sdelay $0x7  }
0x23: {  	[tilespmem:v2+s7+$0x0] =	vst.idx.msk $0xffff, v1  }
0x24: {  	v2 =	vld [tilespmem:s12+$0x10];
	_ =	sdelay $0x7  }
0x25: {  	[tilespmem:v2+s7+$0x0] =	vst.idx.msk $0xffff, v1  }
0x26: {  	v2 =	vld [tilespmem:s12+$0x20];
	_ =	sdelay $0x7  }
0x27: {  	[tilespmem:v2+s7+$0x0] =	vst.idx.msk $0xffff, v1  }
0x28: {  	v2 =	vld [tilespmem:s12+$0x30];
	_ =	sdelay $0x7  }
0x29: {  	[tilespmem:v2+s7+$0x0] =	vst.idx.msk $0xffff, v1  }
0x2a: {  	v2 =	vld [tilespmem:s12+$0x40];
	_ =	sdelay $0x7  }
0x2b: {  	[tilespmem:v2+s7+$0x0] =	vst.idx.msk $0xffff, v1  }
0x2c: {  	v2 =	vld [tilespmem:s12+$0x50];
	_ =	sdelay $0x7  }
0x2d: {  	[tilespmem:v2+s7+$0x0] =	vst.idx.msk $0xffff, v1  }
0x2e: {  	v2 =	vld [tilespmem:s12+$0x60];
	_ =	sdelay $0x7  }
0x2f: {  	[tilespmem:v2+s7+$0x0] =	vst.idx.msk $0xffff, v1  }
0x30: {  	v2 =	vld [tilespmem:s12+$0x70];
	_ =	sdelay $0x2  }
0x31: {  	p0 =	sne.s32 s11, $0x3E00  }
.Ltmp0:
0x32: {  	_ = 	snop;
	(pc) =	sbr.rel @p0 .LBB2_2-.Ltmp0, $2  }
0x33: {  	_ =	sdelay $0x2  }
0x34: {  	s11 =	sadd.s32 $0x200, s11;
	[tilespmem:v2+s7+$0x0] =	vst.idx.msk $0xffff, v1  }
0x35: {  	s10 =	sadd.s32 $0x1, s10  }
0x36: {  	p0 =	sne.s32 s10, s5  }
.Ltmp1:
0x37: {  	_ = 	snop;
	(pc) =	sbr.rel @p0 .LBB2_1-.Ltmp1, $4  }
0x38: {  	[hbm4b:s4+s8] =	stream.strided.scatter [tilespmem:s7], [sflag:$0x1], $0x100, s9, s8, $0x38;
	[tilespmem:$0x1100] =	vst v63  }
0x39: {  	_ =	swait.ge [sflag:s6], $0x100  }
0x3a: {  	[sflag:s6] =	ssyncset.done $0x0  }
0x3b: {  	[sflag:s6] =	ssyncadd.s32 $0xFFFFFF00  }
0x3c: {  	_ =	sfence.sel $0x180000  }
0x3d: {  	[bflag:$0x0] =	sbarrier.arrive $0xFFFF  }
0x3e: {  	p0 =	sne.s32 s1, $0x0;
	_ =	strace $0x90000047  }
0x3f: {  	s0 =	sadd.s32 @!p0 $0x100000, s0;
	[bflag:$0x2] =	sbarrier.arrive $0xFFFF  }
0x40: {  	[sflag:s0] =	ssyncadd.tile.s32 @!p0 $0x1;
	_ =	shalt  }
.Lfunc_end2:
_tile_overlayer_lowered:
.L_overlay_start_2:
0x41: {  	(tag) =	ssettag $0x2  }
0x42: {  	s0 =	rddreg [dreg:$0x0];
	s2 =	stileid.u32  }
0x43: {  	s1 =	rddreg [dreg:$0x1];
	p0 =	sne.s32 s2, $0x0  }
0x44: {  	s3 =	rddreg [dreg:$0x2];
	[bflag:$0x3] =	sbarrier.arrive $0xFFFF;
	s2 =	simm.s32 @!p0 $0x1C01  }
0x45: {  	[timem:s3], [sflag:s2] =	dma.local @!p0 [hbm:s0], s1  }
0x46: {  	s0 =	simm.s32 @!p0 $0x1  }
0x47: {  	_ =	swait.ge @!p0 [sflag:s0], s1  }
0x48: {  	s1 =	ssub.s32 @!p0 $0x0, s1;
	[sflag:s0] =	ssyncset.done @!p0 $0x0  }
0x49: {  	[sflag:s0] =	ssyncadd.s32 @!p0 s1  }
0x4a: {  	[bflag:$0x3] =	sbarrier.arrive $0xFFFF  }
0x4b: {  	_ =	shalt  }

// kernel: kernel.7.cloned.1.call-start
scs
__scs_entry_jumppad:
0x0: {  	(pc) =	sbr.rel $0x88, $3  }
0x1: {  	(tag) =	ssettag $0x0;
	lr =	simm.s32 $0x1  }
0x2: {  	[smem:$0x3F9F] =	sst lr;
	_ =	strace $0xD0000000  }
0x3: {  	_ = 	snop  }
0x4: {  	_ = 	snop  }
0x5: {  	_ = 	snop  }
0x6: {  	_ = 	snop  }
0x7: {  	_ = 	snop  }
__scs_overlays_trampoline_lowered:
0x8: {  	[smem:$0x3FAE] =	sst s0  }
0x9: {  	[smem:$0x3FAF] =	sst s1  }
0xa: {  	[smem:$0x3FB0] =	sst s2  }
0xb: {  	[smem:$0x3FB1] =	sst s3  }
0xc: {  	[smem:$0x3FB2] =	sst s4  }
0xd: {  	[smem:$0x3FB3] =	sst s5  }
0xe: {  	[smem:$0x3FB4] =	sst s6  }
0xf: {  	[smem:$0x3FB5] =	sst s7  }
0x10: {  	[smem:$0x3FB6] =	sst s8  }
0x11: {  	[smem:$0x3FB7] =	sst s9;
	s0 =	simm.s32 @!p0 $0x0  }
0x12: {  	s1 =	sld [smem:$0x3F9D];
	s0 =	simm.s32 @p0 $0x1  }
0x13: {  	[smem:$0x3FB8] =	sst s0;
	s0 =	simm.s32 @!p1 $0x0  }
0x14: {  	s2 =	sld [smem:$0x3F9C];
	s0 =	simm.s32 @p1 $0x1  }
0x15: {  	[smem:$0x3FB9] =	sst s0;
	s0 =	simm.s32 @!p2 $0x0  }
0x16: {  	s3 =	sld [smem:$0x3FDB];
	s0 =	simm.s32 @p2 $0x1  }
0x17: {  	s4 =	simm.s32 $0x1BF5;
	[smem:$0x3FBB] =	sst s0  }
0x18: {  	s0 =	sld [smem:$0x3F9E];
	_ =	swait.ge [sflag:s4], $0x0  }
0x19: {  	s7 =	sld [smem:$0x3F9F]  }
0x1a: {  	s8 =	sadd.s32 $0xFFFFE003, lr  }
0x1b: {  	s9 =	sadd.s32 $0xFFFFFEF7, lr;
	s5 =	simm.s32 $0xFFFFFFFF;
	p2 =	slt.u32 s8, $0xFFFFF086  }
0x1c: {  	p1 =	slt.u32 s9, $0xF7A;
	s5 =	simm.s32 @!p2 $0x0  }
0x1d: {  	s5 =	simm.s32 @p1 $0x1;
	p0 =	seq.s32 s7, s2  }
0x1e: {  	s7 =	smul.u32 @!p0 $0xF7A, s2;
	p2 =	seq.s32 @!p0 s5, $0x0  }
0x1f: {  	s9 =	smul.u32 $0xF7A, s1;
	s8 =	simm.s32 @!p0 $0x1BF5;
	p2 =	por !p2, p0  }
0x20: {  	[sflag:s8] =	ssyncset.s32 @!p0 $0xFFFFF086;
	s6 =	sadd.s32 @!p0 s3, s7;
	s7 =	simm.s32 @!p0 $0x108  }
0x21: {  	s3 =	sadd.s32 s3, s9;
	s6 =	sadd.s32 @!p0 $0x88, s6;
	s7 =	simm.s32 @p2 $0x1082  }
0x22: {  	[simem:s7], [sflag:s8] =	dma.local @!p0 [hbm:s6], $0xF7A  }
0x23: {  	s9 =	sor.u32 $0xD0000000, s2;
	s6 =	simm.s32 $0x108;
	_ =	swait.ge @!p0 [sflag:s8], $0x0  }
0x24: {  	s3 =	sadd.s32 $0x88, s3;
	s6 =	simm.s32 @!p1 $0x1082;
	[sflag:s4] =	ssyncset.s32 $0xFFFFF086  }
0x25: {  	[simem:s6], [sflag:s4] =	dma.local [hbm:s3], $0xF7A  }
0x26: {  	[smem:$0x3F9F] =	sst s1;
	(tag) =	ssettag s2;
	_ =	strace s9  }
0x27: {  	s1 =	sld [smem:$0x3FAF]  }
0x28: {  	s2 =	sld [smem:$0x3FB0]  }
0x29: {  	s4 =	sld [smem:$0x3FB2]  }
0x2a: {  	p0 =	seq.s32 s5, $0x0;
	s5 =	sld [smem:$0x3FB3]  }
0x2b: {  	s6 =	sld [smem:$0x3FB4]  }
0x2c: {  	s7 =	sld [smem:$0x3FB5]  }
0x2d: {  	s3 =	simm.s32 $0x108;
	s8 =	sld [smem:$0x3FB6]  }
0x2e: {  	s3 =	simm.s32 @!p0 $0x1082;
	s9 =	sld [smem:$0x3FB7]  }
0x2f: {  	lr =	sadd.s32 s0, s3;
	s0 =	sld [smem:$0x3FAE]  }
0x30: {  	s3 =	sld [smem:$0x3FB1]  }
0x31: {  	[smem:$0x3FBA] =	sst s10  }
0x32: {  	s10 =	sld [smem:$0x3FB8];
	_ =	sdelay $0x3  }
0x33: {  	p0 =	seq.s32 s10, $0x1;
	s10 =	sld [smem:$0x3FBA];
	_ =	sdelay $0x3  }
0x34: {  	[smem:$0x3FBA] =	sst s10  }
0x35: {  	s10 =	sld [smem:$0x3FB9];
	_ =	sdelay $0x3  }
0x36: {  	p1 =	seq.s32 s10, $0x1;
	s10 =	sld [smem:$0x3FBA];
	_ =	sdelay $0x3  }
0x37: {  	[smem:$0x3FBA] =	sst s10  }
0x38: {  	s10 =	sld [smem:$0x3FBB]  }
0x39: {  	_ = 	snop;
	(pc) =	sbr.ind lr, $3  }
0x3a: {  	_ = 	snop  }
0x3b: {  	_ = 	snop  }
0x3c: {  	p2 =	seq.s32 s10, $0x1;
	s10 =	sld [smem:$0x3FBA]  }
0x3d: {  	_ =	shalt  }
0x3e: {  	_ =	shalt  }
0x3f: {  	_ =	shalt  }
0x40: {  	_ =	shalt  }
0x41: {  	_ =	shalt  }
0x42: {  	_ =	shalt  }
0x43: {  	_ =	shalt  }
0x44: {  	_ =	shalt  }
0x45: {  	_ =	shalt  }
0x46: {  	_ =	shalt  }
0x47: {  	_ =	shalt  }
0x48: {  	_ =	shalt  }
0x49: {  	_ =	shalt  }
0x4a: {  	_ =	shalt  }
0x4b: {  	_ =	shalt  }
0x4c: {  	_ =	shalt  }
0x4d: {  	_ =	shalt  }
0x4e: {  	_ =	shalt  }
0x4f: {  	_ =	shalt  }
0x50: {  	_ =	shalt  }
0x51: {  	_ =	shalt  }
0x52: {  	_ =	shalt  }
0x53: {  	_ =	shalt  }
0x54: {  	_ =	shalt  }
0x55: {  	_ =	shalt  }
0x56: {  	_ =	shalt  }
0x57: {  	_ =	shalt  }
0x58: {  	_ =	shalt  }
0x59: {  	_ =	shalt  }
0x5a: {  	_ =	shalt  }
0x5b: {  	_ =	shalt  }
0x5c: {  	_ =	shalt  }
0x5d: {  	_ =	shalt  }
0x5e: {  	_ =	shalt  }
0x5f: {  	_ =	shalt  }
0x60: {  	_ =	shalt  }
0x61: {  	_ =	shalt  }
0x62: {  	_ =	shalt  }
0x63: {  	_ =	shalt  }
0x64: {  	_ =	shalt  }
0x65: {  	_ =	shalt  }
0x66: {  	_ =	shalt  }
0x67: {  	_ =	shalt  }
0x68: {  	_ =	shalt  }
0x69: {  	_ =	shalt  }
0x6a: {  	_ =	shalt  }
0x6b: {  	_ =	shalt  }
0x6c: {  	_ =	shalt  }
0x6d: {  	_ =	shalt  }
0x6e: {  	_ =	shalt  }
0x6f: {  	_ =	shalt  }
0x70: {  	_ =	shalt  }
0x71: {  	_ =	shalt  }
0x72: {  	_ =	shalt  }
0x73: {  	_ =	shalt  }
0x74: {  	_ =	shalt  }
0x75: {  	_ =	shalt  }
0x76: {  	_ =	shalt  }
0x77: {  	_ =	shalt  }
0x78: {  	_ =	shalt  }
0x79: {  	_ =	shalt  }
0x7a: {  	_ =	shalt  }
0x7b: {  	_ =	shalt  }
0x7c: {  	_ =	shalt  }
0x7d: {  	_ =	shalt  }
0x7e: {  	_ =	shalt  }
0x7f: {  	_ =	shalt  }
0x80: {  	_ =	shalt  }
0x81: {  	_ =	shalt  }
0x82: {  	_ =	shalt  }
0x83: {  	_ =	shalt  }
0x84: {  	_ =	shalt  }
0x85: {  	_ =	shalt  }
0x86: {  	_ =	shalt  }
0x87: {  	_ =	shalt  }
.Lfunc_end0:
.L_simem_size_0:
called_computation.1_lowered:
.L_overlay_start_0:
0x88: {  	s2 =	sld [smem:$0x3FD9]  }
0x89: {  	s3 =	sld [smem:$0x3FFE];
	_ =	sdelay $0x1  }
0x8a: {  	s1 =	srdreg.scid  }
0x8b: {  	s0 =	sand.u32 $0x1, s1  }
0x8c: {  	s17 =	sshll.u32 s0, $0xA;
	s2 =	sadd.s32 s3, s2  }
0x8d: {  	s2 =	sadd.s32 s2, s17  }
0x8e: {  	[smem:$0x3FC6] =	sst s2  }
0x8f: {  	_ = 	snop  }
0x90: {  	s2 =	sld [smem:$0x3FC9]  }
0x91: {  	s18 =	sld [smem:$0x3FC8]  }
0x92: {  	s4 =	sld [smem:$0x3FD0];
	(tm) =	ssettm $0x1  }
0x93: {  	s5 =	sld [smem:$0x3FFB];
	_ =	sdelay $0x3  }
0x94: {  	_ =	strace s5  }
0x95: {  	s5 =	sld [smem:$0x3FFC];
	_ =	sdelay $0x3  }
0x96: {  	_ =	strace s5  }
0x97: {  	s5 =	sld [smem:$0x3FFD];
	_ =	sdelay $0x3  }
0x98: {  	_ =	strace s5  }
0x99: {  	_ =	strace $0x8FFFFFFF  }
0x9a: {  	s19 =	sld [smem:$0x3FDB];
	_ =	sdelay $0x1  }
0x9b: {  	s6 =	simm.s32 $_scs_section_size  }
0x9c: {  	s7 =	simm.s32 $_size__tile_overlayer_lowered;
	s8 =	simm.s32 $_tile_overlayer_lowered  }
0x9d: {  	s22 =	simm.s32 $0x1BFF;
	s21 =	sshll.u32 s8, $0x1;
	s5 =	sadd.s32 s6, s19  }
0x9e: {  	s9 =	simm.s32 $0x0;
	s20 =	sshll.u32 s7, $0x1;
	s7 =	sadd.s32 s21, s5  }
0x9f: {  	[timem:s9], [sflag:s22] =	dma.local [hbm:s7], s20  }
0xa0: {  	_ =	swait.ge [sflag:s22], s20  }
0xa1: {  	s6 =	ssub.s32 $0x0, s20;
	[sflag:s22] =	ssyncset.done $0x0  }
0xa2: {  	[sflag:s22] =	ssyncadd.s32 s6;
	_ =	sdelay $0x1  }
0xa3: {  	s23 =	simm.s32 $0x1B8B  }
0xa4: {  	_ =	swait.ge [sflag:s23], $0x1  }
0xa5: {  	[sflag:s23] =	ssyncset.done $0x0  }
0xa6: {  	s25 =	simm.s32 $0x1B8E;
	s24 =	sld [smem:$0x3FFE];
	[sflag:s23] =	ssyncadd.s32 $0xFFFFFFFF  }
0xa7: {  	s26 =	simm.s32 $execute0_lowered;
	[smem:$0x3FD2] =	sst s25  }
0xa8: {  	s7 =	sshll.u32 s26, $0x1;
	_ =	strace $0x80000049;
	[dreg:$0x1] =	wrdreg $0xFFFFFFFF  }
0xa9: {  	s28 =	simm.s32 $_size_execute0_lowered;
	s5 =	sadd.s32 s5, s7;
	[dreg:$0x0] =	wrdreg $0x0  }
0xaa: {  	s7 =	sshll.u32 s28, $0x1;
	[dreg:$0x2] =	wrdreg s5  }
0xab: {  	[dreg:$0x3] =	wrdreg s7  }
0xac: {  	[dreg:$0x4] =	wrdreg $0xC0  }
0xad: {  	_ =	task [dreg:s9], $0x5FFFF  }
0xae: {  	[dreg:$0x1] =	wrdreg $0xFFFFFFFF  }
0xaf: {  	[dreg:$0x0] =	wrdreg $0x60  }
0xb0: {  	[dreg:$0x2] =	wrdreg s2  }
0xb1: {  	[dreg:$0x3] =	wrdreg s18  }
0xb2: {  	[dreg:$0x4] =	wrdreg s24  }
0xb3: {  	[dreg:$0x5] =	wrdreg s4  }
0xb4: {  	[dreg:$0x6] =	wrdreg $0x9  }
0xb5: {  	_ =	task.clear_ibuf [dreg:s9], $0x7FFFF;
	_ =	strace $0x90000049  }
0xb6: {  	s29 =	simm.s32 $0x9;
	_ =	strace $0x8000004B  }
0xb7: {  	_ =	swait.ge [sflag:s29], $0x1  }
0xb8: {  	[sflag:s29] =	ssyncadd.s32 $0xFFFFFFFF  }
0xb9: {  	_ =	strace $0x9000004B  }
0xba: {  	_ =	sfence  }
0xbb: {  	s30 =	sld [smem:$0x0];
	_ =	sdelay $0x2  }
0xbc: {  	s31 =	sshll.u32 s1, $0xD;
	s1 =	sshrl.u32 s1, $0x2  }
0xbd: {  	s3 =	sand.u32 $0x4000, s31;
	s1 =	sadd.s32 s1, s30  }
0xbe: {  	s0 =	sor.u32 s3, s0;
	s1 =	sshll.u32 s1, $0x11  }
0xbf: {  	s0 =	sor.u32 s1, s0  }
0xc0: {  	s0 =	sadd.s32 $0x8F2B, s0  }
0xc1: {  	[sflag:s0] =	ssyncadd.remote.s32 $0x1  }
0xc2: {  	_ =	sfence.sel $0xFFFF  }
0xc3: {  	[dreg:$0x0] =	wrdreg $0xFFFFFFFF;
	(pc) =	sbr.abs _section_cstart, $3  }
0xc4: {  	[dreg:$0x1] =	wrdreg $0xFFFFFFFF  }
0xc5: {  	_ =	task.clear_ibuf [dreg:s9], $0x2FFFF;
	_ =	strace $0x9FFFFFFF  }
0xc6: {  	(tm) =	ssettm $0x7FFFFFFF  }
0xc7: {  	_ =	shalt  }
tec
execute0_lowered:
.L_overlay_start_1:
0x0: {  	(tag) =	ssettag $0x1  }
0x1: {  	s1 =	rddreg [dreg:$0x0]  }
0x2: {  	s0 =	rddreg [dreg:$0x1]  }
0x3: {  	s2 =	rddreg [dreg:$0x2]  }
0x4: {  	s3 =	rddreg [dreg:$0x3];
	s8 =	stileid.u32;
	s4 =	simm.s32 $0x0  }
0x5: {  	s5 =	srdreg.scid;
	s14 =	simm.s32 $0x4000;
	s17 =	simm.s32 $0x1  }
0x6: {  	s18 =	simm.s32 $0x10000;
	s19 =	simm.s32 $0x2;
	s6 =	sshll.u32 s8, $0x1  }
0x7: {  	[smem:$0x7FF] =	sst s4;
	s5 =	sand.u32 $0x1, s5;
	s8 =	sshrl.u32 s8, $0x1  }
0x8: {  	s6 =	sand.u32 $0x2, s6;
	s7 =	ssub.s32 $0x2, s5;
	_ =	strace $0x8000004A  }
0x9: {  	s9 =	sor.u32 s5, s6;
	s26 =	sshrl.u32 s7, $0x1;
	s5 =	sshll.u32 s8, $0x16  }
0xa: {  	s8 =	sshll.u32 s8, $0xB;
	s10 =	sshll.u32 s9, $0x14;
	s7 =	ssub.s32 s7, s26  }
0xb: {  	s0 =	sadd.s32 s0, s8;
	s28 =	sshll.u32 s9, $0xB;
	s10 =	sor.u32 s5, s10  }
.Ltmp0:
0xc: {  	[dreg:$0x5] =	wrdreg s0;
	s0 =	sadd.s32 s2, s28;
	(pc) =	sbr.rel .LBB2_1-.Ltmp0, $4  }
0xd: {  	s31 =	smax.u32 s7, $0x1;
	s10 =	sshrl.u32 s10, $0x3;
	[dreg:$0x7] =	wrdreg s0  }
0xe: {  	s20 =	simm.s32 $0x14000;
	[dreg:$0x9] =	wrdreg s31;
	s29 =	sadd.s32 s1, s10  }
0xf: {  	s6 =	sshll.u32 s9, $0x6;
	[dreg:$0x6] =	wrdreg s29;
	s30 =	sadd.s32 $0x800, s29  }
0x10: {  	s11 =	sor.u32 $0x8000, s5;
	s7 =	simm.s32 $0x0;
	[dreg:$0x8] =	wrdreg s30  }
.LBB2_8:
0x11: {  	s0 =	simm.s32 $0x3  }
0x12: {  	_ =	swait.ge [sflag:s0], $0x4000  }
0x13: {  	[sflag:s0] =	ssyncset.done $0x0  }
0x14: {  	s2 =	simm.s32 $0x4;
	[sflag:s0] =	ssyncadd.s32 $0xFFFFC000  }
0x15: {  	_ =	swait.ge [sflag:s2], $0x4000  }
0x16: {  	s7 =	rddreg [dreg:$0xa]  }
0x17: {  	s31 =	rddreg [dreg:$0x9];
	s7 =	sadd.s32 $0x1, s7  }
0x18: {  	p0 =	sne.s32 s7, s31  }
.Ltmp1:
0x19: {  	_ = 	snop;
	(pc) =	sbr.rel @!p0 .LBB2_9-.Ltmp1, $3  }
0x1a: {  	_ =	sdelay $0x1  }
0x1b: {  	[sflag:s2] =	ssyncset.done $0x0  }
0x1c: {  	[sflag:s2] =	ssyncadd.s32 $0xFFFFC000  }
.LBB2_1:
0x1d: {  	[dreg:$0xa] =	wrdreg s7  }
0x1e: {  	s0 =	rddreg [dreg:$0x5];
	s2 =	simm.s32 $0x5  }
0x1f: {  	[tilespmem:s4], [sflag:$0x5] =	stream.linear.gather [hbm4b:s0+s4], $0x4000, $0x38;
	[tilespmem:$0x18000] =	vst v63  }
0x20: {  	_ =	swait.ge [sflag:s2], $0x4000  }
0x21: {  	[sflag:s2] =	ssyncset.done $0x0  }
0x22: {  	s26 =	rddreg [dreg:$0x7];
	[sflag:s2] =	ssyncadd.s32 $0xFFFFC000  }
0x23: {  	[tilespmem:s14], [sflag:$0x5] =	stream.linear.gather [hbm4b:s26+s4], $0x4000, $0x38;
	[tilespmem:$0x18000] =	vst v63  }
0x24: {  	_ =	swait.ge [sflag:s2], $0x4000  }
0x25: {  	[sflag:s2] =	ssyncset.done $0x0  }
0x26: {  	s29 =	simm.s32 $0x8000;
	s28 =	rddreg [dreg:$0x6];
	[sflag:s2] =	ssyncadd.s32 $0xFFFFC000  }
0x27: {  	[tilespmem:s29], [sflag:$0x1] =	stream.linear.gather [hbm4b:s28+s4], $0x4000, $0x38;
	[tilespmem:$0x18000] =	vst v63  }
0x28: {  	s31 =	simm.s32 $0xC000;
	s24 =	simm.s32 $0x0;
	s30 =	rddreg [dreg:$0x8]  }
0x29: {  	[tilespmem:s31], [sflag:$0x2] =	stream.linear.gather [hbm4b:s30+s4], $0x4000, $0x38;
	[tilespmem:$0x18000] =	vst v63  }
.LBB2_2:
0x2a: {  	_ =	swait.ge [sflag:s17], $0x4000  }
0x2b: {  	p0 =	seq.s32 s24, $0x0;
	[sflag:s17] =	ssyncset.done $0x0  }
0x2c: {  	s0 =	simm.s32 @!p0 $0x3;
	[sflag:s17] =	ssyncadd.s32 $0xFFFFC000  }
0x2d: {  	_ =	swait.ge @!p0 [sflag:s0], $0x4000  }
0x2e: {  	[sflag:s0] =	ssyncset.done @!p0 $0x0  }
0x2f: {  	s21 =	simm.s32 $0x80;
	[sflag:s0] =	ssyncadd.s32 @!p0 $0xFFFFC000  }
0x30: {  	v1 =	vld [tilespmem:s21+$0x0];
	_ =	sdelay $0x2  }
0x31: {  	s26 =	sshll.u32 s24, $0x9  }
0x32: {  	v0 =	vmov s26  }
0x33: {  	v1 =	vadd.s32 v0, v1;
	_ =	sdelay $0x4  }
0x34: {  	s8 =	simm.s32 $0x8080;
	v1 =	vld.idx.msk [tilespmem:v1+s14+$0x0], $0xffff  }
0x35: {  	v2 =	vld [tilespmem:s8+$0x0];
	_ =	sdelay $0x3  }
0x36: {  	v3 =	vand.u32 $0xFFFF0000, v1  }
0x37: {  	v2 =	vmul.f32 v3, v2  }
0x38: {  	v1 =	vshll.u32 v1, $0x10  }
0x39: {  	v1 =	vadd.f32 v1, v2  }
0x3a: {  	s25 =	simm.s32 $0x10080  }
0x3b: {  	v2 =	vld [tilespmem:s21+$0xFFFFFF80];
	[tilespmem:s25+$0x0] =	vst v1  }
0x3c: {  	v1 =	vld [tilespmem:s21+$0x10];
	_ =	sdelay $0x3  }
0x3d: {  	v2 =	vadd.s32 v0, v2  }
0x3e: {  	v1 =	vadd.s32 v0, v1;
	_ =	sdelay $0x2  }
0x3f: {  	v3 =	vld [tilespmem:s8+$0xFFFFFF80]  }
0x40: {  	v2 =	vld.idx.msk [tilespmem:v2+s14+$0x0], $0xffff  }
0x41: {  	v1 =	vld.idx.msk [tilespmem:v1+s14+$0x0], $0xffff  }
0x42: {  	v4 =	vld [tilespmem:s8+$0x10];
	_ =	sdelay $0x2  }
0x43: {  	v5 =	vand.u32 $0xFFFF0000, v2  }
0x44: {  	v3 =	vmul.f32 v5, v3;
	v5 =	vand.u32 $0xFFFF0000, v1  }
0x45: {  	v2 =	vshll.u32 v2, $0x10;
	v4 =	vmul.f32 v5, v4  }
0x46: {  	v2 =	vadd.f32 v2, v3;
	v1 =	vshll.u32 v1, $0x10  }
0x47: {  	v1 =	vadd.f32 v1, v4  }
0x48: {  	[tilespmem:s25+$0xFFFFFF80] =	vst v2  }
0x49: {  	v2 =	vld [tilespmem:s21+$0xFFFFFF90];
	[tilespmem:s25+$0x10] =	vst v1  }
0x4a: {  	v1 =	vld [tilespmem:s21+$0x20];
	_ =	sdelay $0x1  }
0x4b: {  	s12 =	simm.s32 $0x180  }
0x4c: {  	v3 =	vld [tilespmem:s12+$0x0]  }
0x4d: {  	v2 =	vadd.s32 v0, v2  }
0x4e: {  	v1 =	vadd.s32 v0, v1;
	_ =	sdelay $0x2  }
0x4f: {  	v4 =	vld [tilespmem:s8+$0xFFFFFF90];
	v3 =	vadd.s32 v0, v3  }
0x50: {  	v2 =	vld.idx.msk [tilespmem:v2+s14+$0x0], $0xffff  }
0x51: {  	v1 =	vld.idx.msk [tilespmem:v1+s14+$0x0], $0xffff  }
0x52: {  	v5 =	vld [tilespmem:s8+$0x20];
	_ =	sdelay $0x1  }
0x53: {  	s10 =	simm.s32 $0x8180;
	v3 =	vld.idx.msk [tilespmem:v3+s14+$0x0], $0xffff  }
0x54: {  	v7 =	vld [tilespmem:s10+$0x0];
	v6 =	vand.u32 $0xFFFF0000, v2  }
0x55: {  	v4 =	vmul.f32 v6, v4;
	v6 =	vand.u32 $0xFFFF0000, v1  }
0x56: {  	v8 =	vld [tilespmem:s12+$0xFFFFFF80];
	v2 =	vshll.u32 v2, $0x10;
	v5 =	vmul.f32 v6, v5  }
0x57: {  	v2 =	vadd.f32 v2, v4;
	v1 =	vshll.u32 v1, $0x10  }
0x58: {  	v4 =	vand.u32 $0xFFFF0000, v3;
	v1 =	vadd.f32 v1, v5  }
0x59: {  	[tilespmem:s25+$0xFFFFFF90] =	vst v2;
	v2 =	vmul.f32 v4, v7  }
0x5a: {  	v3 =	vshll.u32 v3, $0x10;
	v4 =	vld [tilespmem:s21+$0xFFFFFFA0];
	[tilespmem:s25+$0x20] =	vst v1  }
0x5b: {  	v2 =	vadd.f32 v3, v2;
	v1 =	vadd.s32 v0, v8;
	v3 =	vld [tilespmem:s21+$0x30]  }
0x5c: {  	s26 =	simm.s32 $0x10180  }
0x5d: {  	[tilespmem:s26+$0x0] =	vst v2  }
0x5e: {  	v2 =	vld [tilespmem:s12+$0x10]  }
0x5f: {  	v4 =	vadd.s32 v0, v4  }
0x60: {  	v1 =	vld.idx.msk [tilespmem:v1+s14+$0x0], $0xffff;
	v3 =	vadd.s32 v0, v3  }
0x61: {  	v5 =	vld [tilespmem:s10+$0xFFFFFF80];
	_ =	sdelay $0x1  }
0x62: {  	v6 =	vld [tilespmem:s8+$0xFFFFFFA0];
	v2 =	vadd.s32 v0, v2  }
0x63: {  	v4 =	vld.idx.msk [tilespmem:v4+s14+$0x0], $0xffff  }
0x64: {  	v7 =	vand.u32 $0xFFFF0000, v1;
	v3 =	vld.idx.msk [tilespmem:v3+s14+$0x0], $0xffff  }
0x65: {  	v5 =	vmul.f32 v7, v5;
	v7 =	vld [tilespmem:s8+$0x30]  }
0x66: {  	v1 =	vshll.u32 v1, $0x10  }
0x67: {  	v2 =	vld.idx.msk [tilespmem:v2+s14+$0x0], $0xffff;
	v1 =	vadd.f32 v1, v5  }
0x68: {  	v8 =	vld [tilespmem:s10+$0x10];
	v5 =	vand.u32 $0xFFFF0000, v4  }
0x69: {  	v5 =	vmul.f32 v5, v6;
	[tilespmem:s26+$0xFFFFFF80] =	vst v1;
	v1 =	vand.u32 $0xFFFF0000, v3  }
0x6a: {  	v4 =	vshll.u32 v4, $0x10;
	v6 =	vld [tilespmem:s12+$0xFFFFFF90];
	v1 =	vmul.f32 v1, v7  }
0x6b: {  	v4 =	vadd.f32 v4, v5;
	v3 =	vshll.u32 v3, $0x10  }
0x6c: {  	v1 =	vadd.f32 v3, v1;
	v3 =	vand.u32 $0xFFFF0000, v2  }
0x6d: {  	[tilespmem:s25+$0xFFFFFFA0] =	vst v4;
	v3 =	vmul.f32 v3, v8  }
0x6e: {  	v4 =	vld [tilespmem:s21+$0xFFFFFFB0];
	[tilespmem:s25+$0x30] =	vst v1;
	v1 =	vshll.u32 v2, $0x10  }
0x6f: {  	v2 =	vadd.s32 v0, v6;
	v5 =	vld [tilespmem:s21+$0x40];
	v1 =	vadd.f32 v1, v3;
	_ =	sdelay $0x1  }
0x70: {  	[tilespmem:s26+$0x10] =	vst v1  }
0x71: {  	v1 =	vld [tilespmem:s12+$0x20]  }
0x72: {  	v3 =	vadd.s32 v0, v4  }
0x73: {  	v2 =	vld.idx.msk [tilespmem:v2+s14+$0x0], $0xffff;
	v4 =	vadd.s32 v0, v5  }
0x74: {  	s29 =	simm.s32 $0x280;
	v5 =	vld [tilespmem:s10+$0xFFFFFF90]  }
0x75: {  	v6 =	vld [tilespmem:s29+$0x0]  }
0x76: {  	v7 =	vld [tilespmem:s8+$0xFFFFFFB0];
	v1 =	vadd.s32 v0, v1  }
0x77: {  	v3 =	vld.idx.msk [tilespmem:v3+s14+$0x0], $0xffff  }
0x78: {  	v8 =	vand.u32 $0xFFFF0000, v2;
	v4 =	vld.idx.msk [tilespmem:v4+s14+$0x0], $0xffff  }
0x79: {  	v5 =	vmul.f32 v8, v5;
	v8 =	vld [tilespmem:s8+$0x40]  }
0x7a: {  	v6 =	vadd.s32 v0, v6;
	v2 =	vshll.u32 v2, $0x10  }
0x7b: {  	v2 =	vadd.f32 v2, v5;
	v1 =	vld.idx.msk [tilespmem:v1+s14+$0x0], $0xffff  }
0x7c: {  	v9 =	vld [tilespmem:s10+$0x20];
	v5 =	vand.u32 $0xFFFF0000, v3  }
0x7d: {  	[tilespmem:s26+$0xFFFFFF90] =	vst v2;
	v2 =	vmul.f32 v5, v7;
	v7 =	vand.u32 $0xFFFF0000, v4  }
0x7e: {  	v3 =	vshll.u32 v3, $0x10;
	v5 =	vld [tilespmem:s29+$0xFFFFFF80];
	v7 =	vmul.f32 v7, v8  }
0x7f: {  	s30 =	simm.s32 $0x8280;
	v4 =	vshll.u32 v4, $0x10;
	v2 =	vadd.f32 v3, v2;
	v3 =	vld.idx.msk [tilespmem:v6+s14+$0x0], $0xffff  }
0x80: {  	v6 =	vld [tilespmem:s30+$0x0];
	v4 =	vadd.f32 v4, v7;
	v7 =	vand.u32 $0xFFFF0000, v1  }
0x81: {  	v10 =	vld [tilespmem:s12+$0xFFFFFFA0];
	[tilespmem:s25+$0xFFFFFFB0] =	vst v2;
	v2 =	vmul.f32 v7, v9  }
0x82: {  	v1 =	vshll.u32 v1, $0x10;
	v7 =	vld [tilespmem:s21+$0xFFFFFFC0];
	[tilespmem:s25+$0x40] =	vst v4  }
0x83: {  	v5 =	vadd.s32 v0, v5;
	v4 =	vld [tilespmem:s21+$0x50];
	v1 =	vadd.f32 v1, v2  }
0x84: {  	v8 =	vand.u32 $0xFFFF0000, v3  }
0x85: {  	v9 =	vld [tilespmem:s10+$0xFFFFFFA0];
	v6 =	vmul.f32 v8, v6;
	[tilespmem:s26+$0x20] =	vst v1  }
0x86: {  	v2 =	vadd.s32 v0, v10;
	v1 =	vshll.u32 v3, $0x10;
	v3 =	vld [tilespmem:s12+$0x30]  }
0x87: {  	v8 =	vld [tilespmem:s8+$0xFFFFFFC0];
	v7 =	vadd.s32 v0, v7;
	v1 =	vadd.f32 v1, v6  }
0x88: {  	s28 =	simm.s32 $0x10280;
	v5 =	vld.idx.msk [tilespmem:v5+s14+$0x0], $0xffff;
	v4 =	vadd.s32 v0, v4  }
0x89: {  	v6 =	vld [tilespmem:s30+$0xFFFFFF80];
	[tilespmem:s28+$0x0] =	vst v1  }
0x8a: {  	v1 =	vld [tilespmem:s29+$0x10]  }
0x8b: {  	v2 =	vld.idx.msk [tilespmem:v2+s14+$0x0], $0xffff;
	v3 =	vadd.s32 v0, v3  }
0x8c: {  	v7 =	vld.idx.msk [tilespmem:v7+s14+$0x0], $0xffff  }
0x8d: {  	v10 =	vand.u32 $0xFFFF0000, v5;
	v4 =	vld.idx.msk [tilespmem:v4+s14+$0x0], $0xffff  }
0x8e: {  	v6 =	vmul.f32 v10, v6;
	v10 =	vld [tilespmem:s8+$0x50]  }
0x8f: {  	v5 =	vshll.u32 v5, $0x10;
	v1 =	vadd.s32 v0, v1  }
0x90: {  	v5 =	vadd.f32 v5, v6;
	v6 =	vand.u32 $0xFFFF0000, v2;
	v3 =	vld.idx.msk [tilespmem:v3+s14+$0x0], $0xffff  }
0x91: {  	s7 =	simm.s32 $0x480;
	v11 =	vld [tilespmem:s10+$0x30];
	v6 =	vmul.f32 v6, v9;
	v9 =	vand.u32 $0xFFFF0000, v7  }
0x92: {  	v16 =	vld [tilespmem:s7+$0xFFFFFF80];
	v2 =	vshll.u32 v2, $0x10;
	[tilespmem:s28+$0xFFFFFF80] =	vst v5;
	v5 =	vmul.f32 v9, v8;
	v8 =	vand.u32 $0xFFFF0000, v4  }
0x93: {  	v7 =	vshll.u32 v7, $0x10;
	v2 =	vadd.f32 v2, v6;
	v6 =	vld [tilespmem:s29+$0xFFFFFF90];
	v8 =	vmul.f32 v8, v10  }
0x94: {  	v4 =	vshll.u32 v4, $0x10;
	v5 =	vadd.f32 v7, v5;
	v1 =	vld.idx.msk [tilespmem:v1+s14+$0x0], $0xffff  }
0x95: {  	[tilespmem:s26+$0xFFFFFFA0] =	vst v2;
	v2 =	vadd.f32 v4, v8;
	v4 =	vld [tilespmem:s30+$0x10];
	v7 =	vand.u32 $0xFFFF0000, v3  }
0x96: {  	s9 =	simm.s32 $0x8480;
	[tilespmem:s25+$0xFFFFFFC0] =	vst v5;
	v5 =	vld [tilespmem:s12+$0xFFFFFFB0];
	v7 =	vmul.f32 v7, v11  }
0x97: {  	v63 =	vld [tilespmem:s9+$0x0];
	[tilespmem:s25+$0x50] =	vst v2;
	v2 =	vshll.u32 v3, $0x10  }
0x98: {  	v19 =	vld [tilespmem:s9+$0xFFFFFF80];
	v3 =	vadd.s32 v0, v6;
	v2 =	vadd.f32 v2, v7  }
0x99: {  	v9 =	vld [tilespmem:s30+$0xFFFFFF90];
	v7 =	vand.u32 $0xFFFF0000, v1  }
0x9a: {  	v6 =	vld [tilespmem:s21+$0x60];
	v4 =	vmul.f32 v7, v4;
	[tilespmem:s26+$0x30] =	vst v2  }
0x9b: {  	v1 =	vshll.u32 v1, $0x10;
	v2 =	vadd.s32 v0, v5;
	v5 =	vld [tilespmem:s12+$0x40]  }
0x9c: {  	v8 =	vld [tilespmem:s21+$0xFFFFFFD0];
	v1 =	vadd.f32 v1, v4  }
0x9d: {  	v3 =	vld.idx.msk [tilespmem:v3+s14+$0x0], $0xffff  }
0x9e: {  	v11 =	vld [tilespmem:s8+$0x60];
	[tilespmem:s28+$0x10] =	vst v1  }
0x9f: {  	v4 =	vadd.s32 v0, v6;
	v1 =	vld [tilespmem:s29+$0x20]  }
0xa0: {  	v7 =	vld [tilespmem:s10+$0xFFFFFFB0];
	v5 =	vadd.s32 v0, v5  }
0xa1: {  	v2 =	vld.idx.msk [tilespmem:v2+s14+$0x0], $0xffff  }
0xa2: {  	s31 =	simm.s32 $0x380;
	v12 =	vld [tilespmem:s10+$0x40];
	v10 =	vand.u32 $0xFFFF0000, v3  }
0xa3: {  	v9 =	vmul.f32 v10, v9;
	v10 =	vld [tilespmem:s31+$0x0]  }
0xa4: {  	v3 =	vshll.u32 v3, $0x10;
	v4 =	vld.idx.msk [tilespmem:v4+s14+$0x0], $0xffff;
	v1 =	vadd.s32 v0, v1  }
0xa5: {  	v3 =	vadd.f32 v3, v9;
	v5 =	vld.idx.msk [tilespmem:v5+s14+$0x0], $0xffff  }
0xa6: {  	v8 =	vadd.s32 v0, v8;
	v6 =	vld [tilespmem:s8+$0xFFFFFFD0];
	v9 =	vand.u32 $0xFFFF0000, v2  }
0xa7: {  	[tilespmem:s28+$0xFFFFFF90] =	vst v3;
	v3 =	vmul.f32 v9, v7;
	v7 =	vld [tilespmem:s31+$0xFFFFFF80]  }
0xa8: {  	v2 =	vshll.u32 v2, $0x10;
	v9 =	vld [tilespmem:s29+$0xFFFFFFA0];
	v10 =	vadd.s32 v0, v10  }
0xa9: {  	v2 =	vadd.f32 v2, v3;
	v3 =	vand.u32 $0xFFFF0000, v4;
	v1 =	vld.idx.msk [tilespmem:v1+s14+$0x0], $0xffff  }
0xaa: {  	v3 =	vmul.f32 v3, v11;
	v11 =	vld [tilespmem:s30+$0x20];
	v13 =	vand.u32 $0xFFFF0000, v5  }
0xab: {  	v8 =	vld.idx.msk [tilespmem:v8+s14+$0x0], $0xffff;
	[tilespmem:s26+$0xFFFFFFB0] =	vst v2;
	v2 =	vshll.u32 v4, $0x10;
	v4 =	vmul.f32 v13, v12  }
0xac: {  	v12 =	vld [tilespmem:s12+$0xFFFFFFC0];
	v2 =	vadd.f32 v2, v3;
	v3 =	vshll.u32 v5, $0x10  }
0xad: {  	s2 =	simm.s32 $0x8380;
	v7 =	vadd.s32 v0, v7;
	v5 =	vld.idx.msk [tilespmem:v10+s14+$0x0], $0xffff;
	v3 =	vadd.f32 v3, v4  }
0xae: {  	v4 =	vadd.s32 v0, v9;
	[tilespmem:s25+$0x60] =	vst v2;
	v2 =	vld [tilespmem:s2+$0x0];
	v9 =	vand.u32 $0xFFFF0000, v1  }
0xaf: {  	v10 =	vld [tilespmem:s21+$0x70];
	v9 =	vmul.f32 v9, v11;
	[tilespmem:s26+$0x40] =	vst v3  }
0xb0: {  	v1 =	vshll.u32 v1, $0x10;
	v3 =	vld [tilespmem:s12+$0x50]  }
0xb1: {  	v14 =	vld [tilespmem:s30+$0xFFFFFFA0];
	v11 =	vand.u32 $0xFFFF0000, v8;
	v1 =	vadd.f32 v1, v9  }
0xb2: {  	v7 =	vld.idx.msk [tilespmem:v7+s14+$0x0], $0xffff;
	v12 =	vadd.s32 v0, v12;
	v6 =	vmul.f32 v11, v6;
	v11 =	vand.u32 $0xFFFF0000, v5  }
0xb3: {  	v8 =	vshll.u32 v8, $0x10;
	v9 =	vld [tilespmem:s2+$0xFFFFFF80];
	v2 =	vmul.f32 v11, v2;
	[tilespmem:s28+$0x20] =	vst v1  }
0xb4: {  	v5 =	vshll.u32 v5, $0x10;
	v1 =	vadd.f32 v8, v6;
	v6 =	vadd.s32 v0, v10;
	v8 =	vld [tilespmem:s29+$0x30]  }
0xb5: {  	v4 =	vld.idx.msk [tilespmem:v4+s14+$0x0], $0xffff;
	v2 =	vadd.f32 v5, v2;
	v3 =	vadd.s32 v0, v3  }
0xb6: {  	s0 =	simm.s32 $0x10380;
	v10 =	vld [tilespmem:s10+$0xFFFFFFC0];
	[tilespmem:s25+$0xFFFFFFD0] =	vst v1  }
0xb7: {  	v1 =	vld.idx.msk [tilespmem:v12+s14+$0x0], $0xffff;
	v5 =	vand.u32 $0xFFFF0000, v7;
	[tilespmem:s0+$0x0] =	vst v2  }
0xb8: {  	v5 =	vmul.f32 v5, v9;
	v9 =	vld [tilespmem:s31+$0x10]  }
0xb9: {  	v7 =	vshll.u32 v7, $0x10;
	v2 =	vld.idx.msk [tilespmem:v6+s14+$0x0], $0xffff;
	v6 =	vadd.s32 v0, v8  }
0xba: {  	v5 =	vadd.f32 v7, v5;
	v7 =	vld.idx.msk [tilespmem:v3+s14+$0x0], $0xffff  }
0xbb: {  	s13 =	simm.s32 $0x8580;
	v8 =	vld [tilespmem:s10+$0x50];
	v3 =	vand.u32 $0xFFFF0000, v4  }
0xbc: {  	v41 =	vld [tilespmem:s13+$0x0];
	[tilespmem:s0+$0xFFFFFF80] =	vst v5;
	v12 =	vmul.f32 v3, v14  }
0xbd: {  	v4 =	vshll.u32 v4, $0x10;
	v5 =	vld [tilespmem:s31+$0xFFFFFF90];
	v9 =	vadd.s32 v0, v9  }
0xbe: {  	v13 =	vand.u32 $0xFFFF0000, v1;
	v4 =	vadd.f32 v4, v12;
	v6 =	vld.idx.msk [tilespmem:v6+s14+$0x0], $0xffff  }
0xbf: {  	v10 =	vmul.f32 v13, v10;
	v12 =	vld [tilespmem:s30+$0x30];
	v13 =	vand.u32 $0xFFFF0000, v7  }
0xc0: {  	v11 =	vld [tilespmem:s21+$0xFFFFFFE0];
	v14 =	vshll.u32 v1, $0x10;
	[tilespmem:s28+$0xFFFFFFA0] =	vst v4;
	v4 =	vmul.f32 v13, v8  }
0xc1: {  	v7 =	vshll.u32 v7, $0x10;
	v8 =	vadd.f32 v14, v10;
	v10 =	vld [tilespmem:s29+$0xFFFFFFB0]  }
0xc2: {  	v5 =	vadd.s32 v0, v5;
	v9 =	vld.idx.msk [tilespmem:v9+s14+$0x0], $0xffff;
	v4 =	vadd.f32 v7, v4  }
0xc3: {  	[tilespmem:s26+$0xFFFFFFC0] =	vst v8;
	v7 =	vld [tilespmem:s2+$0x10];
	v8 =	vand.u32 $0xFFFF0000, v6  }
0xc4: {  	v13 =	vld [tilespmem:s12+$0xFFFFFFD0];
	v8 =	vmul.f32 v8, v12;
	[tilespmem:s26+$0x50] =	vst v4  }
0xc5: {  	v4 =	vshll.u32 v6, $0x10;
	v6 =	vld [tilespmem:s12+$0x60]  }
0xc6: {  	v3 =	vld [tilespmem:s8+$0x70];
	v10 =	vadd.s32 v0, v10;
	v4 =	vadd.f32 v4, v8  }
0xc7: {  	v11 =	vadd.s32 v0, v11;
	v5 =	vld.idx.msk [tilespmem:v5+s14+$0x0], $0xffff;
	v14 =	vand.u32 $0xFFFF0000, v9  }
0xc8: {  	v12 =	vld [tilespmem:s2+$0xFFFFFF90];
	v7 =	vmul.f32 v14, v7;
	[tilespmem:s28+$0x30] =	vst v4  }
0xc9: {  	v9 =	vshll.u32 v9, $0x10;
	v4 =	vadd.s32 v0, v13;
	v13 =	vld [tilespmem:s29+$0x40]  }
0xca: {  	v8 =	vld [tilespmem:s30+$0xFFFFFFB0];
	v7 =	vadd.f32 v9, v7;
	v6 =	vadd.s32 v0, v6  }
0xcb: {  	v10 =	vld.idx.msk [tilespmem:v10+s14+$0x0], $0xffff  }
0xcc: {  	v9 =	vld.idx.msk [tilespmem:v11+s14+$0x0], $0xffff;
	v11 =	vand.u32 $0xFFFF0000, v5;
	[tilespmem:s0+$0x10] =	vst v7  }
0xcd: {  	v11 =	vmul.f32 v11, v12;
	v7 =	vld [tilespmem:s31+$0x20]  }
0xce: {  	v5 =	vshll.u32 v5, $0x10;
	v12 =	vld [tilespmem:s7+$0x0];
	v13 =	vadd.s32 v0, v13  }
0xcf: {  	v5 =	vadd.f32 v5, v11;
	v6 =	vld.idx.msk [tilespmem:v6+s14+$0x0], $0xffff  }
0xd0: {  	v11 =	vld [tilespmem:s10+$0x60];
	v15 =	vand.u32 $0xFFFF0000, v10  }
0xd1: {  	v14 =	vld [tilespmem:s10+$0xFFFFFFD0];
	[tilespmem:s0+$0xFFFFFF90] =	vst v5;
	v5 =	vmul.f32 v15, v8  }
0xd2: {  	v4 =	vld.idx.msk [tilespmem:v4+s14+$0x0], $0xffff;
	v10 =	vshll.u32 v10, $0x10;
	v7 =	vadd.s32 v0, v7  }
0xd3: {  	v5 =	vadd.f32 v10, v5;
	v8 =	vld.idx.msk [tilespmem:v13+s14+$0x0], $0xffff  }
0xd4: {  	v10 =	vadd.s32 v0, v12;
	v12 =	vld [tilespmem:s30+$0x40];
	v15 =	vand.u32 $0xFFFF0000, v6  }
0xd5: {  	v13 =	vld [tilespmem:s31+$0xFFFFFFA0];
	[tilespmem:s28+$0xFFFFFFB0] =	vst v5;
	v11 =	vmul.f32 v15, v11  }
0xd6: {  	v6 =	vshll.u32 v6, $0x10;
	v15 =	vld [tilespmem:s29+$0xFFFFFFC0]  }
0xd7: {  	v5 =	vld.idx.msk [tilespmem:v7+s14+$0x0], $0xffff;
	v6 =	vadd.f32 v6, v11  }
0xd8: {  	v7 =	vadd.s32 v0, v16;
	v11 =	vld [tilespmem:s2+$0x20];
	v62 =	vand.u32 $0xFFFF0000, v8  }
0xd9: {  	v10 =	vld.idx.msk [tilespmem:v10+s14+$0x0], $0xffff;
	v12 =	vmul.f32 v62, v12;
	[tilespmem:s26+$0x60] =	vst v6  }
0xda: {  	v8 =	vshll.u32 v8, $0x10;
	v6 =	vadd.s32 v0, v13;
	v13 =	vld [tilespmem:s12+$0x70]  }
0xdb: {  	v1 =	vld [tilespmem:s8+$0xFFFFFFE0];
	v8 =	vadd.f32 v8, v12  }
0xdc: {  	v17 =	vld [tilespmem:s2+$0xFFFFFFA0];
	v15 =	vadd.s32 v0, v15;
	v12 =	vand.u32 $0xFFFF0000, v5  }
0xdd: {  	v18 =	vand.u32 $0xFFFF0000, v4;
	v7 =	vld.idx.msk [tilespmem:v7+s14+$0x0], $0xffff;
	v11 =	vmul.f32 v12, v11;
	[tilespmem:s28+$0x40] =	vst v8  }
0xde: {  	v4 =	vshll.u32 v4, $0x10;
	v5 =	vshll.u32 v5, $0x10;
	v8 =	vmul.f32 v18, v14;
	v12 =	vld [tilespmem:s29+$0x50]  }
0xdf: {  	v14 =	vand.u32 $0xFFFF0000, v10;
	v21 =	vld.idx.msk [tilespmem:v6+s14+$0x0], $0xffff;
	v5 =	vadd.f32 v5, v11;
	v6 =	vadd.s32 v0, v13  }
0xe0: {  	v11 =	vld [tilespmem:s30+$0xFFFFFFC0];
	v4 =	vadd.f32 v4, v8;
	v8 =	vmul.f32 v14, v63  }
0xe1: {  	v10 =	vshll.u32 v10, $0x10;
	v13 =	vld.idx.msk [tilespmem:v15+s14+$0x0], $0xffff;
	[tilespmem:s0+$0x20] =	vst v5  }
0xe2: {  	[tilespmem:s26+$0xFFFFFFD0] =	vst v4;
	v4 =	vadd.f32 v10, v8;
	v5 =	vld [tilespmem:s31+$0x30]  }
0xe3: {  	s15 =	simm.s32 $0x10480;
	v10 =	vld [tilespmem:s12+$0xFFFFFFE0]  }
0xe4: {  	v8 =	vadd.s32 v0, v12;
	v12 =	vand.u32 $0xFFFF0000, v7;
	[tilespmem:s15+$0x0] =	vst v4;
	v4 =	vld.idx.msk [tilespmem:v6+s14+$0x0], $0xffff  }
0xe5: {  	v12 =	vmul.f32 v12, v19;
	v14 =	vld [tilespmem:s7+$0x10]  }
0xe6: {  	v7 =	vshll.u32 v7, $0x10;
	v6 =	vld [tilespmem:s10+$0x70];
	v23 =	vand.u32 $0xFFFF0000, v13  }
0xe7: {  	v11 =	vmul.f32 v23, v11;
	v23 =	vld [tilespmem:s13+$0xFFFFFF80];
	v7 =	vadd.f32 v7, v12;
	v12 =	vadd.s32 v0, v5  }
0xe8: {  	v15 =	vand.u32 $0xFFFF0000, v21;
	v5 =	vld [tilespmem:s10+$0xFFFFFFE0]  }
0xe9: {  	v15 =	vmul.f32 v15, v17;
	v8 =	vld.idx.msk [tilespmem:v8+s14+$0x0], $0xffff  }
0xea: {  	v22 =	vshll.u32 v21, $0x10;
	[tilespmem:s15+$0xFFFFFF80] =	vst v7;
	v7 =	vld [tilespmem:s30+$0x50];
	v14 =	vadd.s32 v0, v14  }
0xeb: {  	v15 =	vadd.f32 v22, v15;
	v24 =	vld [tilespmem:s7+$0xFFFFFF90]  }
0xec: {  	v13 =	vshll.u32 v13, $0x10;
	v12 =	vld.idx.msk [tilespmem:v12+s14+$0x0], $0xffff  }
0xed: {  	v11 =	vadd.f32 v13, v11;
	v13 =	vld [tilespmem:s2+$0x30];
	[tilespmem:s0+$0xFFFFFFA0] =	vst v15  }
0xee: {  	v26 =	vld [tilespmem:s31+$0xFFFFFFB0];
	v15 =	vand.u32 $0xFFFF0000, v8  }
0xef: {  	[tilespmem:s28+$0xFFFFFFC0] =	vst v11;
	v7 =	vmul.f32 v15, v7;
	v14 =	vld.idx.msk [tilespmem:v14+s14+$0x0], $0xffff  }
0xf0: {  	v8 =	vshll.u32 v8, $0x10;
	v11 =	vadd.s32 v0, v24;
	v15 =	vld [tilespmem:s29+$0xFFFFFFD0]  }
0xf1: {  	v7 =	vadd.f32 v8, v7;
	v8 =	vadd.s32 v0, v10;
	v10 =	vld [tilespmem:s9+$0x10];
	v27 =	vand.u32 $0xFFFF0000, v12  }
0xf2: {  	v25 =	vld [tilespmem:s9+$0xFFFFFF90];
	v13 =	vmul.f32 v27, v13  }
0xf3: {  	v28 =	vld [tilespmem:s2+$0xFFFFFFB0];
	v12 =	vshll.u32 v12, $0x10;
	[tilespmem:s28+$0x50] =	vst v7;
	v7 =	vand.u32 $0xFFFF0000, v9  }
0xf4: {  	v17 =	vadd.s32 v0, v26;
	v29 =	vld [tilespmem:s29+$0x60];
	v1 =	vmul.f32 v7, v1;
	v12 =	vadd.f32 v12, v13  }
0xf5: {  	v11 =	vld.idx.msk [tilespmem:v11+s14+$0x0], $0xffff;
	v7 =	vshll.u32 v9, $0x10;
	v13 =	vand.u32 $0xFFFF0000, v14;
	v15 =	vadd.s32 v0, v15  }
0xf6: {  	v1 =	vadd.f32 v7, v1;
	v7 =	vld.idx.msk [tilespmem:v8+s14+$0x0], $0xffff;
	v8 =	vmul.f32 v13, v10;
	[tilespmem:s0+$0x30] =	vst v12  }
0xf7: {  	v10 =	vshll.u32 v14, $0x10;
	v12 =	vld [tilespmem:s31+$0x40]  }
0xf8: {  	v9 =	vld [tilespmem:s30+$0xFFFFFFD0];
	[tilespmem:s25+$0xFFFFFFE0] =	vst v1;
	v1 =	vadd.f32 v10, v8  }
0xf9: {  	v13 =	vld.idx.msk [tilespmem:v17+s14+$0x0], $0xffff  }
0xfa: {  	v14 =	vld.idx.msk [tilespmem:v15+s14+$0x0], $0xffff;
	[tilespmem:s15+$0x10] =	vst v1  }
0xfb: {  	v8 =	vadd.s32 v0, v29;
	v15 =	vld [tilespmem:s7+$0x20]  }
0xfc: {  	v32 =	vld [tilespmem:s30+$0x60];
	v30 =	vand.u32 $0xFFFF0000, v11;
	v12 =	vadd.s32 v0, v12  }
0xfd: {  	v10 =	vld [tilespmem:s21+$0xFFFFFFF0];
	s21 =	simm.s32 $0x580;
	v16 =	vmul.f32 v30, v25  }
0xfe: {  	v11 =	vshll.u32 v11, $0x10;
	v31 =	vld [tilespmem:s21+$0x0]  }
0xff: {  	v20 =	vld [tilespmem:s21+$0xFFFFFF80];
	v11 =	vadd.f32 v11, v16  }
0x100: {  	v33 =	vand.u32 $0xFFFF0000, v13;
	v8 =	vld.idx.msk [tilespmem:v8+s14+$0x0], $0xffff;
	v15 =	vadd.s32 v0, v15  }
0x101: {  	[tilespmem:s15+$0xFFFFFF90] =	vst v11;
	v11 =	vmul.f32 v33, v28;
	v12 =	vld.idx.msk [tilespmem:v12+s14+$0x0], $0xffff  }
0x102: {  	v35 =	vld [tilespmem:s2+$0x40];
	v13 =	vshll.u32 v13, $0x10  }
0x103: {  	v1 =	vld [tilespmem:s8+$0xFFFFFFF0];
	v11 =	vadd.f32 v13, v11;
	v13 =	vadd.s32 v0, v31  }
0x104: {  	v34 =	vld [tilespmem:s7+$0xFFFFFFA0]  }
0x105: {  	[tilespmem:s0+$0xFFFFFFB0] =	vst v11;
	v36 =	vand.u32 $0xFFFF0000, v8;
	v11 =	vld.idx.msk [tilespmem:v15+s14+$0x0], $0xffff  }
0x106: {  	v38 =	vld [tilespmem:s9+$0x20];
	v16 =	vmul.f32 v36, v32;
	v15 =	vadd.s32 v0, v20;
	v39 =	vand.u32 $0xFFFF0000, v12  }
0x107: {  	v56 =	vand.u32 $0xFFFF0000, v2;
	v8 =	vshll.u32 v8, $0x10;
	v37 =	vld [tilespmem:s31+$0xFFFFFFC0];
	v17 =	vmul.f32 v39, v35  }
0x108: {  	v10 =	vadd.s32 v0, v10;
	v13 =	vld.idx.msk [tilespmem:v13+s14+$0x0], $0xffff;
	v8 =	vadd.f32 v8, v16;
	v12 =	vshll.u32 v12, $0x10  }
0x109: {  	v3 =	vmul.f32 v56, v3;
	v21 =	vld [tilespmem:s9+$0xFFFFFFA0];
	v12 =	vadd.f32 v12, v17  }
0x10a: {  	v2 =	vshll.u32 v2, $0x10;
	v45 =	vld [tilespmem:s2+$0xFFFFFFC0];
	[tilespmem:s28+$0x60] =	vst v8;
	v8 =	vadd.s32 v0, v34;
	v42 =	vand.u32 $0xFFFF0000, v11  }
0x10b: {  	v2 =	vadd.f32 v2, v3;
	v22 =	vand.u32 $0xFFFF0000, v14;
	v15 =	vld.idx.msk [tilespmem:v15+s14+$0x0], $0xffff;
	v16 =	vmul.f32 v42, v38;
	[tilespmem:s0+$0x40] =	vst v12  }
0x10c: {  	v9 =	vmul.f32 v22, v9;
	v11 =	vshll.u32 v11, $0x10;
	v12 =	vshll.u32 v14, $0x10;
	v14 =	vld [tilespmem:s31+$0x50]  }
0x10d: {  	[tilespmem:s25+$0x70] =	vst v2;
	v2 =	vld.idx.msk [tilespmem:v10+s14+$0x0], $0xffff;
	v19 =	vadd.s32 v0, v37;
	v43 =	vand.u32 $0xFFFF0000, v13;
	v11 =	vadd.f32 v11, v16  }
0x10e: {  	v40 =	vld [tilespmem:s29+$0x70];
	v9 =	vadd.f32 v12, v9;
	v12 =	vmul.f32 v43, v41  }
0x10f: {  	v13 =	vshll.u32 v13, $0x10;
	v8 =	vld.idx.msk [tilespmem:v8+s14+$0x0], $0xffff;
	[tilespmem:s15+$0x20] =	vst v11  }
0x110: {  	[tilespmem:s28+$0xFFFFFFD0] =	vst v9;
	v9 =	vadd.f32 v13, v12;
	v12 =	vld [tilespmem:s7+$0x30]  }
0x111: {  	v50 =	vld [tilespmem:s2+$0x50];
	v13 =	vand.u32 $0xFFFF0000, v15;
	v14 =	vadd.s32 v0, v14  }
0x112: {  	s8 =	simm.s32 $0x10580;
	v11 =	vld.idx.msk [tilespmem:v19+s14+$0x0], $0xffff;
	v13 =	vmul.f32 v13, v23  }
0x113: {  	v46 =	vld [tilespmem:s29+$0xFFFFFFE0];
	v15 =	vshll.u32 v15, $0x10;
	[tilespmem:s8+$0x0] =	vst v9  }
0x114: {  	v47 =	vld [tilespmem:s21+$0x10];
	v13 =	vadd.f32 v15, v13  }
0x115: {  	v49 =	vld [tilespmem:s30+$0xFFFFFFE0];
	v48 =	vand.u32 $0xFFFF0000, v8;
	v12 =	vadd.s32 v0, v12  }
0x116: {  	v19 =	vmul.f32 v48, v21;
	[tilespmem:s8+$0xFFFFFF80] =	vst v13;
	v13 =	vld.idx.msk [tilespmem:v14+s14+$0x0], $0xffff  }
0x117: {  	v8 =	vshll.u32 v8, $0x10;
	v14 =	vld [tilespmem:s21+$0xFFFFFF90]  }
0x118: {  	v44 =	vadd.s32 v0, v40;
	v53 =	vld [tilespmem:s9+$0x30];
	v8 =	vadd.f32 v8, v19  }
0x119: {  	v59 =	vld [tilespmem:s13+$0x10];
	v51 =	vand.u32 $0xFFFF0000, v11;
	v16 =	vadd.s32 v0, v47  }
0x11a: {  	v17 =	vmul.f32 v51, v45;
	[tilespmem:s15+$0xFFFFFFA0] =	vst v8;
	v8 =	vld.idx.msk [tilespmem:v12+s14+$0x0], $0xffff  }
0x11b: {  	v11 =	vshll.u32 v11, $0x10;
	v12 =	vld [tilespmem:s7+$0xFFFFFFB0]  }
0x11c: {  	v15 =	vld [tilespmem:s30+$0x70];
	v11 =	vadd.f32 v11, v17;
	v14 =	vadd.s32 v0, v14;
	v54 =	vand.u32 $0xFFFF0000, v13  }
0x11d: {  	v9 =	vld.idx.msk [tilespmem:v44+s14+$0x0], $0xffff;
	v19 =	vmul.f32 v54, v50  }
0x11e: {  	[tilespmem:s0+$0xFFFFFFC0] =	vst v11;
	v11 =	vld.idx.msk [tilespmem:v16+s14+$0x0], $0xffff;
	v13 =	vshll.u32 v13, $0x10  }
0x11f: {  	v57 =	vadd.s32 v0, v46;
	v58 =	vld [tilespmem:s31+$0xFFFFFFD0];
	v13 =	vadd.f32 v13, v19  }
0x120: {  	v52 =	vld [tilespmem:s13+$0xFFFFFF90];
	v12 =	vadd.s32 v0, v12;
	v60 =	vand.u32 $0xFFFF0000, v8  }
0x121: {  	v61 =	vand.u32 $0xFFFF0000, v7;
	v3 =	vmul.f32 v60, v53;
	v14 =	vld.idx.msk [tilespmem:v14+s14+$0x0], $0xffff;
	[tilespmem:s0+$0x50] =	vst v13  }
0x122: {  	v7 =	vshll.u32 v7, $0x10;
	v17 =	vmul.f32 v61, v5;
	v5 =	vshll.u32 v8, $0x10;
	v8 =	vld [tilespmem:s31+$0x60]  }
0x123: {  	v55 =	vld [tilespmem:s9+$0xFFFFFFB0];
	v13 =	vand.u32 $0xFFFF0000, v4;
	v62 =	vand.u32 $0xFFFF0000, v11;
	v3 =	vadd.f32 v5, v3  }
0x124: {  	v16 =	vld.idx.msk [tilespmem:v57+s14+$0x0], $0xffff;
	v18 =	vadd.s32 v0, v58;
	v6 =	vmul.f32 v13, v6;
	v13 =	vmul.f32 v62, v59  }
0x125: {  	v63 =	vshll.u32 v4, $0x10;
	v7 =	vadd.f32 v7, v17;
	v4 =	vshll.u32 v11, $0x10;
	[tilespmem:s15+$0x30] =	vst v3;
	v12 =	vld.idx.msk [tilespmem:v12+s14+$0x0], $0xffff  }
0x126: {  	v13 =	vadd.f32 v4, v13;
	v3 =	vand.u32 $0xFFFF0000, v9;
	v11 =	vld [tilespmem:s7+$0x40]  }
0x127: {  	[tilespmem:s26+$0xFFFFFFE0] =	vst v7;
	v5 =	vld [tilespmem:s2+$0xFFFFFFD0];
	v3 =	vmul.f32 v3, v15;
	v7 =	vand.u32 $0xFFFF0000, v14;
	v8 =	vadd.s32 v0, v8  }
0x128: {  	v4 =	vld [tilespmem:s12+$0xFFFFFFF0];
	v6 =	vadd.f32 v63, v6;
	v9 =	vshll.u32 v9, $0x10;
	v7 =	vmul.f32 v7, v52  }
0x129: {  	v10 =	vld.idx.msk [tilespmem:v18+s14+$0x0], $0xffff;
	[tilespmem:s8+$0x10] =	vst v13;
	v3 =	vadd.f32 v9, v3;
	v9 =	vshll.u32 v14, $0x10  }
0x12a: {  	[tilespmem:s26+$0x70] =	vst v6;
	v14 =	vld [tilespmem:s21+$0x20];
	v6 =	vadd.f32 v9, v7;
	v9 =	vand.u32 $0xFFFF0000, v16  }
0x12b: {  	s23 =	simm.s32 $0xA;
	s12 =	sshll.u32 s24, $0x1;
	v7 =	vshll.u32 v16, $0x10;
	[tilespmem:s28+$0x70] =	vst v3;
	v13 =	vand.u32 $0xFFFF0000, v12;
	v3 =	vld [tilespmem:s10+$0xFFFFFFF0];
	v11 =	vadd.s32 v0, v11  }
0x12c: {  	s16 =	simm.s32 $0x680;
	s22 =	sor.u32 s6, s12;
	v12 =	vshll.u32 v12, $0x10;
	v9 =	vmul.f32 v9, v49;
	s10 =	simm.s32 $0x8580;
	[tilespmem:s8+$0xFFFFFF90] =	vst v6;
	v13 =	vmul.f32 v13, v55;
	v8 =	vld.idx.msk [tilespmem:v8+s14+$0x0], $0xffff  }
.LBB2_3:
0x12d: {  	v15 =	vld [tilespmem:s16+$0x0];
	v6 =	vadd.s32 v0, v4  }
0x12e: {  	s23 =	sadd.s32 $0x2, s23;
	v4 =	vadd.f32 v12, v13;
	v12 =	vld [tilespmem:s2+$0x60];
	v7 =	vadd.f32 v7, v9;
	v9 =	vand.u32 $0xFFFF0000, v2  }
0x12f: {  	p1 =	slt.u32 s23, $0x7E;
	v16 =	vand.u32 $0xFFFF0000, v10;
	v10 =	vshll.u32 v10, $0x10;
	v13 =	vld [tilespmem:s16+$0xFFFFFF80];
	v14 =	vadd.s32 v0, v14  }
0x130: {  	v2 =	vshll.u32 v2, $0x10;
	v5 =	vmul.f32 v16, v5;
	v9 =	vmul.f32 v9, v1;
	[tilespmem:s15+$0xFFFFFFB0] =	vst v4;
	v4 =	vld.idx.msk [tilespmem:v11+s14+$0x0], $0xffff  }
0x131: {  	v1 =	vmov v3;
	v11 =	vld [tilespmem:s21+$0xFFFFFFA0];
	[tilespmem:s28+$0xFFFFFFE0] =	vst v7  }
0x132: {  	v5 =	vadd.f32 v10, v5;
	v10 =	vand.u32 $0xFFFF0000, v8;
	v3 =	vadd.s32 v0, v15;
	v7 =	vld [tilespmem:s9+$0x40]  }
0x133: {  	v2 =	vadd.f32 v2, v9;
	v15 =	vld [tilespmem:s13+$0xFFFFFFA0];
	v10 =	vmul.f32 v10, v12  }
0x134: {  	v9 =	vadd.s32 v0, v13;
	v12 =	vld.idx.msk [tilespmem:v14+s14+$0x0], $0xffff;
	[tilespmem:s0+$0xFFFFFFD0] =	vst v5;
	v5 =	vshll.u32 v8, $0x10  }
0x135: {  	v8 =	vld [tilespmem:s7+$0xFFFFFFC0];
	v5 =	vadd.f32 v5, v10;
	[tilespmem:s25+$0xFFFFFFF0] =	vst v2;
	s25 =	smov.u32 s26;
	s26 =	smov.u32 s28;
	s28 =	smov.u32 s0  }
0x136: {  	s0 =	smov.u32 s15;
	s15 =	smov.u32 s8;
	v2 =	vadd.s32 v0, v11;
	v10 =	vld [tilespmem:s13+$0x20];
	v11 =	vand.u32 $0xFFFF0000, v4  }
0x137: {  	v3 =	vld.idx.msk [tilespmem:v3+s14+$0x0], $0xffff;
	v7 =	vmul.f32 v11, v7;
	[tilespmem:s28+$0x60] =	vst v5  }
0x138: {  	s13 =	sadd.s32 $0x100, s13;
	v4 =	vshll.u32 v4, $0x10;
	v5 =	vld [tilespmem:s31+$0x70]  }
0x139: {  	v11 =	vld [tilespmem:s13+$0x0];
	v4 =	vadd.f32 v4, v7  }
0x13a: {  	v7 =	vld.idx.msk [tilespmem:v9+s14+$0x0], $0xffff;
	v9 =	vand.u32 $0xFFFF0000, v12;
	v8 =	vadd.s32 v0, v8  }
0x13b: {  	v13 =	vld [tilespmem:s13+$0xFFFFFF80];
	v9 =	vmul.f32 v9, v10;
	[tilespmem:s0+$0x40] =	vst v4  }
0x13c: {  	v4 =	vshll.u32 v12, $0x10;
	v10 =	vld [tilespmem:s7+$0x50]  }
0x13d: {  	v12 =	vand.u32 $0xFFFF0000, v3;
	v2 =	vld.idx.msk [tilespmem:v2+s14+$0x0], $0xffff;
	v4 =	vadd.f32 v4, v9;
	v5 =	vadd.s32 v0, v5  }
0x13e: {  	v9 =	vmul.f32 v12, v11;
	v11 =	vld [tilespmem:s9+$0xFFFFFFC0]  }
0x13f: {  	v3 =	vshll.u32 v3, $0x10;
	[tilespmem:s8+$0x20] =	vst v4;
	v4 =	vld.idx.msk [tilespmem:v8+s14+$0x0], $0xffff  }
0x140: {  	v8 =	vand.u32 $0xFFFF0000, v7;
	v7 =	vshll.u32 v7, $0x10;
	v3 =	vadd.f32 v3, v9;
	v9 =	vld [tilespmem:s21+$0x30]  }
0x141: {  	s8 =	sadd.s32 $0x100, s8;
	v8 =	vmul.f32 v8, v13;
	v10 =	vadd.s32 v0, v10;
	v12 =	vld [tilespmem:s31+$0xFFFFFFE0]  }
0x142: {  	[tilespmem:s8+$0x0] =	vst v3;
	v3 =	vld.idx.msk [tilespmem:v5+s14+$0x0], $0xffff  }
0x143: {  	v5 =	vadd.f32 v7, v8;
	v8 =	vand.u32 $0xFFFF0000, v2;
	v2 =	vshll.u32 v2, $0x10;
	v7 =	vld [tilespmem:s16+$0x10]  }
0x144: {  	v8 =	vmul.f32 v8, v15;
	v13 =	vld [tilespmem:s2+$0x70]  }
0x145: {  	[tilespmem:s8+$0xFFFFFF80] =	vst v5;
	v5 =	vadd.s32 v0, v9;
	v9 =	vand.u32 $0xFFFF0000, v4;
	v4 =	vshll.u32 v4, $0x10;
	v15 =	vld [tilespmem:s2+$0xFFFFFFE0]  }
0x146: {  	v2 =	vadd.f32 v2, v8;
	v8 =	vmul.f32 v9, v11;
	v9 =	vld.idx.msk [tilespmem:v10+s14+$0x0], $0xffff;
	v10 =	vadd.s32 v0, v12  }
0x147: {  	v11 =	vld [tilespmem:s16+$0xFFFFFF90]  }
0x148: {  	[tilespmem:s15+$0xFFFFFFA0] =	vst v2;
	v2 =	vadd.f32 v4, v8;
	v4 =	vld [tilespmem:s9+$0x50];
	v8 =	vand.u32 $0xFFFF0000, v3  }
0x149: {  	v7 =	vadd.s32 v0, v7;
	v12 =	vld [tilespmem:s13+$0xFFFFFF90];
	v8 =	vmul.f32 v8, v13  }
0x14a: {  	v5 =	vld.idx.msk [tilespmem:v5+s14+$0x0], $0xffff;
	[tilespmem:s0+$0xFFFFFFC0] =	vst v2;
	v2 =	vshll.u32 v3, $0x10  }
0x14b: {  	v3 =	vld [tilespmem:s21+$0xFFFFFFB0];
	v2 =	vadd.f32 v2, v8  }
0x14c: {  	v13 =	vand.u32 $0xFFFF0000, v9;
	v8 =	vadd.s32 v0, v11;
	v11 =	vld [tilespmem:s10+$0x30]  }
0x14d: {  	v16 =	vld [tilespmem:s10+$0xFFFFFFB0];
	v4 =	vmul.f32 v13, v4;
	[tilespmem:s28+$0x70] =	vst v2  }
0x14e: {  	v2 =	vld.idx.msk [tilespmem:v7+s14+$0x0], $0xffff;
	v7 =	vshll.u32 v9, $0x10  }
0x14f: {  	v9 =	vld [tilespmem:s7+$0xFFFFFFD0];
	v4 =	vadd.f32 v7, v4  }
0x150: {  	v13 =	vand.u32 $0xFFFF0000, v5;
	v7 =	vld [tilespmem:s13+$0x10];
	v3 =	vadd.s32 v0, v3  }
0x151: {  	v8 =	vld.idx.msk [tilespmem:v8+s14+$0x0], $0xffff;
	v11 =	vmul.f32 v13, v11;
	[tilespmem:s0+$0x50] =	vst v4  }
0x152: {  	v4 =	vshll.u32 v5, $0x10;
	v13 =	vld [tilespmem:s7+$0x60]  }
0x153: {  	v4 =	vadd.f32 v4, v11;
	v5 =	vld [tilespmem:s9+$0xFFFFFFD0]  }
0x154: {  	v11 =	vand.u32 $0xFFFF0000, v2;
	v9 =	vadd.s32 v0, v9;
	v17 =	vld.idx.msk [tilespmem:v10+s14+$0x0], $0xffff  }
0x155: {  	v7 =	vmul.f32 v11, v7;
	v3 =	vld.idx.msk [tilespmem:v3+s14+$0x0], $0xffff;
	[tilespmem:s15+$0x30] =	vst v4  }
0x156: {  	v2 =	vshll.u32 v2, $0x10;
	v11 =	vld [tilespmem:s21+$0x40]  }
0x157: {  	v10 =	vand.u32 $0xFFFF0000, v8;
	v7 =	vadd.f32 v2, v7;
	v18 =	vadd.s32 v0, v13;
	v4 =	vld [tilespmem:s29+$0xFFFFFFF0];
	s29 =	smov.u32 s31;
	s31 =	smov.u32 s7;
	s7 =	smov.u32 s21  }
.Ltmp2:
0x158: {  	v8 =	vshll.u32 v8, $0x10;
	v12 =	vmul.f32 v10, v12;
	s21 =	smov.u32 s16;
	v2 =	vld.idx.msk [tilespmem:v6+s14+$0x0], $0xffff;
	(pc) =	sbr.rel @p1 .LBB2_3-.Ltmp2, $4  }
0x159: {  	[tilespmem:s8+$0x10] =	vst v7;
	v10 =	vld.idx.msk [tilespmem:v9+s14+$0x0], $0xffff  }
0x15a: {  	v6 =	vadd.f32 v8, v12;
	v9 =	vand.u32 $0xFFFF0000, v17;
	v7 =	vshll.u32 v17, $0x10;
	v14 =	vld [tilespmem:s16+$0x20]  }
0x15b: {  	v8 =	vand.u32 $0xFFFF0000, v3;
	v12 =	vshll.u32 v3, $0x10;
	v11 =	vadd.s32 v0, v11;
	v3 =	vld [tilespmem:s30+$0xFFFFFFF0];
	s30 =	smov.u32 s2;
	s2 =	smov.u32 s9;
	s9 =	smov.u32 s10  }
0x15c: {  	s16 =	sadd.s32 $0x100, s16;
	v9 =	vmul.f32 v9, v15;
	v13 =	vmul.f32 v8, v16;
	s10 =	smov.u32 s13;
	[tilespmem:s8+$0xFFFFFF90] =	vst v6;
	v8 =	vld.idx.msk [tilespmem:v18+s14+$0x0], $0xffff  }
0x15d: {  	_ =	sdelay $0x1  }
0x15e: {  	v6 =	vadd.s32 v0, v14;
	v14 =	vld [tilespmem:s21+$0xFFFFFFA0];
	_ =	sdelay $0x4  }
0x15f: {  	v6 =	vld.idx.msk [tilespmem:v6+s14+$0x0], $0xffff;
	v14 =	vadd.s32 v0, v14  }
0x160: {  	v15 =	vld [tilespmem:s13+$0x20];
	_ =	sdelay $0x3  }
0x161: {  	v16 =	vand.u32 $0xFFFF0000, v6;
	v14 =	vld.idx.msk [tilespmem:v14+s14+$0x0], $0xffff  }
0x162: {  	v17 =	vld [tilespmem:s13+$0xFFFFFFA0];
	v15 =	vmul.f32 v16, v15  }
0x163: {  	v6 =	vshll.u32 v6, $0x10  }
0x164: {  	v6 =	vadd.f32 v6, v15;
	_ =	sdelay $0x1  }
0x165: {  	[tilespmem:s8+$0x20] =	vst v6;
	v6 =	vand.u32 $0xFFFF0000, v14  }
0x166: {  	v15 =	vld [tilespmem:s21+$0x30];
	v6 =	vmul.f32 v6, v17  }
0x167: {  	v14 =	vshll.u32 v14, $0x10  }
0x168: {  	v6 =	vadd.f32 v14, v6;
	_ =	sdelay $0x1  }
0x169: {  	[tilespmem:s8+$0xFFFFFFA0] =	vst v6  }
0x16a: {  	v6 =	vadd.s32 v0, v15;
	v14 =	vld [tilespmem:s21+$0xFFFFFFB0];
	_ =	sdelay $0x4  }
0x16b: {  	v6 =	vld.idx.msk [tilespmem:v6+s14+$0x0], $0xffff;
	v14 =	vadd.s32 v0, v14  }
0x16c: {  	v15 =	vld [tilespmem:s10+$0x30];
	_ =	sdelay $0x3  }
0x16d: {  	v48 =	vand.u32 $0xFFFF0000, v6;
	v14 =	vld.idx.msk [tilespmem:v14+s14+$0x0], $0xffff  }
0x16e: {  	v49 =	vld [tilespmem:s10+$0xFFFFFFB0];
	v15 =	vmul.f32 v48, v15  }
0x16f: {  	v6 =	vshll.u32 v6, $0x10  }
0x170: {  	v6 =	vadd.f32 v6, v15;
	_ =	sdelay $0x1  }
0x171: {  	[tilespmem:s8+$0x30] =	vst v6;
	v6 =	vand.u32 $0xFFFF0000, v14  }
0x172: {  	v12 =	vadd.f32 v12, v13;
	v15 =	vld [tilespmem:s21+$0x40];
	v6 =	vmul.f32 v6, v49  }
0x173: {  	v13 =	vshll.u32 v14, $0x10  }
0x174: {  	[tilespmem:s15+$0xFFFFFFB0] =	vst v12;
	v6 =	vadd.f32 v13, v6  }
0x175: {  	v12 =	vld [tilespmem:s7+$0xFFFFFFC0]  }
0x176: {  	[tilespmem:s8+$0xFFFFFFB0] =	vst v6  }
0x177: {  	v6 =	vadd.s32 v0, v15;
	v13 =	vld [tilespmem:s21+$0xFFFFFFC0]  }
0x178: {  	v11 =	vld.idx.msk [tilespmem:v11+s14+$0x0], $0xffff  }
0x179: {  	v14 =	vld [tilespmem:s9+$0x40]  }
0x17a: {  	v12 =	vadd.s32 v0, v12;
	_ =	sdelay $0x1  }
0x17b: {  	v6 =	vld.idx.msk [tilespmem:v6+s14+$0x0], $0xffff;
	v13 =	vadd.s32 v0, v13  }
0x17c: {  	v50 =	vld [tilespmem:s10+$0x40];
	v15 =	vand.u32 $0xFFFF0000, v11  }
0x17d: {  	v14 =	vmul.f32 v15, v14  }
0x17e: {  	v12 =	vld.idx.msk [tilespmem:v12+s14+$0x0], $0xffff;
	v11 =	vshll.u32 v11, $0x10  }
0x17f: {  	v15 =	vld [tilespmem:s9+$0xFFFFFFC0];
	v11 =	vadd.f32 v11, v14  }
0x180: {  	v14 =	vand.u32 $0xFFFF0000, v6;
	v13 =	vld.idx.msk [tilespmem:v13+s14+$0x0], $0xffff  }
0x181: {  	[tilespmem:s15+$0x40] =	vst v11;
	v11 =	vmul.f32 v14, v50;
	v14 =	vld [tilespmem:s10+$0xFFFFFFC0]  }
0x182: {  	v51 =	vld [tilespmem:s7+$0x50];
	v6 =	vshll.u32 v6, $0x10  }
0x183: {  	v6 =	vadd.f32 v6, v11  }
0x184: {  	v11 =	vand.u32 $0xFFFF0000, v12  }
0x185: {  	v11 =	vmul.f32 v11, v15;
	[tilespmem:s8+$0x40] =	vst v6;
	v6 =	vand.u32 $0xFFFF0000, v13  }
0x186: {  	v12 =	vshll.u32 v12, $0x10;
	v15 =	vld [tilespmem:s21+$0x50];
	v6 =	vmul.f32 v6, v14  }
0x187: {  	v14 =	vadd.s32 v0, v51;
	v11 =	vadd.f32 v12, v11;
	v12 =	vshll.u32 v13, $0x10  }
0x188: {  	v6 =	vadd.f32 v12, v6  }
0x189: {  	[tilespmem:s15+$0xFFFFFFC0] =	vst v11  }
0x18a: {  	v11 =	vld [tilespmem:s7+$0xFFFFFFD0];
	[tilespmem:s8+$0xFFFFFFC0] =	vst v6  }
0x18b: {  	v6 =	vadd.s32 v0, v15;
	v12 =	vld [tilespmem:s21+$0xFFFFFFD0]  }
0x18c: {  	v13 =	vld.idx.msk [tilespmem:v14+s14+$0x0], $0xffff  }
0x18d: {  	v14 =	vld [tilespmem:s9+$0x50];
	_ =	sdelay $0x1  }
0x18e: {  	v11 =	vadd.s32 v0, v11  }
0x18f: {  	v6 =	vld.idx.msk [tilespmem:v6+s14+$0x0], $0xffff;
	v12 =	vadd.s32 v0, v12  }
0x190: {  	v52 =	vld [tilespmem:s10+$0x50];
	v15 =	vand.u32 $0xFFFF0000, v13  }
0x191: {  	v14 =	vmul.f32 v15, v14  }
0x192: {  	v13 =	vshll.u32 v13, $0x10;
	v15 =	vld [tilespmem:s9+$0xFFFFFFD0]  }
0x193: {  	v13 =	vadd.f32 v13, v14;
	v11 =	vld.idx.msk [tilespmem:v11+s14+$0x0], $0xffff  }
0x194: {  	v14 =	vand.u32 $0xFFFF0000, v6;
	v12 =	vld.idx.msk [tilespmem:v12+s14+$0x0], $0xffff  }
0x195: {  	[tilespmem:s15+$0x50] =	vst v13;
	v13 =	vmul.f32 v14, v52;
	v14 =	vld [tilespmem:s10+$0xFFFFFFD0]  }
0x196: {  	v53 =	vand.u32 $0xFFFF0000, v10;
	v6 =	vshll.u32 v6, $0x10;
	v54 =	vld [tilespmem:s7+$0x60]  }
0x197: {  	v5 =	vmul.f32 v53, v5;
	v6 =	vadd.f32 v6, v13  }
0x198: {  	v10 =	vshll.u32 v10, $0x10;
	v13 =	vld [tilespmem:s2+$0x60];
	v55 =	vand.u32 $0xFFFF0000, v11  }
0x199: {  	v5 =	vadd.f32 v10, v5;
	v10 =	vmul.f32 v55, v15;
	[tilespmem:s8+$0x50] =	vst v6;
	v6 =	vand.u32 $0xFFFF0000, v12  }
0x19a: {  	v11 =	vshll.u32 v11, $0x10;
	v15 =	vld [tilespmem:s21+$0x60];
	v6 =	vmul.f32 v6, v14  }
0x19b: {  	[tilespmem:s0+$0xFFFFFFD0] =	vst v5;
	v5 =	vadd.s32 v0, v54;
	v10 =	vadd.f32 v11, v10;
	v11 =	vshll.u32 v12, $0x10  }
0x19c: {  	v12 =	vand.u32 $0xFFFF0000, v8;
	v14 =	vld [tilespmem:s31+$0xFFFFFFE0];
	v6 =	vadd.f32 v11, v6  }
0x19d: {  	v11 =	vmul.f32 v12, v13;
	[tilespmem:s15+$0xFFFFFFD0] =	vst v10  }
0x19e: {  	v8 =	vshll.u32 v8, $0x10;
	v10 =	vld [tilespmem:s7+$0xFFFFFFE0];
	[tilespmem:s8+$0xFFFFFFD0] =	vst v6  }
0x19f: {  	v6 =	vadd.f32 v8, v11;
	v8 =	vadd.s32 v0, v15;
	v11 =	vld [tilespmem:s21+$0xFFFFFFE0]  }
0x1a0: {  	v5 =	vld.idx.msk [tilespmem:v5+s14+$0x0], $0xffff  }
0x1a1: {  	v12 =	vld [tilespmem:s9+$0x60];
	[tilespmem:s0+$0x60] =	vst v6;
	v6 =	vadd.s32 v0, v14  }
0x1a2: {  	v56 =	vld [tilespmem:s10+$0x60]  }
0x1a3: {  	v13 =	vld [tilespmem:s31+$0x70];
	v10 =	vadd.s32 v0, v10  }
0x1a4: {  	v8 =	vld.idx.msk [tilespmem:v8+s14+$0x0], $0xffff;
	v11 =	vadd.s32 v0, v11  }
0x1a5: {  	v14 =	vld [tilespmem:s2+$0xFFFFFFE0];
	v15 =	vand.u32 $0xFFFF0000, v5  }
0x1a6: {  	v4 =	vadd.s32 v0, v4;
	v6 =	vld.idx.msk [tilespmem:v6+s14+$0x0], $0xffff;
	v12 =	vmul.f32 v15, v12  }
0x1a7: {  	v5 =	vshll.u32 v5, $0x10;
	v15 =	vld [tilespmem:s9+$0xFFFFFFE0]  }
0x1a8: {  	v13 =	vadd.s32 v0, v13;
	v5 =	vadd.f32 v5, v12;
	v10 =	vld.idx.msk [tilespmem:v10+s14+$0x0], $0xffff  }
0x1a9: {  	v12 =	vand.u32 $0xFFFF0000, v8;
	v11 =	vld.idx.msk [tilespmem:v11+s14+$0x0], $0xffff  }
0x1aa: {  	v7 =	vadd.f32 v7, v9;
	v9 =	vld [tilespmem:s10+$0xFFFFFFE0];
	[tilespmem:s15+$0x60] =	vst v5;
	v5 =	vmul.f32 v12, v56  }
0x1ab: {  	v4 =	vld.idx.msk [tilespmem:v4+s14+$0x0], $0xffff;
	v8 =	vshll.u32 v8, $0x10;
	v12 =	vand.u32 $0xFFFF0000, v6  }
0x1ac: {  	v57 =	vld [tilespmem:s7+$0x70];
	v12 =	vmul.f32 v12, v14;
	v5 =	vadd.f32 v8, v5  }
0x1ad: {  	[tilespmem:s28+$0xFFFFFFE0] =	vst v7;
	v6 =	vshll.u32 v6, $0x10;
	v7 =	vld.idx.msk [tilespmem:v13+s14+$0x0], $0xffff;
	v13 =	vand.u32 $0xFFFF0000, v10  }
0x1ae: {  	v14 =	vld [tilespmem:s2+$0x70];
	v6 =	vadd.f32 v6, v12;
	v12 =	vmul.f32 v13, v15;
	[tilespmem:s8+$0x60] =	vst v5;
	v5 =	vand.u32 $0xFFFF0000, v11  }
0x1af: {  	v8 =	vld [tilespmem:s29+$0xFFFFFFF0];
	v10 =	vshll.u32 v10, $0x10;
	v5 =	vmul.f32 v5, v9  }
0x1b0: {  	v13 =	vld [tilespmem:s21+$0x70];
	v9 =	vadd.f32 v10, v12;
	v10 =	vshll.u32 v11, $0x10  }
0x1b1: {  	[tilespmem:s0+$0xFFFFFFE0] =	vst v6;
	v59 =	vld [tilespmem:s10+$0x70];
	v5 =	vadd.f32 v10, v5  }
0x1b2: {  	v6 =	vadd.s32 v0, v57;
	v11 =	vld [tilespmem:s31+$0xFFFFFFF0];
	[tilespmem:s15+$0xFFFFFFE0] =	vst v9  }
0x1b3: {  	v9 =	vld [tilespmem:s7+$0xFFFFFFF0];
	[tilespmem:s8+$0xFFFFFFE0] =	vst v5  }
0x1b4: {  	v8 =	vadd.s32 v0, v8;
	v12 =	vld [tilespmem:s21+$0xFFFFFFF0]  }
0x1b5: {  	v15 =	vld [tilespmem:s2+$0xFFFFFFF0];
	v5 =	vadd.s32 v0, v13  }
0x1b6: {  	v10 =	vld [tilespmem:s30+$0xFFFFFFF0]  }
0x1b7: {  	v58 =	vand.u32 $0xFFFF0000, v2;
	v6 =	vld.idx.msk [tilespmem:v6+s14+$0x0], $0xffff;
	v11 =	vadd.s32 v0, v11  }
0x1b8: {  	v1 =	vmul.f32 v58, v1;
	v13 =	vld [tilespmem:s9+$0x70];
	v9 =	vadd.s32 v0, v9  }
0x1b9: {  	v2 =	vshll.u32 v2, $0x10;
	v8 =	vld.idx.msk [tilespmem:v8+s14+$0x0], $0xffff;
	v0 =	vadd.s32 v0, v12  }
0x1ba: {  	v1 =	vadd.f32 v2, v1;
	v5 =	vld.idx.msk [tilespmem:v5+s14+$0x0], $0xffff;
	v12 =	vand.u32 $0xFFFF0000, v7  }
0x1bb: {  	v2 =	vshll.u32 v7, $0x10;
	v7 =	vld [tilespmem:s9+$0xFFFFFFF0];
	v12 =	vmul.f32 v12, v14;
	v14 =	vand.u32 $0xFFFF0000, v4  }
0x1bc: {  	v11 =	vld.idx.msk [tilespmem:v11+s14+$0x0], $0xffff;
	v3 =	vmul.f32 v14, v3  }
0x1bd: {  	v4 =	vshll.u32 v4, $0x10;
	v2 =	vadd.f32 v2, v12;
	v12 =	vand.u32 $0xFFFF0000, v6;
	v9 =	vld.idx.msk [tilespmem:v9+s14+$0x0], $0xffff  }
0x1be: {  	v3 =	vadd.f32 v4, v3;
	v4 =	vmul.f32 v12, v13;
	v12 =	vand.u32 $0xFFFF0000, v8;
	v0 =	vld.idx.msk [tilespmem:v0+s14+$0x0], $0xffff  }
0x1bf: {  	v6 =	vshll.u32 v6, $0x10;
	v13 =	vld [tilespmem:s10+$0xFFFFFFF0];
	v10 =	vmul.f32 v12, v10;
	v12 =	vand.u32 $0xFFFF0000, v5  }
0x1c0: {  	[tilespmem:s25+$0xFFFFFFF0] =	vst v1;
	v1 =	vadd.f32 v6, v4;
	v4 =	vshll.u32 v8, $0x10;
	v6 =	vmul.f32 v12, v59  }
0x1c1: {  	[tilespmem:s0+$0x70] =	vst v2;
	v2 =	vadd.f32 v4, v10;
	v4 =	vshll.u32 v5, $0x10;
	v5 =	vand.u32 $0xFFFF0000, v11  }
0x1c2: {  	[tilespmem:s26+$0xFFFFFFF0] =	vst v3;
	v3 =	vadd.f32 v4, v6;
	v4 =	vmul.f32 v5, v15;
	v5 =	vand.u32 $0xFFFF0000, v9  }
0x1c3: {  	[tilespmem:s15+$0x70] =	vst v1;
	v1 =	vshll.u32 v11, $0x10;
	v5 =	vmul.f32 v5, v7;
	v6 =	vand.u32 $0xFFFF0000, v0  }
0x1c4: {  	[tilespmem:s28+$0xFFFFFFF0] =	vst v2;
	v2 =	vshll.u32 v9, $0x10;
	v1 =	vadd.f32 v1, v4;
	v4 =	vmul.f32 v6, v13  }
0x1c5: {  	s2 =	sshll.u32 s22, $0xE;
	[tilespmem:s8+$0x70] =	vst v3;
	v0 =	vshll.u32 v0, $0x10;
	v2 =	vadd.f32 v2, v5  }
0x1c6: {  	s7 =	sor.u32 s5, s2;
	[tilespmem:s0+$0xFFFFFFF0] =	vst v1;
	v0 =	vadd.f32 v0, v4  }
0x1c7: {  	s0 =	sshrl.u32 s7, $0x3;
	[tilespmem:s15+$0xFFFFFFF0] =	vst v2  }
0x1c8: {  	p1 =	seq.s32 s24, $0x1F;
	s0 =	sadd.s32 s3, s0;
	[tilespmem:s8+$0xFFFFFFF0] =	vst v0  }
0x1c9: {  	[hbm4b:s0+s4] =	stream.linear.scatter [tilespmem:s18], [sflag:$0x3], $0x4000, $0x38;
	[tilespmem:$0x18000] =	vst v63  }
0x1ca: {  	s0 =	sadd.s32 @!p1 s2, s11  }
0x1cb: {  	s0 =	sshrl.u32 @!p1 s0, $0x3  }
0x1cc: {  	s7 =	simm.s32 @!p1 $0x8000;
	s2 =	simm.s32 @!p1 $0x0;
	s0 =	sadd.s32 @!p1 s1, s0  }
0x1cd: {  	[tilespmem:s7], [sflag:$0x1] =	stream.linear.gather @!p1 [hbm4b:s0+s2], $0x4000, $0x38;
	[tilespmem:$0x18000] =	vst v63  }
0x1ce: {  	_ =	swait.ge [sflag:s19], $0x4000  }
0x1cf: {  	[sflag:s19] =	ssyncset.done $0x0  }
0x1d0: {  	s0 =	simm.s32 @!p0 $0x4;
	[sflag:s19] =	ssyncadd.s32 $0xFFFFC000  }
0x1d1: {  	_ =	swait.ge @!p0 [sflag:s0], $0x4000  }
0x1d2: {  	[sflag:s0] =	ssyncset.done @!p0 $0x0  }
0x1d3: {  	s8 =	simm.s32 $0x80;
	[sflag:s0] =	ssyncadd.s32 @!p0 $0xFFFFC000  }
0x1d4: {  	v1 =	vld [tilespmem:s8+$0x0];
	_ =	sdelay $0x1  }
0x1d5: {  	s10 =	sor.u32 $0x1, s12  }
0x1d6: {  	s12 =	sshll.u32 s10, $0x8  }
0x1d7: {  	v0 =	vmov s12  }
0x1d8: {  	v1 =	vadd.s32 v0, v1;
	_ =	sdelay $0x4  }
0x1d9: {  	s13 =	simm.s32 $0xC080;
	v1 =	vld.idx.msk [tilespmem:v1+s14+$0x0], $0xffff  }
0x1da: {  	v2 =	vld [tilespmem:s13+$0x0];
	_ =	sdelay $0x3  }
0x1db: {  	v3 =	vand.u32 $0xFFFF0000, v1  }
0x1dc: {  	v2 =	vmul.f32 v3, v2  }
0x1dd: {  	v1 =	vshll.u32 v1, $0x10  }
0x1de: {  	v1 =	vadd.f32 v1, v2  }
0x1df: {  	s25 =	simm.s32 $0x14080  }
0x1e0: {  	v2 =	vld [tilespmem:s8+$0xFFFFFF80];
	[tilespmem:s25+$0x0] =	vst v1  }
0x1e1: {  	v1 =	vld [tilespmem:s8+$0x10];
	_ =	sdelay $0x3  }
0x1e2: {  	v2 =	vadd.s32 v0, v2  }
0x1e3: {  	v1 =	vadd.s32 v0, v1;
	_ =	sdelay $0x2  }
0x1e4: {  	v3 =	vld [tilespmem:s13+$0xFFFFFF80]  }
0x1e5: {  	v2 =	vld.idx.msk [tilespmem:v2+s14+$0x0], $0xffff  }
0x1e6: {  	v1 =	vld.idx.msk [tilespmem:v1+s14+$0x0], $0xffff  }
0x1e7: {  	v4 =	vld [tilespmem:s13+$0x10];
	_ =	sdelay $0x2  }
0x1e8: {  	v5 =	vand.u32 $0xFFFF0000, v2  }
0x1e9: {  	v3 =	vmul.f32 v5, v3;
	v5 =	vand.u32 $0xFFFF0000, v1  }
0x1ea: {  	v2 =	vshll.u32 v2, $0x10;
	v4 =	vmul.f32 v5, v4  }
0x1eb: {  	v2 =	vadd.f32 v2, v3;
	v1 =	vshll.u32 v1, $0x10  }
0x1ec: {  	v1 =	vadd.f32 v1, v4  }
0x1ed: {  	[tilespmem:s25+$0xFFFFFF80] =	vst v2  }
0x1ee: {  	v2 =	vld [tilespmem:s8+$0xFFFFFF90];
	[tilespmem:s25+$0x10] =	vst v1  }
0x1ef: {  	v1 =	vld [tilespmem:s8+$0x20];
	_ =	sdelay $0x1  }
0x1f0: {  	s16 =	simm.s32 $0x180  }
0x1f1: {  	v3 =	vld [tilespmem:s16+$0x0]  }
0x1f2: {  	v2 =	vadd.s32 v0, v2  }
0x1f3: {  	v1 =	vadd.s32 v0, v1;
	_ =	sdelay $0x2  }
0x1f4: {  	v4 =	vld [tilespmem:s13+$0xFFFFFF90];
	v3 =	vadd.s32 v0, v3  }
0x1f5: {  	v2 =	vld.idx.msk [tilespmem:v2+s14+$0x0], $0xffff  }
0x1f6: {  	v1 =	vld.idx.msk [tilespmem:v1+s14+$0x0], $0xffff  }
0x1f7: {  	v5 =	vld [tilespmem:s13+$0x20];
	_ =	sdelay $0x1  }
0x1f8: {  	s23 =	simm.s32 $0xC180;
	v3 =	vld.idx.msk [tilespmem:v3+s14+$0x0], $0xffff  }
0x1f9: {  	v7 =	vld [tilespmem:s23+$0x0];
	v6 =	vand.u32 $0xFFFF0000, v2  }
0x1fa: {  	v4 =	vmul.f32 v6, v4;
	v6 =	vand.u32 $0xFFFF0000, v1  }
0x1fb: {  	v8 =	vld [tilespmem:s16+$0xFFFFFF80];
	v2 =	vshll.u32 v2, $0x10;
	v5 =	vmul.f32 v6, v5  }
0x1fc: {  	v2 =	vadd.f32 v2, v4;
	v1 =	vshll.u32 v1, $0x10  }
0x1fd: {  	v4 =	vand.u32 $0xFFFF0000, v3;
	v1 =	vadd.f32 v1, v5  }
0x1fe: {  	[tilespmem:s25+$0xFFFFFF90] =	vst v2;
	v2 =	vmul.f32 v4, v7  }
0x1ff: {  	v3 =	vshll.u32 v3, $0x10;
	v4 =	vld [tilespmem:s8+$0xFFFFFFA0];
	[tilespmem:s25+$0x20] =	vst v1  }
0x200: {  	v2 =	vadd.f32 v3, v2;
	v1 =	vadd.s32 v0, v8;
	v3 =	vld [tilespmem:s8+$0x30]  }
0x201: {  	s26 =	simm.s32 $0x14180  }
0x202: {  	[tilespmem:s26+$0x0] =	vst v2  }
0x203: {  	v2 =	vld [tilespmem:s16+$0x10]  }
0x204: {  	v4 =	vadd.s32 v0, v4  }
0x205: {  	v1 =	vld.idx.msk [tilespmem:v1+s14+$0x0], $0xffff;
	v3 =	vadd.s32 v0, v3  }
0x206: {  	v5 =	vld [tilespmem:s23+$0xFFFFFF80];
	_ =	sdelay $0x1  }
0x207: {  	v6 =	vld [tilespmem:s13+$0xFFFFFFA0];
	v2 =	vadd.s32 v0, v2  }
0x208: {  	v4 =	vld.idx.msk [tilespmem:v4+s14+$0x0], $0xffff  }
0x209: {  	v7 =	vand.u32 $0xFFFF0000, v1;
	v3 =	vld.idx.msk [tilespmem:v3+s14+$0x0], $0xffff  }
0x20a: {  	v5 =	vmul.f32 v7, v5;
	v7 =	vld [tilespmem:s13+$0x30]  }
0x20b: {  	v1 =	vshll.u32 v1, $0x10  }
0x20c: {  	v2 =	vld.idx.msk [tilespmem:v2+s14+$0x0], $0xffff;
	v1 =	vadd.f32 v1, v5  }
0x20d: {  	v8 =	vld [tilespmem:s23+$0x10];
	v5 =	vand.u32 $0xFFFF0000, v4  }
0x20e: {  	v5 =	vmul.f32 v5, v6;
	[tilespmem:s26+$0xFFFFFF80] =	vst v1;
	v1 =	vand.u32 $0xFFFF0000, v3  }
0x20f: {  	v4 =	vshll.u32 v4, $0x10;
	v6 =	vld [tilespmem:s16+$0xFFFFFF90];
	v1 =	vmul.f32 v1, v7  }
0x210: {  	v4 =	vadd.f32 v4, v5;
	v3 =	vshll.u32 v3, $0x10  }
0x211: {  	v1 =	vadd.f32 v3, v1;
	v3 =	vand.u32 $0xFFFF0000, v2  }
0x212: {  	[tilespmem:s25+$0xFFFFFFA0] =	vst v4;
	v3 =	vmul.f32 v3, v8  }
0x213: {  	v4 =	vld [tilespmem:s8+$0xFFFFFFB0];
	[tilespmem:s25+$0x30] =	vst v1;
	v1 =	vshll.u32 v2, $0x10  }
0x214: {  	v2 =	vadd.s32 v0, v6;
	v5 =	vld [tilespmem:s8+$0x40];
	v1 =	vadd.f32 v1, v3;
	_ =	sdelay $0x1  }
0x215: {  	[tilespmem:s26+$0x10] =	vst v1  }
0x216: {  	v1 =	vld [tilespmem:s16+$0x20]  }
0x217: {  	v3 =	vadd.s32 v0, v4  }
0x218: {  	v2 =	vld.idx.msk [tilespmem:v2+s14+$0x0], $0xffff;
	v4 =	vadd.s32 v0, v5  }
0x219: {  	s29 =	simm.s32 $0x280;
	v5 =	vld [tilespmem:s23+$0xFFFFFF90]  }
0x21a: {  	v6 =	vld [tilespmem:s29+$0x0]  }
0x21b: {  	v7 =	vld [tilespmem:s13+$0xFFFFFFB0];
	v1 =	vadd.s32 v0, v1  }
0x21c: {  	v3 =	vld.idx.msk [tilespmem:v3+s14+$0x0], $0xffff  }
0x21d: {  	v8 =	vand.u32 $0xFFFF0000, v2;
	v4 =	vld.idx.msk [tilespmem:v4+s14+$0x0], $0xffff  }
0x21e: {  	v5 =	vmul.f32 v8, v5;
	v8 =	vld [tilespmem:s13+$0x40]  }
0x21f: {  	v6 =	vadd.s32 v0, v6;
	v2 =	vshll.u32 v2, $0x10  }
0x220: {  	v2 =	vadd.f32 v2, v5;
	v1 =	vld.idx.msk [tilespmem:v1+s14+$0x0], $0xffff  }
0x221: {  	v9 =	vld [tilespmem:s23+$0x20];
	v5 =	vand.u32 $0xFFFF0000, v3  }
0x222: {  	[tilespmem:s26+$0xFFFFFF90] =	vst v2;
	v2 =	vmul.f32 v5, v7;
	v5 =	vld [tilespmem:s29+$0xFFFFFF80];
	v7 =	vand.u32 $0xFFFF0000, v4  }
0x223: {  	v3 =	vshll.u32 v3, $0x10;
	v10 =	vld [tilespmem:s16+$0xFFFFFFA0];
	v7 =	vmul.f32 v7, v8  }
0x224: {  	s30 =	simm.s32 $0xC280;
	v4 =	vshll.u32 v4, $0x10;
	v2 =	vadd.f32 v3, v2;
	v3 =	vld.idx.msk [tilespmem:v6+s14+$0x0], $0xffff  }
0x225: {  	v6 =	vld [tilespmem:s30+$0x0];
	v4 =	vadd.f32 v4, v7;
	v7 =	vand.u32 $0xFFFF0000, v1  }
0x226: {  	[tilespmem:s25+$0xFFFFFFB0] =	vst v2;
	v2 =	vmul.f32 v7, v9  }
0x227: {  	v1 =	vshll.u32 v1, $0x10;
	v5 =	vadd.s32 v0, v5;
	v7 =	vld [tilespmem:s8+$0xFFFFFFC0];
	[tilespmem:s25+$0x40] =	vst v4  }
0x228: {  	v4 =	vld [tilespmem:s8+$0x50];
	v1 =	vadd.f32 v1, v2  }
0x229: {  	v2 =	vadd.s32 v0, v10;
	v8 =	vand.u32 $0xFFFF0000, v3  }
0x22a: {  	v9 =	vld [tilespmem:s23+$0xFFFFFFA0];
	v6 =	vmul.f32 v8, v6;
	[tilespmem:s26+$0x20] =	vst v1  }
0x22b: {  	v1 =	vshll.u32 v3, $0x10;
	v3 =	vld [tilespmem:s16+$0x30]  }
0x22c: {  	v5 =	vld.idx.msk [tilespmem:v5+s14+$0x0], $0xffff;
	v7 =	vadd.s32 v0, v7;
	v1 =	vadd.f32 v1, v6  }
0x22d: {  	s28 =	simm.s32 $0x14280;
	v6 =	vld [tilespmem:s30+$0xFFFFFF80];
	v4 =	vadd.s32 v0, v4  }
0x22e: {  	v2 =	vld.idx.msk [tilespmem:v2+s14+$0x0], $0xffff;
	[tilespmem:s28+$0x0] =	vst v1  }
0x22f: {  	v1 =	vld [tilespmem:s29+$0x10]  }
0x230: {  	v8 =	vld [tilespmem:s13+$0xFFFFFFC0];
	v3 =	vadd.s32 v0, v3  }
0x231: {  	v7 =	vld.idx.msk [tilespmem:v7+s14+$0x0], $0xffff;
	v10 =	vand.u32 $0xFFFF0000, v5  }
0x232: {  	v6 =	vmul.f32 v10, v6;
	v4 =	vld.idx.msk [tilespmem:v4+s14+$0x0], $0xffff  }
0x233: {  	s7 =	simm.s32 $0x480;
	v5 =	vshll.u32 v5, $0x10;
	v10 =	vld [tilespmem:s13+$0x50]  }
0x234: {  	v60 =	vld [tilespmem:s7+$0xFFFFFF80];
	v1 =	vadd.s32 v0, v1;
	v5 =	vadd.f32 v5, v6;
	v6 =	vand.u32 $0xFFFF0000, v2  }
0x235: {  	v6 =	vmul.f32 v6, v9;
	v3 =	vld.idx.msk [tilespmem:v3+s14+$0x0], $0xffff  }
0x236: {  	v11 =	vld [tilespmem:s23+$0x30];
	v2 =	vshll.u32 v2, $0x10;
	v9 =	vand.u32 $0xFFFF0000, v7;
	[tilespmem:s28+$0xFFFFFF80] =	vst v5  }
0x237: {  	s9 =	simm.s32 $0xC480;
	v5 =	vmul.f32 v9, v8;
	v2 =	vadd.f32 v2, v6;
	v6 =	vld [tilespmem:s29+$0xFFFFFF90];
	v8 =	vand.u32 $0xFFFF0000, v4  }
0x238: {  	v63 =	vld [tilespmem:s9+$0x0];
	v7 =	vshll.u32 v7, $0x10;
	v8 =	vmul.f32 v8, v10  }
0x239: {  	v4 =	vshll.u32 v4, $0x10;
	v5 =	vadd.f32 v7, v5;
	v1 =	vld.idx.msk [tilespmem:v1+s14+$0x0], $0xffff  }
0x23a: {  	[tilespmem:s26+$0xFFFFFFA0] =	vst v2;
	v2 =	vadd.f32 v4, v8;
	v4 =	vld [tilespmem:s30+$0x10];
	v7 =	vand.u32 $0xFFFF0000, v3  }
0x23b: {  	[tilespmem:s25+$0xFFFFFFC0] =	vst v5;
	v5 =	vld [tilespmem:s16+$0xFFFFFFB0];
	v7 =	vmul.f32 v7, v11  }
0x23c: {  	s22 =	simm.s32 $0x580;
	v19 =	vld [tilespmem:s9+$0xFFFFFF80];
	[tilespmem:s25+$0x50] =	vst v2;
	v2 =	vshll.u32 v3, $0x10;
	v3 =	vadd.s32 v0, v6  }
0x23d: {  	v31 =	vld [tilespmem:s22+$0x0];
	v2 =	vadd.f32 v2, v7  }
0x23e: {  	v6 =	vld [tilespmem:s8+$0x60];
	v7 =	vand.u32 $0xFFFF0000, v1  }
0x23f: {  	v9 =	vld [tilespmem:s30+$0xFFFFFF90];
	v4 =	vmul.f32 v7, v4;
	[tilespmem:s26+$0x30] =	vst v2  }
0x240: {  	v1 =	vshll.u32 v1, $0x10;
	v2 =	vadd.s32 v0, v5;
	v5 =	vld [tilespmem:s16+$0x40]  }
0x241: {  	v1 =	vadd.f32 v1, v4;
	v3 =	vld.idx.msk [tilespmem:v3+s14+$0x0], $0xffff  }
0x242: {  	v8 =	vld [tilespmem:s8+$0xFFFFFFD0]  }
0x243: {  	v11 =	vld [tilespmem:s13+$0x60];
	v4 =	vadd.s32 v0, v6;
	[tilespmem:s28+$0x10] =	vst v1  }
0x244: {  	v1 =	vld [tilespmem:s29+$0x20]  }
0x245: {  	v2 =	vld.idx.msk [tilespmem:v2+s14+$0x0], $0xffff;
	v5 =	vadd.s32 v0, v5  }
0x246: {  	s31 =	simm.s32 $0x380;
	v7 =	vld [tilespmem:s23+$0xFFFFFFB0];
	v10 =	vand.u32 $0xFFFF0000, v3  }
0x247: {  	v9 =	vmul.f32 v10, v9;
	v10 =	vld [tilespmem:s31+$0x0]  }
0x248: {  	v3 =	vshll.u32 v3, $0x10;
	v4 =	vld.idx.msk [tilespmem:v4+s14+$0x0], $0xffff  }
0x249: {  	v12 =	vld [tilespmem:s23+$0x40];
	v1 =	vadd.s32 v0, v1;
	v3 =	vadd.f32 v3, v9  }
0x24a: {  	v9 =	vand.u32 $0xFFFF0000, v2;
	v5 =	vld.idx.msk [tilespmem:v5+s14+$0x0], $0xffff  }
0x24b: {  	v8 =	vadd.s32 v0, v8;
	v6 =	vld [tilespmem:s13+$0xFFFFFFD0];
	[tilespmem:s28+$0xFFFFFF90] =	vst v3;
	v3 =	vmul.f32 v9, v7  }
0x24c: {  	v2 =	vshll.u32 v2, $0x10;
	v7 =	vld [tilespmem:s31+$0xFFFFFF80];
	v10 =	vadd.s32 v0, v10  }
0x24d: {  	v9 =	vld [tilespmem:s29+$0xFFFFFFA0];
	v2 =	vadd.f32 v2, v3;
	v3 =	vand.u32 $0xFFFF0000, v4  }
0x24e: {  	v1 =	vld.idx.msk [tilespmem:v1+s14+$0x0], $0xffff;
	v3 =	vmul.f32 v3, v11  }
0x24f: {  	v11 =	vld [tilespmem:s30+$0x20];
	v13 =	vand.u32 $0xFFFF0000, v5;
	[tilespmem:s26+$0xFFFFFFB0] =	vst v2;
	v2 =	vshll.u32 v4, $0x10  }
0x250: {  	v8 =	vld.idx.msk [tilespmem:v8+s14+$0x0], $0xffff;
	v4 =	vmul.f32 v13, v12;
	v2 =	vadd.f32 v2, v3  }
0x251: {  	s2 =	simm.s32 $0xC380;
	v7 =	vadd.s32 v0, v7;
	v3 =	vshll.u32 v5, $0x10;
	v5 =	vld.idx.msk [tilespmem:v10+s14+$0x0], $0xffff  }
0x252: {  	v3 =	vadd.f32 v3, v4;
	[tilespmem:s25+$0x60] =	vst v2;
	v2 =	vld [tilespmem:s2+$0x0]  }
0x253: {  	v12 =	vld [tilespmem:s16+$0xFFFFFFC0];
	v4 =	vadd.s32 v0, v9;
	v9 =	vand.u32 $0xFFFF0000, v1  }
0x254: {  	v10 =	vld [tilespmem:s8+$0x70];
	v9 =	vmul.f32 v9, v11;
	[tilespmem:s26+$0x40] =	vst v3  }
0x255: {  	v1 =	vshll.u32 v1, $0x10;
	v11 =	vand.u32 $0xFFFF0000, v8;
	v3 =	vld [tilespmem:s16+$0x50]  }
0x256: {  	v7 =	vld.idx.msk [tilespmem:v7+s14+$0x0], $0xffff;
	v6 =	vmul.f32 v11, v6;
	v1 =	vadd.f32 v1, v9;
	v11 =	vand.u32 $0xFFFF0000, v5  }
0x257: {  	v9 =	vld [tilespmem:s2+$0xFFFFFF80];
	v2 =	vmul.f32 v11, v2  }
0x258: {  	v14 =	vld [tilespmem:s30+$0xFFFFFFA0];
	v8 =	vshll.u32 v8, $0x10;
	v12 =	vadd.s32 v0, v12;
	v5 =	vshll.u32 v5, $0x10;
	[tilespmem:s28+$0x20] =	vst v1  }
0x259: {  	v1 =	vadd.f32 v8, v6;
	v6 =	vadd.s32 v0, v10;
	v8 =	vld [tilespmem:s29+$0x30];
	v2 =	vadd.f32 v5, v2  }
0x25a: {  	s0 =	simm.s32 $0x14380;
	v4 =	vld.idx.msk [tilespmem:v4+s14+$0x0], $0xffff;
	v3 =	vadd.s32 v0, v3  }
0x25b: {  	v10 =	vld [tilespmem:s23+$0xFFFFFFC0];
	v5 =	vand.u32 $0xFFFF0000, v7;
	[tilespmem:s0+$0x0] =	vst v2  }
0x25c: {  	v5 =	vmul.f32 v5, v9;
	v9 =	vld [tilespmem:s31+$0x10]  }
0x25d: {  	[tilespmem:s25+$0xFFFFFFD0] =	vst v1;
	v1 =	vld.idx.msk [tilespmem:v12+s14+$0x0], $0xffff  }
0x25e: {  	v7 =	vshll.u32 v7, $0x10;
	v2 =	vld.idx.msk [tilespmem:v6+s14+$0x0], $0xffff;
	v6 =	vadd.s32 v0, v8  }
0x25f: {  	v5 =	vadd.f32 v7, v5;
	v7 =	vld.idx.msk [tilespmem:v3+s14+$0x0], $0xffff;
	v3 =	vand.u32 $0xFFFF0000, v4  }
0x260: {  	v8 =	vld [tilespmem:s23+$0x50];
	v12 =	vmul.f32 v3, v14  }
0x261: {  	v20 =	vld [tilespmem:s22+$0xFFFFFF80];
	[tilespmem:s0+$0xFFFFFF80] =	vst v5;
	v4 =	vshll.u32 v4, $0x10;
	v9 =	vadd.s32 v0, v9  }
0x262: {  	v13 =	vand.u32 $0xFFFF0000, v1;
	v5 =	vld [tilespmem:s31+$0xFFFFFF90];
	v4 =	vadd.f32 v4, v12  }
0x263: {  	v10 =	vmul.f32 v13, v10;
	v6 =	vld.idx.msk [tilespmem:v6+s14+$0x0], $0xffff  }
0x264: {  	v14 =	vshll.u32 v1, $0x10;
	v12 =	vld [tilespmem:s30+$0x30];
	v13 =	vand.u32 $0xFFFF0000, v7;
	[tilespmem:s28+$0xFFFFFFA0] =	vst v4  }
0x265: {  	v4 =	vmul.f32 v13, v8;
	v8 =	vadd.f32 v14, v10;
	v10 =	vld [tilespmem:s29+$0xFFFFFFB0]  }
0x266: {  	v7 =	vshll.u32 v7, $0x10;
	v9 =	vld.idx.msk [tilespmem:v9+s14+$0x0], $0xffff  }
0x267: {  	v4 =	vadd.f32 v7, v4;
	v7 =	vld [tilespmem:s2+$0x10]  }
0x268: {  	v11 =	vld [tilespmem:s8+$0xFFFFFFE0];
	v5 =	vadd.s32 v0, v5;
	[tilespmem:s26+$0xFFFFFFC0] =	vst v8;
	v8 =	vand.u32 $0xFFFF0000, v6  }
0x269: {  	v13 =	vld [tilespmem:s16+$0xFFFFFFD0];
	v8 =	vmul.f32 v8, v12;
	[tilespmem:s26+$0x50] =	vst v4  }
0x26a: {  	v4 =	vshll.u32 v6, $0x10;
	v6 =	vld [tilespmem:s16+$0x60]  }
0x26b: {  	v3 =	vld [tilespmem:s13+$0x70];
	v10 =	vadd.s32 v0, v10;
	v4 =	vadd.f32 v4, v8;
	v14 =	vand.u32 $0xFFFF0000, v9  }
0x26c: {  	v12 =	vld [tilespmem:s2+$0xFFFFFF90];
	v7 =	vmul.f32 v14, v7  }
0x26d: {  	v11 =	vadd.s32 v0, v11;
	v5 =	vld.idx.msk [tilespmem:v5+s14+$0x0], $0xffff;
	v9 =	vshll.u32 v9, $0x10;
	[tilespmem:s28+$0x30] =	vst v4  }
0x26e: {  	v4 =	vadd.s32 v0, v13;
	v13 =	vld [tilespmem:s29+$0x40];
	v7 =	vadd.f32 v9, v7  }
0x26f: {  	v8 =	vld [tilespmem:s30+$0xFFFFFFB0];
	v6 =	vadd.s32 v0, v6  }
0x270: {  	v10 =	vld.idx.msk [tilespmem:v10+s14+$0x0], $0xffff;
	[tilespmem:s0+$0x10] =	vst v7  }
0x271: {  	v7 =	vld [tilespmem:s31+$0x20]  }
0x272: {  	v9 =	vld.idx.msk [tilespmem:v11+s14+$0x0], $0xffff;
	v11 =	vand.u32 $0xFFFF0000, v5  }
0x273: {  	v11 =	vmul.f32 v11, v12;
	v12 =	vld [tilespmem:s7+$0x0];
	v13 =	vadd.s32 v0, v13  }
0x274: {  	v5 =	vshll.u32 v5, $0x10;
	v6 =	vld.idx.msk [tilespmem:v6+s14+$0x0], $0xffff  }
0x275: {  	v5 =	vadd.f32 v5, v11;
	v11 =	vld [tilespmem:s23+$0x60]  }
0x276: {  	v14 =	vld [tilespmem:s23+$0xFFFFFFD0];
	v15 =	vand.u32 $0xFFFF0000, v10;
	v7 =	vadd.s32 v0, v7  }
0x277: {  	v4 =	vld.idx.msk [tilespmem:v4+s14+$0x0], $0xffff;
	[tilespmem:s0+$0xFFFFFF90] =	vst v5;
	v5 =	vmul.f32 v15, v8  }
0x278: {  	v10 =	vshll.u32 v10, $0x10;
	v8 =	vld.idx.msk [tilespmem:v13+s14+$0x0], $0xffff  }
0x279: {  	v5 =	vadd.f32 v10, v5;
	v10 =	vadd.s32 v0, v12;
	v12 =	vld [tilespmem:s30+$0x40];
	v15 =	vand.u32 $0xFFFF0000, v6  }
0x27a: {  	v13 =	vld [tilespmem:s31+$0xFFFFFFA0];
	v11 =	vmul.f32 v15, v11  }
0x27b: {  	[tilespmem:s28+$0xFFFFFFB0] =	vst v5;
	v6 =	vshll.u32 v6, $0x10;
	v5 =	vld.idx.msk [tilespmem:v7+s14+$0x0], $0xffff  }
0x27c: {  	v6 =	vadd.f32 v6, v11;
	v11 =	vld [tilespmem:s2+$0x20]  }
0x27d: {  	v15 =	vld [tilespmem:s29+$0xFFFFFFC0];
	v7 =	vadd.s32 v0, v60;
	v62 =	vand.u32 $0xFFFF0000, v8  }
0x27e: {  	v10 =	vld.idx.msk [tilespmem:v10+s14+$0x0], $0xffff;
	v12 =	vmul.f32 v62, v12  }
0x27f: {  	v1 =	vld [tilespmem:s13+$0xFFFFFFE0];
	v8 =	vshll.u32 v8, $0x10;
	[tilespmem:s26+$0x60] =	vst v6;
	v6 =	vadd.s32 v0, v13  }
0x280: {  	v13 =	vld [tilespmem:s16+$0x70];
	v8 =	vadd.f32 v8, v12;
	v12 =	vand.u32 $0xFFFF0000, v5  }
0x281: {  	v61 =	vld [tilespmem:s2+$0xFFFFFFA0];
	v18 =	vand.u32 $0xFFFF0000, v4;
	v11 =	vmul.f32 v12, v11  }
0x282: {  	v15 =	vadd.s32 v0, v15;
	v7 =	vld.idx.msk [tilespmem:v7+s14+$0x0], $0xffff;
	v5 =	vshll.u32 v5, $0x10;
	[tilespmem:s28+$0x40] =	vst v8;
	v8 =	vmul.f32 v18, v14  }
0x283: {  	v4 =	vshll.u32 v4, $0x10;
	v14 =	vand.u32 $0xFFFF0000, v10;
	v12 =	vld [tilespmem:s29+$0x50];
	v5 =	vadd.f32 v5, v11  }
0x284: {  	v21 =	vld.idx.msk [tilespmem:v6+s14+$0x0], $0xffff;
	v4 =	vadd.f32 v4, v8;
	v8 =	vmul.f32 v14, v63  }
0x285: {  	v10 =	vshll.u32 v10, $0x10;
	v11 =	vld [tilespmem:s30+$0xFFFFFFC0];
	v6 =	vadd.s32 v0, v13;
	[tilespmem:s0+$0x20] =	vst v5  }
0x286: {  	[tilespmem:s26+$0xFFFFFFD0] =	vst v4;
	v4 =	vadd.f32 v10, v8;
	v5 =	vld [tilespmem:s31+$0x30]  }
0x287: {  	s15 =	simm.s32 $0x14480;
	v13 =	vld.idx.msk [tilespmem:v15+s14+$0x0], $0xffff  }
0x288: {  	v10 =	vld [tilespmem:s16+$0xFFFFFFE0];
	v8 =	vadd.s32 v0, v12;
	v12 =	vand.u32 $0xFFFF0000, v7;
	[tilespmem:s15+$0x0] =	vst v4  }
0x289: {  	v12 =	vmul.f32 v12, v19;
	v14 =	vld [tilespmem:s7+$0x10]  }
0x28a: {  	v7 =	vshll.u32 v7, $0x10;
	v4 =	vld.idx.msk [tilespmem:v6+s14+$0x0], $0xffff  }
0x28b: {  	v6 =	vld [tilespmem:s23+$0x70];
	v7 =	vadd.f32 v7, v12;
	v12 =	vadd.s32 v0, v5  }
0x28c: {  	v15 =	vand.u32 $0xFFFF0000, v21;
	v5 =	vld [tilespmem:s23+$0xFFFFFFE0]  }
0x28d: {  	v15 =	vmul.f32 v15, v61;
	v8 =	vld.idx.msk [tilespmem:v8+s14+$0x0], $0xffff  }
0x28e: {  	v22 =	vshll.u32 v21, $0x10;
	v23 =	vand.u32 $0xFFFF0000, v13;
	[tilespmem:s15+$0xFFFFFF80] =	vst v7;
	v7 =	vld [tilespmem:s30+$0x50];
	v14 =	vadd.s32 v0, v14  }
0x28f: {  	v11 =	vmul.f32 v23, v11;
	v15 =	vadd.f32 v22, v15;
	v24 =	vld [tilespmem:s7+$0xFFFFFF90]  }
0x290: {  	v13 =	vshll.u32 v13, $0x10;
	v12 =	vld.idx.msk [tilespmem:v12+s14+$0x0], $0xffff  }
0x291: {  	v11 =	vadd.f32 v13, v11;
	v13 =	vld [tilespmem:s2+$0x30];
	[tilespmem:s0+$0xFFFFFFA0] =	vst v15  }
0x292: {  	v26 =	vld [tilespmem:s31+$0xFFFFFFB0];
	v15 =	vand.u32 $0xFFFF0000, v8  }
0x293: {  	[tilespmem:s28+$0xFFFFFFC0] =	vst v11;
	v7 =	vmul.f32 v15, v7;
	v14 =	vld.idx.msk [tilespmem:v14+s14+$0x0], $0xffff  }
0x294: {  	v8 =	vshll.u32 v8, $0x10;
	v11 =	vadd.s32 v0, v24;
	v15 =	vld [tilespmem:s29+$0xFFFFFFD0]  }
0x295: {  	v7 =	vadd.f32 v8, v7;
	v8 =	vadd.s32 v0, v10;
	v10 =	vld [tilespmem:s9+$0x10];
	v27 =	vand.u32 $0xFFFF0000, v12  }
0x296: {  	v25 =	vld [tilespmem:s9+$0xFFFFFF90];
	v13 =	vmul.f32 v27, v13  }
0x297: {  	v28 =	vld [tilespmem:s2+$0xFFFFFFB0];
	v12 =	vshll.u32 v12, $0x10;
	[tilespmem:s28+$0x50] =	vst v7;
	v7 =	vand.u32 $0xFFFF0000, v9  }
0x298: {  	v17 =	vadd.s32 v0, v26;
	v29 =	vld [tilespmem:s29+$0x60];
	v1 =	vmul.f32 v7, v1;
	v12 =	vadd.f32 v12, v13  }
0x299: {  	v11 =	vld.idx.msk [tilespmem:v11+s14+$0x0], $0xffff;
	v7 =	vshll.u32 v9, $0x10;
	v13 =	vand.u32 $0xFFFF0000, v14;
	v15 =	vadd.s32 v0, v15  }
0x29a: {  	v1 =	vadd.f32 v7, v1;
	v7 =	vld.idx.msk [tilespmem:v8+s14+$0x0], $0xffff;
	v8 =	vmul.f32 v13, v10;
	[tilespmem:s0+$0x30] =	vst v12  }
0x29b: {  	v10 =	vshll.u32 v14, $0x10;
	v12 =	vld [tilespmem:s31+$0x40]  }
0x29c: {  	v9 =	vld [tilespmem:s30+$0xFFFFFFD0];
	[tilespmem:s25+$0xFFFFFFE0] =	vst v1;
	v1 =	vadd.f32 v10, v8  }
0x29d: {  	v13 =	vld.idx.msk [tilespmem:v17+s14+$0x0], $0xffff  }
0x29e: {  	v14 =	vld.idx.msk [tilespmem:v15+s14+$0x0], $0xffff;
	[tilespmem:s15+$0x10] =	vst v1  }
0x29f: {  	v8 =	vadd.s32 v0, v29;
	v15 =	vld [tilespmem:s7+$0x20]  }
0x2a0: {  	v32 =	vld [tilespmem:s30+$0x60];
	v30 =	vand.u32 $0xFFFF0000, v11;
	v12 =	vadd.s32 v0, v12  }
0x2a1: {  	v35 =	vld [tilespmem:s2+$0x40];
	v16 =	vmul.f32 v30, v25  }
0x2a2: {  	v10 =	vld [tilespmem:s8+$0xFFFFFFF0];
	v11 =	vshll.u32 v11, $0x10  }
0x2a3: {  	v1 =	vld [tilespmem:s13+$0xFFFFFFF0];
	v11 =	vadd.f32 v11, v16  }
0x2a4: {  	v33 =	vand.u32 $0xFFFF0000, v13;
	v8 =	vld.idx.msk [tilespmem:v8+s14+$0x0], $0xffff;
	v15 =	vadd.s32 v0, v15  }
0x2a5: {  	[tilespmem:s15+$0xFFFFFF90] =	vst v11;
	v11 =	vmul.f32 v33, v28;
	v12 =	vld.idx.msk [tilespmem:v12+s14+$0x0], $0xffff  }
0x2a6: {  	s13 =	simm.s32 $0xC580;
	v13 =	vshll.u32 v13, $0x10;
	v38 =	vld [tilespmem:s9+$0x20]  }
0x2a7: {  	v41 =	vld [tilespmem:s13+$0x0];
	v11 =	vadd.f32 v13, v11;
	v13 =	vadd.s32 v0, v31  }
0x2a8: {  	v34 =	vld [tilespmem:s7+$0xFFFFFFA0]  }
0x2a9: {  	[tilespmem:s0+$0xFFFFFFB0] =	vst v11;
	v36 =	vand.u32 $0xFFFF0000, v8;
	v11 =	vld.idx.msk [tilespmem:v15+s14+$0x0], $0xffff  }
0x2aa: {  	v23 =	vld [tilespmem:s13+$0xFFFFFF80];
	v16 =	vmul.f32 v36, v32;
	v15 =	vadd.s32 v0, v20;
	v39 =	vand.u32 $0xFFFF0000, v12  }
0x2ab: {  	v56 =	vand.u32 $0xFFFF0000, v2;
	v8 =	vshll.u32 v8, $0x10;
	v37 =	vld [tilespmem:s31+$0xFFFFFFC0];
	v17 =	vmul.f32 v39, v35  }
0x2ac: {  	v10 =	vadd.s32 v0, v10;
	v13 =	vld.idx.msk [tilespmem:v13+s14+$0x0], $0xffff;
	v8 =	vadd.f32 v8, v16;
	v12 =	vshll.u32 v12, $0x10  }
0x2ad: {  	v3 =	vmul.f32 v56, v3;
	v21 =	vld [tilespmem:s9+$0xFFFFFFA0];
	v12 =	vadd.f32 v12, v17  }
0x2ae: {  	v2 =	vshll.u32 v2, $0x10;
	v45 =	vld [tilespmem:s2+$0xFFFFFFC0];
	[tilespmem:s28+$0x60] =	vst v8;
	v8 =	vadd.s32 v0, v34;
	v42 =	vand.u32 $0xFFFF0000, v11  }
0x2af: {  	v2 =	vadd.f32 v2, v3;
	v22 =	vand.u32 $0xFFFF0000, v14;
	v15 =	vld.idx.msk [tilespmem:v15+s14+$0x0], $0xffff;
	v16 =	vmul.f32 v42, v38;
	[tilespmem:s0+$0x40] =	vst v12  }
0x2b0: {  	v9 =	vmul.f32 v22, v9;
	v11 =	vshll.u32 v11, $0x10;
	v12 =	vshll.u32 v14, $0x10;
	v14 =	vld [tilespmem:s31+$0x50]  }
0x2b1: {  	[tilespmem:s25+$0x70] =	vst v2;
	v2 =	vld.idx.msk [tilespmem:v10+s14+$0x0], $0xffff;
	v19 =	vadd.s32 v0, v37;
	v43 =	vand.u32 $0xFFFF0000, v13;
	v11 =	vadd.f32 v11, v16  }
0x2b2: {  	v40 =	vld [tilespmem:s29+$0x70];
	v9 =	vadd.f32 v12, v9;
	v12 =	vmul.f32 v43, v41  }
0x2b3: {  	v13 =	vshll.u32 v13, $0x10;
	v8 =	vld.idx.msk [tilespmem:v8+s14+$0x0], $0xffff;
	[tilespmem:s15+$0x20] =	vst v11  }
0x2b4: {  	[tilespmem:s28+$0xFFFFFFD0] =	vst v9;
	v9 =	vadd.f32 v13, v12;
	v12 =	vld [tilespmem:s7+$0x30]  }
0x2b5: {  	v50 =	vld [tilespmem:s2+$0x50];
	v13 =	vand.u32 $0xFFFF0000, v15;
	v14 =	vadd.s32 v0, v14  }
0x2b6: {  	s21 =	simm.s32 $0x14580;
	v11 =	vld.idx.msk [tilespmem:v19+s14+$0x0], $0xffff;
	v13 =	vmul.f32 v13, v23  }
0x2b7: {  	v46 =	vld [tilespmem:s29+$0xFFFFFFE0];
	v15 =	vshll.u32 v15, $0x10;
	[tilespmem:s21+$0x0] =	vst v9  }
0x2b8: {  	v47 =	vld [tilespmem:s22+$0x10];
	v13 =	vadd.f32 v15, v13  }
0x2b9: {  	v49 =	vld [tilespmem:s30+$0xFFFFFFE0];
	v48 =	vand.u32 $0xFFFF0000, v8;
	v12 =	vadd.s32 v0, v12  }
0x2ba: {  	v19 =	vmul.f32 v48, v21;
	[tilespmem:s21+$0xFFFFFF80] =	vst v13;
	v13 =	vld.idx.msk [tilespmem:v14+s14+$0x0], $0xffff  }
0x2bb: {  	v8 =	vshll.u32 v8, $0x10;
	v14 =	vld [tilespmem:s22+$0xFFFFFF90]  }
0x2bc: {  	v44 =	vadd.s32 v0, v40;
	v53 =	vld [tilespmem:s9+$0x30];
	v8 =	vadd.f32 v8, v19  }
0x2bd: {  	v59 =	vld [tilespmem:s13+$0x10];
	v51 =	vand.u32 $0xFFFF0000, v11;
	v16 =	vadd.s32 v0, v47  }
0x2be: {  	v17 =	vmul.f32 v51, v45;
	[tilespmem:s15+$0xFFFFFFA0] =	vst v8;
	v8 =	vld.idx.msk [tilespmem:v12+s14+$0x0], $0xffff  }
0x2bf: {  	v11 =	vshll.u32 v11, $0x10;
	v12 =	vld [tilespmem:s7+$0xFFFFFFB0]  }
0x2c0: {  	v15 =	vld [tilespmem:s30+$0x70];
	v11 =	vadd.f32 v11, v17;
	v14 =	vadd.s32 v0, v14;
	v54 =	vand.u32 $0xFFFF0000, v13  }
0x2c1: {  	v9 =	vld.idx.msk [tilespmem:v44+s14+$0x0], $0xffff;
	v19 =	vmul.f32 v54, v50  }
0x2c2: {  	[tilespmem:s0+$0xFFFFFFC0] =	vst v11;
	v11 =	vld.idx.msk [tilespmem:v16+s14+$0x0], $0xffff;
	v13 =	vshll.u32 v13, $0x10  }
0x2c3: {  	v57 =	vadd.s32 v0, v46;
	v58 =	vld [tilespmem:s31+$0xFFFFFFD0];
	v13 =	vadd.f32 v13, v19  }
0x2c4: {  	v52 =	vld [tilespmem:s13+$0xFFFFFF90];
	v12 =	vadd.s32 v0, v12;
	v60 =	vand.u32 $0xFFFF0000, v8  }
0x2c5: {  	v61 =	vand.u32 $0xFFFF0000, v7;
	v3 =	vmul.f32 v60, v53;
	v14 =	vld.idx.msk [tilespmem:v14+s14+$0x0], $0xffff;
	[tilespmem:s0+$0x50] =	vst v13  }
0x2c6: {  	v7 =	vshll.u32 v7, $0x10;
	v17 =	vmul.f32 v61, v5;
	v5 =	vshll.u32 v8, $0x10;
	v8 =	vld [tilespmem:s31+$0x60]  }
0x2c7: {  	v55 =	vld [tilespmem:s9+$0xFFFFFFB0];
	v13 =	vand.u32 $0xFFFF0000, v4;
	v62 =	vand.u32 $0xFFFF0000, v11;
	v3 =	vadd.f32 v5, v3  }
0x2c8: {  	v16 =	vld.idx.msk [tilespmem:v57+s14+$0x0], $0xffff;
	v18 =	vadd.s32 v0, v58;
	v6 =	vmul.f32 v13, v6;
	v13 =	vmul.f32 v62, v59  }
0x2c9: {  	v63 =	vshll.u32 v4, $0x10;
	v7 =	vadd.f32 v7, v17;
	v4 =	vshll.u32 v11, $0x10;
	[tilespmem:s15+$0x30] =	vst v3;
	v12 =	vld.idx.msk [tilespmem:v12+s14+$0x0], $0xffff  }
0x2ca: {  	v13 =	vadd.f32 v4, v13;
	v3 =	vand.u32 $0xFFFF0000, v9;
	v11 =	vld [tilespmem:s7+$0x40]  }
0x2cb: {  	[tilespmem:s26+$0xFFFFFFE0] =	vst v7;
	v5 =	vld [tilespmem:s2+$0xFFFFFFD0];
	v3 =	vmul.f32 v3, v15;
	v7 =	vand.u32 $0xFFFF0000, v14;
	v8 =	vadd.s32 v0, v8  }
0x2cc: {  	v4 =	vld [tilespmem:s16+$0xFFFFFFF0];
	v6 =	vadd.f32 v63, v6;
	v9 =	vshll.u32 v9, $0x10;
	v7 =	vmul.f32 v7, v52  }
0x2cd: {  	v10 =	vld.idx.msk [tilespmem:v18+s14+$0x0], $0xffff;
	[tilespmem:s21+$0x10] =	vst v13;
	v3 =	vadd.f32 v9, v3;
	v9 =	vshll.u32 v14, $0x10  }
0x2ce: {  	[tilespmem:s26+$0x70] =	vst v6;
	v14 =	vld [tilespmem:s22+$0x20];
	v6 =	vadd.f32 v9, v7;
	v9 =	vand.u32 $0xFFFF0000, v16  }
0x2cf: {  	s12 =	simm.s32 $0xA;
	v7 =	vshll.u32 v16, $0x10;
	[tilespmem:s28+$0x70] =	vst v3;
	v13 =	vand.u32 $0xFFFF0000, v12;
	v3 =	vld [tilespmem:s23+$0xFFFFFFF0];
	v11 =	vadd.s32 v0, v11  }
0x2d0: {  	s8 =	sor.u32 s6, s10;
	s10 =	simm.s32 $0xC580;
	s16 =	simm.s32 $0x680;
	v12 =	vshll.u32 v12, $0x10;
	v9 =	vmul.f32 v9, v49;
	[tilespmem:s21+$0xFFFFFF90] =	vst v6;
	v13 =	vmul.f32 v13, v55;
	v8 =	vld.idx.msk [tilespmem:v8+s14+$0x0], $0xffff  }
.LBB2_5:
0x2d1: {  	v15 =	vld [tilespmem:s16+$0x0];
	v6 =	vadd.s32 v0, v4  }
0x2d2: {  	s12 =	sadd.s32 $0x2, s12;
	v4 =	vadd.f32 v12, v13;
	v12 =	vld [tilespmem:s2+$0x60];
	v7 =	vadd.f32 v7, v9;
	v9 =	vand.u32 $0xFFFF0000, v2  }
0x2d3: {  	p0 =	slt.u32 s12, $0x7E;
	v16 =	vand.u32 $0xFFFF0000, v10;
	v10 =	vshll.u32 v10, $0x10;
	v13 =	vld [tilespmem:s16+$0xFFFFFF80];
	v14 =	vadd.s32 v0, v14  }
0x2d4: {  	v2 =	vshll.u32 v2, $0x10;
	v5 =	vmul.f32 v16, v5;
	v9 =	vmul.f32 v9, v1;
	[tilespmem:s15+$0xFFFFFFB0] =	vst v4;
	v4 =	vld.idx.msk [tilespmem:v11+s14+$0x0], $0xffff  }
0x2d5: {  	v1 =	vmov v3;
	v11 =	vld [tilespmem:s22+$0xFFFFFFA0];
	[tilespmem:s28+$0xFFFFFFE0] =	vst v7  }
0x2d6: {  	v5 =	vadd.f32 v10, v5;
	v10 =	vand.u32 $0xFFFF0000, v8;
	v3 =	vadd.s32 v0, v15;
	v7 =	vld [tilespmem:s9+$0x40]  }
0x2d7: {  	v2 =	vadd.f32 v2, v9;
	v15 =	vld [tilespmem:s13+$0xFFFFFFA0];
	v10 =	vmul.f32 v10, v12  }
0x2d8: {  	v9 =	vadd.s32 v0, v13;
	v12 =	vld.idx.msk [tilespmem:v14+s14+$0x0], $0xffff;
	[tilespmem:s0+$0xFFFFFFD0] =	vst v5;
	v5 =	vshll.u32 v8, $0x10  }
0x2d9: {  	v8 =	vld [tilespmem:s7+$0xFFFFFFC0];
	v5 =	vadd.f32 v5, v10;
	[tilespmem:s25+$0xFFFFFFF0] =	vst v2;
	s25 =	smov.u32 s26;
	s26 =	smov.u32 s28;
	s28 =	smov.u32 s0  }
0x2da: {  	s0 =	smov.u32 s15;
	s15 =	smov.u32 s21;
	v2 =	vadd.s32 v0, v11;
	v10 =	vld [tilespmem:s13+$0x20];
	v11 =	vand.u32 $0xFFFF0000, v4  }
0x2db: {  	v3 =	vld.idx.msk [tilespmem:v3+s14+$0x0], $0xffff;
	v7 =	vmul.f32 v11, v7;
	[tilespmem:s28+$0x60] =	vst v5  }
0x2dc: {  	s13 =	sadd.s32 $0x100, s13;
	v4 =	vshll.u32 v4, $0x10;
	v5 =	vld [tilespmem:s31+$0x70]  }
0x2dd: {  	v11 =	vld [tilespmem:s13+$0x0];
	v4 =	vadd.f32 v4, v7  }
0x2de: {  	v7 =	vld.idx.msk [tilespmem:v9+s14+$0x0], $0xffff;
	v9 =	vand.u32 $0xFFFF0000, v12;
	v8 =	vadd.s32 v0, v8  }
0x2df: {  	v13 =	vld [tilespmem:s13+$0xFFFFFF80];
	v9 =	vmul.f32 v9, v10;
	[tilespmem:s0+$0x40] =	vst v4  }
0x2e0: {  	v4 =	vshll.u32 v12, $0x10;
	v10 =	vld [tilespmem:s7+$0x50]  }
0x2e1: {  	v12 =	vand.u32 $0xFFFF0000, v3;
	v2 =	vld.idx.msk [tilespmem:v2+s14+$0x0], $0xffff;
	v4 =	vadd.f32 v4, v9;
	v5 =	vadd.s32 v0, v5  }
0x2e2: {  	v9 =	vmul.f32 v12, v11;
	v11 =	vld [tilespmem:s9+$0xFFFFFFC0]  }
0x2e3: {  	v3 =	vshll.u32 v3, $0x10;
	[tilespmem:s21+$0x20] =	vst v4;
	v4 =	vld.idx.msk [tilespmem:v8+s14+$0x0], $0xffff  }
0x2e4: {  	v8 =	vand.u32 $0xFFFF0000, v7;
	v7 =	vshll.u32 v7, $0x10;
	v3 =	vadd.f32 v3, v9;
	v9 =	vld [tilespmem:s22+$0x30]  }
0x2e5: {  	s21 =	sadd.s32 $0x100, s21;
	v8 =	vmul.f32 v8, v13;
	v10 =	vadd.s32 v0, v10;
	v12 =	vld [tilespmem:s31+$0xFFFFFFE0]  }
0x2e6: {  	[tilespmem:s21+$0x0] =	vst v3;
	v3 =	vld.idx.msk [tilespmem:v5+s14+$0x0], $0xffff  }
0x2e7: {  	v5 =	vadd.f32 v7, v8;
	v8 =	vand.u32 $0xFFFF0000, v2;
	v2 =	vshll.u32 v2, $0x10;
	v7 =	vld [tilespmem:s16+$0x10]  }
0x2e8: {  	v8 =	vmul.f32 v8, v15;
	v13 =	vld [tilespmem:s2+$0x70]  }
0x2e9: {  	[tilespmem:s21+$0xFFFFFF80] =	vst v5;
	v5 =	vadd.s32 v0, v9;
	v9 =	vand.u32 $0xFFFF0000, v4;
	v4 =	vshll.u32 v4, $0x10;
	v15 =	vld [tilespmem:s2+$0xFFFFFFE0]  }
0x2ea: {  	v2 =	vadd.f32 v2, v8;
	v8 =	vmul.f32 v9, v11;
	v9 =	vld.idx.msk [tilespmem:v10+s14+$0x0], $0xffff;
	v10 =	vadd.s32 v0, v12  }
0x2eb: {  	v11 =	vld [tilespmem:s16+$0xFFFFFF90]  }
0x2ec: {  	[tilespmem:s15+$0xFFFFFFA0] =	vst v2;
	v2 =	vadd.f32 v4, v8;
	v4 =	vld [tilespmem:s9+$0x50];
	v8 =	vand.u32 $0xFFFF0000, v3  }
0x2ed: {  	v7 =	vadd.s32 v0, v7;
	v12 =	vld [tilespmem:s13+$0xFFFFFF90];
	v8 =	vmul.f32 v8, v13  }
0x2ee: {  	v5 =	vld.idx.msk [tilespmem:v5+s14+$0x0], $0xffff;
	[tilespmem:s0+$0xFFFFFFC0] =	vst v2;
	v2 =	vshll.u32 v3, $0x10  }
0x2ef: {  	v3 =	vld [tilespmem:s22+$0xFFFFFFB0];
	v2 =	vadd.f32 v2, v8  }
0x2f0: {  	v13 =	vand.u32 $0xFFFF0000, v9;
	v8 =	vadd.s32 v0, v11;
	v11 =	vld [tilespmem:s10+$0x30]  }
0x2f1: {  	v16 =	vld [tilespmem:s10+$0xFFFFFFB0];
	v4 =	vmul.f32 v13, v4;
	[tilespmem:s28+$0x70] =	vst v2  }
0x2f2: {  	v2 =	vld.idx.msk [tilespmem:v7+s14+$0x0], $0xffff;
	v7 =	vshll.u32 v9, $0x10  }
0x2f3: {  	v9 =	vld [tilespmem:s7+$0xFFFFFFD0];
	v4 =	vadd.f32 v7, v4  }
0x2f4: {  	v13 =	vand.u32 $0xFFFF0000, v5;
	v7 =	vld [tilespmem:s13+$0x10];
	v3 =	vadd.s32 v0, v3  }
0x2f5: {  	v8 =	vld.idx.msk [tilespmem:v8+s14+$0x0], $0xffff;
	v11 =	vmul.f32 v13, v11;
	[tilespmem:s0+$0x50] =	vst v4  }
0x2f6: {  	v4 =	vshll.u32 v5, $0x10;
	v13 =	vld [tilespmem:s7+$0x60]  }
0x2f7: {  	v4 =	vadd.f32 v4, v11;
	v5 =	vld [tilespmem:s9+$0xFFFFFFD0]  }
0x2f8: {  	v11 =	vand.u32 $0xFFFF0000, v2;
	v9 =	vadd.s32 v0, v9;
	v17 =	vld.idx.msk [tilespmem:v10+s14+$0x0], $0xffff  }
0x2f9: {  	v7 =	vmul.f32 v11, v7;
	v3 =	vld.idx.msk [tilespmem:v3+s14+$0x0], $0xffff;
	[tilespmem:s15+$0x30] =	vst v4  }
0x2fa: {  	v2 =	vshll.u32 v2, $0x10;
	v11 =	vld [tilespmem:s22+$0x40]  }
0x2fb: {  	v10 =	vand.u32 $0xFFFF0000, v8;
	v7 =	vadd.f32 v2, v7;
	v18 =	vadd.s32 v0, v13;
	v4 =	vld [tilespmem:s29+$0xFFFFFFF0];
	s29 =	smov.u32 s31;
	s31 =	smov.u32 s7;
	s7 =	smov.u32 s22  }
.Ltmp3:
0x2fc: {  	v8 =	vshll.u32 v8, $0x10;
	v12 =	vmul.f32 v10, v12;
	s22 =	smov.u32 s16;
	v2 =	vld.idx.msk [tilespmem:v6+s14+$0x0], $0xffff;
	(pc) =	sbr.rel @p0 .LBB2_5-.Ltmp3, $4  }
0x2fd: {  	[tilespmem:s21+$0x10] =	vst v7;
	v10 =	vld.idx.msk [tilespmem:v9+s14+$0x0], $0xffff  }
0x2fe: {  	v6 =	vadd.f32 v8, v12;
	v9 =	vand.u32 $0xFFFF0000, v17;
	v7 =	vshll.u32 v17, $0x10;
	v14 =	vld [tilespmem:s16+$0x20]  }
0x2ff: {  	v8 =	vand.u32 $0xFFFF0000, v3;
	v12 =	vshll.u32 v3, $0x10;
	v11 =	vadd.s32 v0, v11;
	v3 =	vld [tilespmem:s30+$0xFFFFFFF0];
	s30 =	smov.u32 s2;
	s2 =	smov.u32 s9;
	s9 =	smov.u32 s10  }
0x300: {  	s16 =	sadd.s32 $0x100, s16;
	v9 =	vmul.f32 v9, v15;
	v13 =	vmul.f32 v8, v16;
	s10 =	smov.u32 s13;
	[tilespmem:s21+$0xFFFFFF90] =	vst v6;
	v8 =	vld.idx.msk [tilespmem:v18+s14+$0x0], $0xffff  }
0x301: {  	_ = 	snop  }
0x302: {  	v45 =	vld [tilespmem:s22+$0xFFFFFFA0]  }
0x303: {  	v6 =	vadd.s32 v0, v14;
	_ =	sdelay $0x3  }
0x304: {  	v14 =	vadd.s32 v0, v45  }
0x305: {  	v6 =	vld.idx.msk [tilespmem:v6+s14+$0x0], $0xffff  }
0x306: {  	v15 =	vld [tilespmem:s13+$0x20];
	_ =	sdelay $0x2  }
0x307: {  	v14 =	vld.idx.msk [tilespmem:v14+s14+$0x0], $0xffff  }
0x308: {  	v17 =	vld [tilespmem:s13+$0xFFFFFFA0];
	v16 =	vand.u32 $0xFFFF0000, v6  }
0x309: {  	v15 =	vmul.f32 v16, v15  }
0x30a: {  	v6 =	vshll.u32 v6, $0x10  }
0x30b: {  	v6 =	vadd.f32 v6, v15  }
0x30c: {  	v46 =	vand.u32 $0xFFFF0000, v14  }
0x30d: {  	[tilespmem:s21+$0x20] =	vst v6;
	v6 =	vmul.f32 v46, v17  }
0x30e: {  	v14 =	vshll.u32 v14, $0x10;
	v47 =	vld [tilespmem:s22+$0x30]  }
0x30f: {  	v6 =	vadd.f32 v14, v6;
	_ =	sdelay $0x1  }
0x310: {  	[tilespmem:s21+$0xFFFFFFA0] =	vst v6  }
0x311: {  	v49 =	vld [tilespmem:s22+$0xFFFFFFB0]  }
0x312: {  	v48 =	vadd.s32 v0, v47;
	_ =	sdelay $0x3  }
0x313: {  	v14 =	vadd.s32 v0, v49  }
0x314: {  	v6 =	vld.idx.msk [tilespmem:v48+s14+$0x0], $0xffff  }
0x315: {  	v50 =	vld [tilespmem:s10+$0x30];
	_ =	sdelay $0x2  }
0x316: {  	v14 =	vld.idx.msk [tilespmem:v14+s14+$0x0], $0xffff  }
0x317: {  	v52 =	vld [tilespmem:s10+$0xFFFFFFB0];
	v51 =	vand.u32 $0xFFFF0000, v6  }
0x318: {  	v12 =	vadd.f32 v12, v13;
	v15 =	vmul.f32 v51, v50  }
0x319: {  	v6 =	vshll.u32 v6, $0x10  }
0x31a: {  	[tilespmem:s15+$0xFFFFFFB0] =	vst v12;
	v6 =	vadd.f32 v6, v15  }
0x31b: {  	v12 =	vld [tilespmem:s7+$0xFFFFFFC0];
	v53 =	vand.u32 $0xFFFF0000, v14  }
0x31c: {  	[tilespmem:s21+$0x30] =	vst v6;
	v6 =	vmul.f32 v53, v52  }
0x31d: {  	v55 =	vshll.u32 v14, $0x10;
	v54 =	vld [tilespmem:s22+$0x40]  }
0x31e: {  	v6 =	vadd.f32 v55, v6;
	_ =	sdelay $0x1  }
0x31f: {  	v11 =	vld.idx.msk [tilespmem:v11+s14+$0x0], $0xffff;
	v12 =	vadd.s32 v0, v12;
	[tilespmem:s21+$0xFFFFFFB0] =	vst v6  }
0x320: {  	v57 =	vld [tilespmem:s22+$0xFFFFFFC0]  }
0x321: {  	v58 =	vld [tilespmem:s9+$0x40];
	v56 =	vadd.s32 v0, v54;
	_ =	sdelay $0x2  }
0x322: {  	v12 =	vld.idx.msk [tilespmem:v12+s14+$0x0], $0xffff  }
0x323: {  	v61 =	vld [tilespmem:s9+$0xFFFFFFC0];
	v59 =	vand.u32 $0xFFFF0000, v11;
	v13 =	vadd.s32 v0, v57  }
0x324: {  	v14 =	vmul.f32 v59, v58;
	v6 =	vld.idx.msk [tilespmem:v56+s14+$0x0], $0xffff  }
0x325: {  	v11 =	vshll.u32 v11, $0x10;
	v60 =	vld [tilespmem:s10+$0x40]  }
0x326: {  	v11 =	vadd.f32 v11, v14  }
0x327: {  	v22 =	vand.u32 $0xFFFF0000, v12  }
0x328: {  	[tilespmem:s15+$0x40] =	vst v11;
	v11 =	vmul.f32 v22, v61;
	v13 =	vld.idx.msk [tilespmem:v13+s14+$0x0], $0xffff  }
0x329: {  	v12 =	vshll.u32 v12, $0x10;
	v20 =	vld [tilespmem:s10+$0xFFFFFFC0];
	v62 =	vand.u32 $0xFFFF0000, v6  }
0x32a: {  	v11 =	vadd.f32 v12, v11;
	v63 =	vmul.f32 v62, v60  }
0x32b: {  	v6 =	vshll.u32 v6, $0x10  }
0x32c: {  	v21 =	vld [tilespmem:s7+$0x50];
	[tilespmem:s15+$0xFFFFFFC0] =	vst v11;
	v6 =	vadd.f32 v6, v63  }
0x32d: {  	v11 =	vld [tilespmem:s7+$0xFFFFFFD0];
	v23 =	vand.u32 $0xFFFF0000, v13  }
0x32e: {  	[tilespmem:s21+$0x40] =	vst v6;
	v6 =	vmul.f32 v23, v20  }
0x32f: {  	v26 =	vshll.u32 v13, $0x10;
	v24 =	vld [tilespmem:s22+$0x50]  }
0x330: {  	v6 =	vadd.f32 v26, v6  }
0x331: {  	v25 =	vadd.s32 v0, v21  }
0x332: {  	v11 =	vadd.s32 v0, v11;
	[tilespmem:s21+$0xFFFFFFC0] =	vst v6  }
0x333: {  	v28 =	vld [tilespmem:s22+$0xFFFFFFD0]  }
0x334: {  	v27 =	vadd.s32 v0, v24  }
0x335: {  	v30 =	vld [tilespmem:s9+$0x50]  }
0x336: {  	v29 =	vld.idx.msk [tilespmem:v25+s14+$0x0], $0xffff  }
0x337: {  	v11 =	vld.idx.msk [tilespmem:v11+s14+$0x0], $0xffff  }
0x338: {  	v33 =	vld [tilespmem:s9+$0xFFFFFFD0];
	v12 =	vadd.s32 v0, v28  }
0x339: {  	v6 =	vld.idx.msk [tilespmem:v27+s14+$0x0], $0xffff  }
0x33a: {  	v32 =	vld [tilespmem:s10+$0x50]  }
0x33b: {  	v31 =	vand.u32 $0xFFFF0000, v29  }
0x33c: {  	v14 =	vmul.f32 v31, v30;
	v41 =	vand.u32 $0xFFFF0000, v11  }
0x33d: {  	v37 =	vand.u32 $0xFFFF0000, v10;
	v13 =	vshll.u32 v29, $0x10;
	v42 =	vmul.f32 v41, v33;
	v12 =	vld.idx.msk [tilespmem:v12+s14+$0x0], $0xffff  }
0x33e: {  	v13 =	vadd.f32 v13, v14;
	v11 =	vshll.u32 v11, $0x10;
	v36 =	vld [tilespmem:s10+$0xFFFFFFD0];
	v34 =	vand.u32 $0xFFFF0000, v6  }
0x33f: {  	v40 =	vshll.u32 v10, $0x10;
	v10 =	vadd.f32 v11, v42;
	v35 =	vmul.f32 v34, v32  }
0x340: {  	v5 =	vmul.f32 v37, v5;
	[tilespmem:s15+$0x50] =	vst v13;
	v6 =	vshll.u32 v6, $0x10  }
0x341: {  	v38 =	vld [tilespmem:s7+$0x60];
	[tilespmem:s15+$0xFFFFFFD0] =	vst v10;
	v6 =	vadd.f32 v6, v35  }
0x342: {  	v5 =	vadd.f32 v40, v5;
	v10 =	vld [tilespmem:s7+$0xFFFFFFE0];
	v43 =	vand.u32 $0xFFFF0000, v12  }
0x343: {  	[tilespmem:s21+$0x50] =	vst v6;
	v6 =	vmul.f32 v43, v36  }
0x344: {  	[tilespmem:s0+$0xFFFFFFD0] =	vst v5;
	v46 =	vshll.u32 v12, $0x10;
	v44 =	vld [tilespmem:s22+$0x60]  }
0x345: {  	v48 =	vld [tilespmem:s31+$0xFFFFFFE0];
	v6 =	vadd.f32 v46, v6  }
0x346: {  	v45 =	vadd.s32 v0, v38  }
0x347: {  	v39 =	vld [tilespmem:s2+$0x60];
	v10 =	vadd.s32 v0, v10;
	[tilespmem:s21+$0xFFFFFFD0] =	vst v6  }
0x348: {  	v53 =	vld [tilespmem:s22+$0xFFFFFFE0]  }
0x349: {  	v55 =	vld [tilespmem:s9+$0x60];
	v52 =	vadd.s32 v0, v44  }
0x34a: {  	v54 =	vadd.s32 v0, v48;
	v60 =	vld [tilespmem:s9+$0xFFFFFFE0]  }
0x34b: {  	v47 =	vand.u32 $0xFFFF0000, v8;
	v5 =	vld.idx.msk [tilespmem:v45+s14+$0x0], $0xffff  }
0x34c: {  	v49 =	vmul.f32 v47, v39;
	v10 =	vld.idx.msk [tilespmem:v10+s14+$0x0], $0xffff  }
0x34d: {  	v50 =	vshll.u32 v8, $0x10;
	v59 =	vld [tilespmem:s10+$0x60];
	v11 =	vadd.s32 v0, v53  }
0x34e: {  	v51 =	vadd.f32 v50, v49;
	v8 =	vld.idx.msk [tilespmem:v52+s14+$0x0], $0xffff  }
0x34f: {  	v4 =	vadd.s32 v0, v4;
	v6 =	vld.idx.msk [tilespmem:v54+s14+$0x0], $0xffff  }
0x350: {  	[tilespmem:s0+$0x60] =	vst v51;
	v57 =	vld [tilespmem:s2+$0xFFFFFFE0];
	v58 =	vand.u32 $0xFFFF0000, v5  }
0x351: {  	v56 =	vld [tilespmem:s31+$0x70];
	v12 =	vmul.f32 v58, v55  }
0x352: {  	v7 =	vadd.f32 v7, v9;
	v5 =	vshll.u32 v5, $0x10;
	v24 =	vand.u32 $0xFFFF0000, v10;
	v11 =	vld.idx.msk [tilespmem:v11+s14+$0x0], $0xffff  }
0x353: {  	v5 =	vadd.f32 v5, v12;
	v26 =	vmul.f32 v24, v60;
	v63 =	vld [tilespmem:s10+$0xFFFFFFE0];
	v61 =	vand.u32 $0xFFFF0000, v8  }
0x354: {  	v4 =	vld.idx.msk [tilespmem:v4+s14+$0x0], $0xffff;
	v10 =	vshll.u32 v10, $0x10;
	v20 =	vand.u32 $0xFFFF0000, v6;
	v62 =	vmul.f32 v61, v59  }
0x355: {  	v25 =	vld [tilespmem:s2+$0x70];
	[tilespmem:s15+$0x60] =	vst v5;
	v30 =	vadd.f32 v10, v26;
	v12 =	vmul.f32 v20, v57;
	v8 =	vshll.u32 v8, $0x10  }
0x356: {  	[tilespmem:s28+$0xFFFFFFE0] =	vst v7;
	v13 =	vadd.s32 v0, v56;
	v21 =	vld [tilespmem:s7+$0x70];
	v6 =	vshll.u32 v6, $0x10;
	v5 =	vadd.f32 v8, v62  }
0x357: {  	v23 =	vld [tilespmem:s29+$0xFFFFFFF0];
	[tilespmem:s15+$0xFFFFFFE0] =	vst v30;
	v6 =	vadd.f32 v6, v12;
	v27 =	vand.u32 $0xFFFF0000, v11  }
0x358: {  	v33 =	vld [tilespmem:s30+$0xFFFFFFF0];
	[tilespmem:s21+$0x60] =	vst v5;
	v5 =	vmul.f32 v27, v63  }
0x359: {  	v9 =	vld [tilespmem:s7+$0xFFFFFFF0];
	[tilespmem:s0+$0xFFFFFFE0] =	vst v6;
	v31 =	vshll.u32 v11, $0x10  }
0x35a: {  	v32 =	vld [tilespmem:s31+$0xFFFFFFF0];
	v5 =	vadd.f32 v31, v5  }
0x35b: {  	v22 =	vld.idx.msk [tilespmem:v13+s14+$0x0], $0xffff;
	v29 =	vadd.s32 v0, v21  }
0x35c: {  	v28 =	vld [tilespmem:s22+$0x70];
	[tilespmem:s21+$0xFFFFFFE0] =	vst v5  }
0x35d: {  	v8 =	vadd.s32 v0, v23;
	v35 =	vld [tilespmem:s22+$0xFFFFFFF0]  }
0x35e: {  	v36 =	vld [tilespmem:s9+$0x70];
	v9 =	vadd.s32 v0, v9  }
0x35f: {  	v45 =	vld [tilespmem:s9+$0xFFFFFFF0];
	v11 =	vadd.s32 v0, v32  }
0x360: {  	v6 =	vld.idx.msk [tilespmem:v29+s14+$0x0], $0xffff  }
0x361: {  	v38 =	vand.u32 $0xFFFF0000, v2;
	v37 =	vld [tilespmem:s2+$0xFFFFFFF0];
	v34 =	vadd.s32 v0, v28  }
0x362: {  	v1 =	vmul.f32 v38, v1;
	v8 =	vld.idx.msk [tilespmem:v8+s14+$0x0], $0xffff;
	v39 =	vadd.s32 v0, v35  }
0x363: {  	v42 =	vshll.u32 v2, $0x10;
	v43 =	vand.u32 $0xFFFF0000, v4;
	v9 =	vld.idx.msk [tilespmem:v9+s14+$0x0], $0xffff  }
0x364: {  	v1 =	vadd.f32 v42, v1;
	v40 =	vand.u32 $0xFFFF0000, v22;
	v3 =	vmul.f32 v43, v3;
	v11 =	vld.idx.msk [tilespmem:v11+s14+$0x0], $0xffff  }
0x365: {  	v4 =	vshll.u32 v4, $0x10;
	v12 =	vmul.f32 v40, v25;
	v46 =	vand.u32 $0xFFFF0000, v6;
	v41 =	vld [tilespmem:s10+$0x70]  }
0x366: {  	v3 =	vadd.f32 v4, v3;
	v44 =	vshll.u32 v22, $0x10;
	v47 =	vmul.f32 v46, v36;
	v5 =	vld.idx.msk [tilespmem:v34+s14+$0x0], $0xffff  }
0x367: {  	v2 =	vadd.f32 v44, v12;
	v6 =	vshll.u32 v6, $0x10;
	v48 =	vand.u32 $0xFFFF0000, v8;
	v0 =	vld.idx.msk [tilespmem:v39+s14+$0x0], $0xffff  }
0x368: {  	v51 =	vadd.f32 v6, v47;
	v59 =	vand.u32 $0xFFFF0000, v9;
	v50 =	vld [tilespmem:s10+$0xFFFFFFF0];
	v10 =	vmul.f32 v48, v33  }
0x369: {  	[tilespmem:s25+$0xFFFFFFF0] =	vst v1;
	v62 =	vshll.u32 v9, $0x10;
	v52 =	vshll.u32 v8, $0x10;
	v56 =	vand.u32 $0xFFFF0000, v11  }
0x36a: {  	[tilespmem:s26+$0xFFFFFFF0] =	vst v3;
	v60 =	vshll.u32 v11, $0x10;
	v58 =	vmul.f32 v56, v37;
	v54 =	vadd.f32 v52, v10  }
0x36b: {  	[tilespmem:s0+$0x70] =	vst v2;
	v49 =	vand.u32 $0xFFFF0000, v5;
	v55 =	vshll.u32 v5, $0x10;
	v5 =	vmul.f32 v59, v45  }
0x36c: {  	[tilespmem:s15+$0x70] =	vst v51;
	v1 =	vadd.f32 v60, v58;
	v53 =	vmul.f32 v49, v41;
	v61 =	vand.u32 $0xFFFF0000, v0  }
0x36d: {  	[tilespmem:s28+$0xFFFFFFF0] =	vst v54;
	v2 =	vadd.f32 v62, v5;
	v63 =	vmul.f32 v61, v50  }
.Ltmp4:
0x36e: {  	s2 =	sshll.u32 s8, $0xE;
	[tilespmem:s0+$0xFFFFFFF0] =	vst v1;
	v57 =	vadd.f32 v55, v53;
	v0 =	vshll.u32 v0, $0x10;
	(pc) =	sbr.rel @p1 .LBB2_8-.Ltmp4, $4  }
0x36f: {  	s31 =	sor.u32 s5, s2;
	[tilespmem:s15+$0xFFFFFFF0] =	vst v2;
	v0 =	vadd.f32 v0, v63  }
0x370: {  	s0 =	sshrl.u32 s31, $0x3;
	[tilespmem:s21+$0x70] =	vst v57  }
0x371: {  	s0 =	sadd.s32 s3, s0;
	[tilespmem:s21+$0xFFFFFFF0] =	vst v0  }
0x372: {  	[hbm4b:s0+s4] =	stream.linear.scatter [tilespmem:s20], [sflag:$0x4], $0x4000, $0x38;
	[tilespmem:$0x18000] =	vst v63  }
.Ltmp5:
0x373: {  	(pc) =	sbr.rel .LBB2_2-.Ltmp5, $4  }
0x374: {  	s0 =	sadd.s32 s2, s11  }
0x375: {  	s0 =	sshrl.u32 s0, $0x3  }
0x376: {  	s31 =	simm.s32 $0xC000;
	s24 =	sadd.s32 $0x1, s24;
	s0 =	sadd.s32 s1, s0  }
0x377: {  	[tilespmem:s31], [sflag:$0x2] =	stream.linear.gather [hbm4b:s0+s4], $0x4000, $0x38;
	[tilespmem:$0x18000] =	vst v63  }
.LBB2_9:
0x378: {  	_ =	sfence.sel $0x180000  }
0x379: {  	[bflag:$0x0] =	sbarrier.arrive $0xFFFF  }
0x37a: {  	_ =	strace $0x9000004A  }
0x37b: {  	s0 =	stileid.u32;
	[bflag:$0x2] =	sbarrier.arrive $0xFFFF  }
0x37c: {  	p0 =	sne.s32 s0, $0x0;
	s0 =	rddreg [dreg:$0x4]  }
0x37d: {  	s0 =	sadd.s32 @!p0 $0x100000, s0  }
0x37e: {  	[sflag:s0] =	ssyncadd.tile.s32 @!p0 $0x1;
	_ =	shalt  }
.Lfunc_end2:
_tile_overlayer_lowered:
.L_overlay_start_2:
0x37f: {  	(tag) =	ssettag $0x2  }
0x380: {  	s0 =	rddreg [dreg:$0x0];
	s2 =	stileid.u32  }
0x381: {  	s1 =	rddreg [dreg:$0x1];
	p0 =	sne.s32 s2, $0x0  }
0x382: {  	s3 =	rddreg [dreg:$0x2];
	[bflag:$0x3] =	sbarrier.arrive $0xFFFF;
	s2 =	simm.s32 @!p0 $0x1C05  }
0x383: {  	[timem:s3], [sflag:s2] =	dma.local @!p0 [hbm:s0], s1  }
0x384: {  	s0 =	simm.s32 @!p0 $0x5  }
0x385: {  	_ =	swait.ge @!p0 [sflag:s0], s1  }
0x386: {  	s1 =	ssub.s32 @!p0 $0x0, s1;
	[sflag:s0] =	ssyncset.done @!p0 $0x0  }
0x387: {  	[sflag:s0] =	ssyncadd.s32 @!p0 s1  }
0x388: {  	[bflag:$0x3] =	sbarrier.arrive $0xFFFF  }
0x389: {  	_ =	shalt  }

</sc_bundles>
